<compile_context>
chip_gen: v7x
topology: tpu7x:2x2x1
jax: 0.10.2.dev20260603
libtpu: 0.0.44.dev20260713+nightly
codegen_flags: <defaults>
</compile_context>

<pallas_src>
import dataclasses
import functools

import jax
import jax.numpy as jnp
from jax import lax
from jax.experimental import pallas as pl
from jax.experimental.pallas import tpu as pltpu
from jax.experimental.pallas import tpu_sc as plsc

_AH = 7
_AW = 7
_PTS = _AH * _AW
_N = 1000
_C = 256
_SIDES = (128, 64, 32, 16)
_SCALES = (0.25, 0.125, 0.0625, 0.03125)
_REF_AREAS = (1024.0, 4096.0, 16384.0, 65536.0)
_LVL_OFF = (0, 32768, 40960, 43008)
_ROWS = 43520
_NQ = _N * _PTS
_NP = 49152
_PREP_R = 384
_PREP_C = 128

_NW = 32
_PER_W = _NP // _NW
_G = 48
_NCH = _PER_W // _G


def _prep_body(x1r, y1r, x2r, y2r, br,
               i0, i1, i2, i3, w0, w1, w2, w3):
    x1 = x1r[...]
    y1 = y1r[...]
    x2 = x2r[...]
    y2 = y2r[...]
    b = br[...]
    rows = lax.broadcasted_iota(jnp.int32, (_PREP_R, _PREP_C), 0)
    cols = lax.broadcasted_iota(jnp.int32, (_PREP_R, _PREP_C), 1)
    q = rows * _PREP_C + cols
    p = q % _PTS
    py = p // _AW
    px = p % _AW

    area = (x2 - x1 + 1.0) * (y2 - y1 + 1.0)
    lvl = jnp.zeros_like(q)
    best = jnp.abs(jnp.log(jnp.sqrt(area / _REF_AREAS[0])) / 0.6931472)
    for l in range(1, 4):
        v = jnp.abs(jnp.log(jnp.sqrt(area / _REF_AREAS[l])) / 0.6931472)
        upd = v < best
        lvl = jnp.where(upd, l, lvl)
        best = jnp.where(upd, v, best)

    def sel_f(vals):
        return jnp.where(lvl == 0, vals[0],
                         jnp.where(lvl == 1, vals[1],
                                   jnp.where(lvl == 2, vals[2], vals[3])))

    scale = sel_f([jnp.float32(s) for s in _SCALES])
    side_f = sel_f([jnp.float32(s) for s in _SIDES])
    side_i = sel_f([jnp.int32(s) for s in _SIDES])
    off = sel_f([jnp.int32(s) for s in _LVL_OFF])
    hw = side_i * side_i

    x1s = x1 * scale
    y1s = y1 * scale
    x2s = x2 * scale
    y2s = y2 * scale
    roi_w = jnp.maximum(x2s - x1s, 1.0)
    roi_h = jnp.maximum(y2s - y1s, 1.0)
    bin_w = roi_w / _AW
    bin_h = roi_h / _AH
    sx = x1s + bin_w * (px.astype(jnp.float32) + 0.5)
    sy = y1s + bin_h * (py.astype(jnp.float32) + 0.5)
    valid = (sy > -1.0) & (sy < side_f) & (sx > -1.0) & (sx < side_f)
    yc = jnp.clip(sy, 0.0, side_f - 1.0)
    xc = jnp.clip(sx, 0.0, side_f - 1.0)
    y0f = jnp.floor(yc)
    x0f = jnp.floor(xc)
    y0 = y0f.astype(jnp.int32)
    x0 = x0f.astype(jnp.int32)
    y1i = jnp.minimum(y0 + 1, side_i - 1)
    x1i = jnp.minimum(x0 + 1, side_i - 1)
    ly = yc - y0f
    lx = xc - x0f
    hy = 1.0 - ly
    hx = 1.0 - lx
    vm = (valid & (q < _NQ)).astype(jnp.float32)

    w0[...] = hy * hx * vm
    w1[...] = hy * lx * vm
    w2[...] = ly * hx * vm
    w3[...] = ly * lx * vm
    rb = off + b * hw
    i0[...] = rb + y0 * side_i + x0
    i1[...] = rb + y0 * side_i + x1i
    i2[...] = rb + y1i * side_i + x0
    i3[...] = rb + y1i * side_i + x1i


def _prep_call(x1r, y1r, x2r, y2r, br):
    i32 = jax.ShapeDtypeStruct((_PREP_R, _PREP_C), jnp.int32)
    f32 = jax.ShapeDtypeStruct((_PREP_R, _PREP_C), jnp.float32)
    return pl.pallas_call(
        _prep_body,
        out_shape=[i32, i32, i32, i32, f32, f32, f32, f32],
    )(x1r, y1r, x2r, y2r, br)


def _sc_body(tab, i0, i1, i2, i3, w0, w1, w2, w3, out,
             iv0, iv1, iv2, iv3, wv0, wv1, wv2, wv3,
             ra0, ra1, ra2, ra3, rb0, rb1, rb2, rb3, acc,
             gs0, gs1, ss):
    wid = lax.axis_index("s") * 2 + lax.axis_index("c")
    base = wid * _PER_W
    sl = pl.ds(base, _PER_W)
    cps = [
        pltpu.async_copy(i0.at[sl], iv0, gs0),
        pltpu.async_copy(i1.at[sl], iv1, gs0),
        pltpu.async_copy(i2.at[sl], iv2, gs0),
        pltpu.async_copy(i3.at[sl], iv3, gs0),
        pltpu.async_copy(w0.at[sl], wv0, gs0),
        pltpu.async_copy(w1.at[sl], wv1, gs0),
        pltpu.async_copy(w2.at[sl], wv2, gs0),
        pltpu.async_copy(w3.at[sl], wv3, gs0),
    ]
    for cp in cps:
        cp.wait()

    ivs = (iv0, iv1, iv2, iv3)
    rsets = ((ra0, ra1, ra2, ra3), (rb0, rb1, rb2, rb3))
    gsems = (gs0, gs1)

    def gathers(cc, k):
        off = cc * _G
        return [pltpu.make_async_copy(tab.at[iv.at[pl.ds(off, _G)]], r,
                                      gsems[k])
                for iv, r in zip(ivs, rsets[k])]

    def store(cc):
        return pltpu.make_async_copy(acc, out.at[pl.ds(base + cc * _G, _G)],
                                     ss)

    for g in gathers(0, 0):
        g.start()
    for g in gathers(1, 1):
        g.start()

    @pl.loop(0, _NCH, step=2)
    def _pair(c):
        for k in (0, 1):
            cc = c + k
            rs = rsets[k]
            for g in gathers(cc, k):
                g.wait()

            @pl.when(cc > 0)
            def _():
                store(cc).wait()

            off = cc * _G

            @plsc.parallel_loop(0, _G, unroll=2)
            def _pt(i):
                qi = jnp.full((16,), off + i, dtype=jnp.int32)
                a0 = plsc.load_gather(wv0, [qi])
                a1 = plsc.load_gather(wv1, [qi])
                a2 = plsc.load_gather(wv2, [qi])
                a3 = plsc.load_gather(wv3, [qi])
                for j in range(_C // 16):
                    cs = pl.ds(16 * j, 16)
                    acc[i, cs] = ((a0 * rs[0][i, cs] + a1 * rs[1][i, cs])
                                  + a2 * rs[2][i, cs] + a3 * rs[3][i, cs])

            store(cc).start()

            @pl.when(cc + 2 < _NCH)
            def _():
                for g in gathers(cc + 2, k):
                    g.start()

    store(_NCH - 1).wait()


def _sc_call(table, i0, i1, i2, i3, w0, w1, w2, w3):
    cp = pltpu.CompilerParams()
    if "needs_layout_passes" in pltpu.CompilerParams.__dataclass_fields__:
        cp = dataclasses.replace(cp, needs_layout_passes=False)
    mesh = plsc.VectorSubcoreMesh(core_axis_name="c", subcore_axis_name="s")
    run = functools.partial(
        pl.kernel,
        out_type=jax.ShapeDtypeStruct((_NP, _C), jnp.float32),
        mesh=mesh,
        compiler_params=cp,
        scratch_types=(
            [pltpu.VMEM((_PER_W,), jnp.int32)] * 4
            + [pltpu.VMEM((_PER_W,), jnp.float32)] * 4
            + [pltpu.VMEM((_G, _C), jnp.float32)] * 9
            + [pltpu.SemaphoreType.DMA] * 3
        ),
    )(_sc_body)
    return run(table, i0, i1, i2, i3, w0, w1, w2, w3)


def _expand(col):
    e = jnp.repeat(col, _PTS)
    e = jnp.concatenate([e, jnp.zeros((_NP - _NQ,), e.dtype)])
    return e.reshape(_PREP_R, _PREP_C)


def kernel(feat0, feat1, feat2, feat3, bboxes, batch_inds):
    feats = (feat0, feat1, feat2, feat3)
    table = jnp.concatenate(
        [jnp.transpose(f, (0, 2, 3, 1)).reshape(-1, _C) for f in feats], axis=0)

    bi = batch_inds.astype(jnp.int32)
    x1r = _expand(bboxes[:, 0])
    y1r = _expand(bboxes[:, 1])
    x2r = _expand(bboxes[:, 2])
    y2r = _expand(bboxes[:, 3])
    br = _expand(bi)

    i0, i1, i2, i3, w0, w1, w2, w3 = _prep_call(x1r, y1r, x2r, y2r, br)
    flat = lambda a: a.reshape(_NP)
    rows = _sc_call(table, flat(i0), flat(i1), flat(i2), flat(i3),
                    flat(w0), flat(w1), flat(w2), flat(w3))
    out = rows[:_NQ].reshape(_N, _PTS, _C).transpose(0, 2, 1)
    return out.reshape(_N, _C, _AH, _AW)

# --- scband reference (transcript-rebuilt; emitter-appended) ---
"""Pipeline reference for scband-pyramid-ro-ialign-68796786147714 (READ-ONLY COPY).

The authoritative reference and input builder live on the scoring server;
editing this copy changes nothing except your own understanding.
"""

import jax, jax.numpy as jnp
import numpy as np

# cfg assumptions (standard 4-level FPN): strides [4,8,16,32],
# mean(anchor_scales)*anchor_base per level = [32,64,128,256] -> ref_areas = side**2
STRIDES = (4, 8, 16, 32)
SPATIAL_SCALES = tuple(1.0 / s for s in STRIDES)
REF_AREAS = np.asarray([32.0, 64.0, 128.0, 256.0], dtype=np.float32) ** 2
AH = 7
AW = 7


def _roi_align(feat, bboxes, batch_inds, scale):
    # feat: [B, C, H, W]; bboxes: [N, 4] (x1,y1,x2,y2 in image coords); batch_inds: [N]
    B, C, H, W = feat.shape
    N = bboxes.shape[0]
    featT = jnp.transpose(feat, (0, 2, 3, 1))  # [B, H, W, C]
    x1 = bboxes[:, 0] * scale
    y1 = bboxes[:, 1] * scale
    x2 = bboxes[:, 2] * scale
    y2 = bboxes[:, 3] * scale
    roi_w = jnp.maximum(x2 - x1, 1.0)
    roi_h = jnp.maximum(y2 - y1, 1.0)
    bin_w = roi_w / AW
    bin_h = roi_h / AH
    gx = jnp.arange(AW, dtype=jnp.float32) + 0.5
    gy = jnp.arange(AH, dtype=jnp.float32) + 0.5
    sx = x1[:, None] + bin_w[:, None] * gx[None, :]  # [N, AW]
    sy = y1[:, None] + bin_h[:, None] * gy[None, :]  # [N, AH]
    xx = jnp.broadcast_to(sx[:, None, :], (N, AH, AW)).reshape(N, AH * AW)
    yy = jnp.broadcast_to(sy[:, :, None], (N, AH, AW)).reshape(N, AH * AW)
    valid = (yy > -1.0) & (yy < H) & (xx > -1.0) & (xx < W)
    y = jnp.clip(yy, 0.0, H - 1)
    x = jnp.clip(xx, 0.0, W - 1)
    y0f = jnp.floor(y)
    x0f = jnp.floor(x)
    y0 = y0f.astype(jnp.int32)
    x0 = x0f.astype(jnp.int32)
    y1i = jnp.minimum(y0 + 1, H - 1)
    x1i = jnp.minimum(x0 + 1, W - 1)
    ly = y - y0f
    lx = x - x0f
    hy = 1.0 - ly
    hx = 1.0 - lx
    b = batch_inds.astype(jnp.int32)[:, None]  # [N, 1] broadcasts against [N, S]
    v00 = featT[b, y0, x0]
    v01 = featT[b, y0, x1i]
    v10 = featT[b, y1i, x0]
    v11 = featT[b, y1i, x1i]
    val = ((hy * hx)[..., None] * v00 + (hy * lx)[..., None] * v01
           + (ly * hx)[..., None] * v10 + (ly * lx)[..., None] * v11)
    val = val * valid[..., None].astype(val.dtype)
    return val.reshape(N, AH, AW, C).transpose(0, 3, 1, 2)  # [N, C, AH, AW]


def _forward(feats, bboxes, batch_inds):
    # level assignment per roi (FPN heuristic used by the torch module)
    areas = (bboxes[:, 2] - bboxes[:, 0] + 1.0) * (bboxes[:, 3] - bboxes[:, 1] + 1.0)
    ratios = areas[:, None] / jnp.asarray(REF_AREAS)
    log_ratios = jnp.abs(jnp.log(jnp.sqrt(ratios)) / 0.6931472)
    levels = jnp.argmin(log_ratios, axis=1)
    N = bboxes.shape[0]
    C = feats[0].shape[1]
    out = jnp.zeros((N, C, AH, AW), dtype=jnp.float32)
    for l in range(len(feats)):
        f = _roi_align(feats[l], bboxes, batch_inds, SPATIAL_SCALES[l])
        out = out + jnp.where((levels == l)[:, None, None, None], f, jnp.zeros((), f.dtype))
    # original code scatters per-level results back to original roi order;
    # computing per-roi with a level mask yields the same ordering directly.
    return out


def setup_inputs(seed: int = 0):
    key = jax.random.key(seed)
    ks = jax.random.split(key, 9)
    B, C, img, N = 2, 256, 512, 1000
    inp = {}
    for i, s in enumerate(STRIDES):
        inp['feat%d' % i] = jax.random.normal(ks[i], (B, C, img // s, img // s), dtype=jnp.float32)
    x1 = jax.random.uniform(ks[4], (N,), dtype=jnp.float32) * 380.0
    y1 = jax.random.uniform(ks[5], (N,), dtype=jnp.float32) * 380.0
    w = 16.0 + jax.random.uniform(ks[6], (N,), dtype=jnp.float32) * 380.0
    h = 16.0 + jax.random.uniform(ks[7], (N,), dtype=jnp.float32) * 380.0
    bboxes = jnp.stack([x1, y1, jnp.minimum(x1 + w, img - 1.0), jnp.minimum(y1 + h, img - 1.0)], axis=1)
    inp['bboxes'] = bboxes
    inp['batch_inds'] = jax.random.randint(ks[8], (N,), 0, B)
    return inp


def reference(feat0, feat1, feat2, feat3, bboxes, batch_inds):
    return _forward([feat0, feat1, feat2, feat3], bboxes, batch_inds)

if __name__ == "__main__":
    import jax
    _d = setup_inputs()
    print(jax.jit(kernel)(*tuple(_d.values())))

</pallas_src>

<mosaic_0001>
#map = affine_map<(d0, d1) -> (0, 0)>
#map1 = affine_map<(d0, d1) -> (0)>
module attributes {stable_mosaic.version = 14 : i64} {
  func.func @_sc_body(%arg0: i32, %arg1: i32, %arg2: memref<43520x256xf32, #tpu.memory_space<hbm>>, %arg3: memref<49152xi32, #tpu.memory_space<hbm>>, %arg4: memref<49152xi32, #tpu.memory_space<hbm>>, %arg5: memref<49152xi32, #tpu.memory_space<hbm>>, %arg6: memref<49152xi32, #tpu.memory_space<hbm>>, %arg7: memref<49152xf32, #tpu.memory_space<hbm>>, %arg8: memref<49152xf32, #tpu.memory_space<hbm>>, %arg9: memref<49152xf32, #tpu.memory_space<hbm>>, %arg10: memref<49152xf32, #tpu.memory_space<hbm>>, %arg11: memref<49152x256xf32, #tpu.memory_space<hbm>>, %arg12: memref<1536xi32, #tpu.memory_space<vmem>>, %arg13: memref<1536xi32, #tpu.memory_space<vmem>>, %arg14: memref<1536xi32, #tpu.memory_space<vmem>>, %arg15: memref<1536xi32, #tpu.memory_space<vmem>>, %arg16: memref<1536xf32, #tpu.memory_space<vmem>>, %arg17: memref<1536xf32, #tpu.memory_space<vmem>>, %arg18: memref<1536xf32, #tpu.memory_space<vmem>>, %arg19: memref<1536xf32, #tpu.memory_space<vmem>>, %arg20: memref<48x256xf32, #tpu.memory_space<vmem>>, %arg21: memref<48x256xf32, #tpu.memory_space<vmem>>, %arg22: memref<48x256xf32, #tpu.memory_space<vmem>>, %arg23: memref<48x256xf32, #tpu.memory_space<vmem>>, %arg24: memref<48x256xf32, #tpu.memory_space<vmem>>, %arg25: memref<48x256xf32, #tpu.memory_space<vmem>>, %arg26: memref<48x256xf32, #tpu.memory_space<vmem>>, %arg27: memref<48x256xf32, #tpu.memory_space<vmem>>, %arg28: memref<48x256xf32, #tpu.memory_space<vmem>>, %arg29: memref<!tpu.dma_semaphore, #tpu.memory_space<semaphore_mem>>, %arg30: memref<!tpu.dma_semaphore, #tpu.memory_space<semaphore_mem>>, %arg31: memref<!tpu.dma_semaphore, #tpu.memory_space<semaphore_mem>>) attributes {dimension_semantics = [#tpu.dimension_semantics<core_parallel>, #tpu.dimension_semantics<subcore_parallel>], iteration_bounds = array<i64: 2, 16>, scalar_prefetch = 0 : i64, scratch_operands = 20 : i64, tpu.core_type = #tpu.core_type<sc_vector_subcore>, window_params = [{transform_indices = #map}, {transform_indices = #map1}, {transform_indices = #map1}, {transform_indices = #map1}, {transform_indices = #map1}, {transform_indices = #map1}, {transform_indices = #map1}, {transform_indices = #map1}, {transform_indices = #map1}, {transform_indices = #map}]} {
    %mul3A = arith.constant 2 : i32
    %mul3A_0 = arith.muli %arg1, %mul3A : i32
    %add3A = arith.addi %mul3A_0, %arg0 : i32
    %mul3A_1 = arith.constant 1536 : i32
    %mul3A_2 = arith.muli %add3A, %mul3A_1 : i32
    %dma_start3A = tpu.memref_slice %arg3[%mul3A_2] : memref<49152xi32, #tpu.memory_space<hbm>> -> memref<1536xi32, #tpu.memory_space<hbm>>
    %dma_start3A_3 = tpu.memref_slice %arg3[%mul3A_2] : memref<49152xi32, #tpu.memory_space<hbm>> -> memref<1536xi32, #tpu.memory_space<hbm>>
    tpu.enqueue_dma source(%dma_start3A_3 : memref<1536xi32, #tpu.memory_space<hbm>>) target(%arg12 : memref<1536xi32, #tpu.memory_space<vmem>>) target_semaphore(%arg29 : memref<!tpu.dma_semaphore, #tpu.memory_space<semaphore_mem>>)
    %dma_start3A_4 = tpu.memref_slice %arg4[%mul3A_2] : memref<49152xi32, #tpu.memory_space<hbm>> -> memref<1536xi32, #tpu.memory_space<hbm>>
    %dma_start3A_5 = tpu.memref_slice %arg4[%mul3A_2] : memref<49152xi32, #tpu.memory_space<hbm>> -> memref<1536xi32, #tpu.memory_space<hbm>>
    tpu.enqueue_dma source(%dma_start3A_5 : memref<1536xi32, #tpu.memory_space<hbm>>) target(%arg13 : memref<1536xi32, #tpu.memory_space<vmem>>) target_semaphore(%arg29 : memref<!tpu.dma_semaphore, #tpu.memory_space<semaphore_mem>>)
    %dma_start3A_6 = tpu.memref_slice %arg5[%mul3A_2] : memref<49152xi32, #tpu.memory_space<hbm>> -> memref<1536xi32, #tpu.memory_space<hbm>>
    %dma_start3A_7 = tpu.memref_slice %arg5[%mul3A_2] : memref<49152xi32, #tpu.memory_space<hbm>> -> memref<1536xi32, #tpu.memory_space<hbm>>
    tpu.enqueue_dma source(%dma_start3A_7 : memref<1536xi32, #tpu.memory_space<hbm>>) target(%arg14 : memref<1536xi32, #tpu.memory_space<vmem>>) target_semaphore(%arg29 : memref<!tpu.dma_semaphore, #tpu.memory_space<semaphore_mem>>)
    %dma_start3A_8 = tpu.memref_slice %arg6[%mul3A_2] : memref<49152xi32, #tpu.memory_space<hbm>> -> memref<1536xi32, #tpu.memory_space<hbm>>
    %dma_start3A_9 = tpu.memref_slice %arg6[%mul3A_2] : memref<49152xi32, #tpu.memory_space<hbm>> -> memref<1536xi32, #tpu.memory_space<hbm>>
    tpu.enqueue_dma source(%dma_start3A_9 : memref<1536xi32, #tpu.memory_space<hbm>>) target(%arg15 : memref<1536xi32, #tpu.memory_space<vmem>>) target_semaphore(%arg29 : memref<!tpu.dma_semaphore, #tpu.memory_space<semaphore_mem>>)
    %dma_start3A_10 = tpu.memref_slice %arg7[%mul3A_2] : memref<49152xf32, #tpu.memory_space<hbm>> -> memref<1536xf32, #tpu.memory_space<hbm>>
    %dma_start3A_11 = tpu.memref_slice %arg7[%mul3A_2] : memref<49152xf32, #tpu.memory_space<hbm>> -> memref<1536xf32, #tpu.memory_space<hbm>>
    tpu.enqueue_dma source(%dma_start3A_11 : memref<1536xf32, #tpu.memory_space<hbm>>) target(%arg16 : memref<1536xf32, #tpu.memory_space<vmem>>) target_semaphore(%arg29 : memref<!tpu.dma_semaphore, #tpu.memory_space<semaphore_mem>>)
    %dma_start3A_12 = tpu.memref_slice %arg8[%mul3A_2] : memref<49152xf32, #tpu.memory_space<hbm>> -> memref<1536xf32, #tpu.memory_space<hbm>>
    %dma_start3A_13 = tpu.memref_slice %arg8[%mul3A_2] : memref<49152xf32, #tpu.memory_space<hbm>> -> memref<1536xf32, #tpu.memory_space<hbm>>
    tpu.enqueue_dma source(%dma_start3A_13 : memref<1536xf32, #tpu.memory_space<hbm>>) target(%arg17 : memref<1536xf32, #tpu.memory_space<vmem>>) target_semaphore(%arg29 : memref<!tpu.dma_semaphore, #tpu.memory_space<semaphore_mem>>)
    %dma_start3A_14 = tpu.memref_slice %arg9[%mul3A_2] : memref<49152xf32, #tpu.memory_space<hbm>> -> memref<1536xf32, #tpu.memory_space<hbm>>
    %dma_start3A_15 = tpu.memref_slice %arg9[%mul3A_2] : memref<49152xf32, #tpu.memory_space<hbm>> -> memref<1536xf32, #tpu.memory_space<hbm>>
    tpu.enqueue_dma source(%dma_start3A_15 : memref<1536xf32, #tpu.memory_space<hbm>>) target(%arg18 : memref<1536xf32, #tpu.memory_space<vmem>>) target_semaphore(%arg29 : memref<!tpu.dma_semaphore, #tpu.memory_space<semaphore_mem>>)
    %dma_start3A_16 = tpu.memref_slice %arg10[%mul3A_2] : memref<49152xf32, #tpu.memory_space<hbm>> -> memref<1536xf32, #tpu.memory_space<hbm>>
    %dma_start3A_17 = tpu.memref_slice %arg10[%mul3A_2] : memref<49152xf32, #tpu.memory_space<hbm>> -> memref<1536xf32, #tpu.memory_space<hbm>>
    tpu.enqueue_dma source(%dma_start3A_17 : memref<1536xf32, #tpu.memory_space<hbm>>) target(%arg19 : memref<1536xf32, #tpu.memory_space<vmem>>) target_semaphore(%arg29 : memref<!tpu.dma_semaphore, #tpu.memory_space<semaphore_mem>>)
    %dma_wait3A = tpu.memref_slice %arg3[%mul3A_2] : memref<49152xi32, #tpu.memory_space<hbm>> -> memref<1536xi32, #tpu.memory_space<hbm>>
    %dma_wait3A_18 = tpu.memref_slice %arg3[%mul3A_2] : memref<49152xi32, #tpu.memory_space<hbm>> -> memref<1536xi32, #tpu.memory_space<hbm>>
    tpu.wait_dma2 semaphore(%arg29 : memref<!tpu.dma_semaphore, #tpu.memory_space<semaphore_mem>>) src(%dma_wait3A_18 : memref<1536xi32, #tpu.memory_space<hbm>>) dst(%arg12 : memref<1536xi32, #tpu.memory_space<vmem>>)
    %dma_wait3A_19 = tpu.memref_slice %arg4[%mul3A_2] : memref<49152xi32, #tpu.memory_space<hbm>> -> memref<1536xi32, #tpu.memory_space<hbm>>
    %dma_wait3A_20 = tpu.memref_slice %arg4[%mul3A_2] : memref<49152xi32, #tpu.memory_space<hbm>> -> memref<1536xi32, #tpu.memory_space<hbm>>
    tpu.wait_dma2 semaphore(%arg29 : memref<!tpu.dma_semaphore, #tpu.memory_space<semaphore_mem>>) src(%dma_wait3A_20 : memref<1536xi32, #tpu.memory_space<hbm>>) dst(%arg13 : memref<1536xi32, #tpu.memory_space<vmem>>)
    %dma_wait3A_21 = tpu.memref_slice %arg5[%mul3A_2] : memref<49152xi32, #tpu.memory_space<hbm>> -> memref<1536xi32, #tpu.memory_space<hbm>>
    %dma_wait3A_22 = tpu.memref_slice %arg5[%mul3A_2] : memref<49152xi32, #tpu.memory_space<hbm>> -> memref<1536xi32, #tpu.memory_space<hbm>>
    tpu.wait_dma2 semaphore(%arg29 : memref<!tpu.dma_semaphore, #tpu.memory_space<semaphore_mem>>) src(%dma_wait3A_22 : memref<1536xi32, #tpu.memory_space<hbm>>) dst(%arg14 : memref<1536xi32, #tpu.memory_space<vmem>>)
    %dma_wait3A_23 = tpu.memref_slice %arg6[%mul3A_2] : memref<49152xi32, #tpu.memory_space<hbm>> -> memref<1536xi32, #tpu.memory_space<hbm>>
    %dma_wait3A_24 = tpu.memref_slice %arg6[%mul3A_2] : memref<49152xi32, #tpu.memory_space<hbm>> -> memref<1536xi32, #tpu.memory_space<hbm>>
    tpu.wait_dma2 semaphore(%arg29 : memref<!tpu.dma_semaphore, #tpu.memory_space<semaphore_mem>>) src(%dma_wait3A_24 : memref<1536xi32, #tpu.memory_space<hbm>>) dst(%arg15 : memref<1536xi32, #tpu.memory_space<vmem>>)
    %dma_wait3A_25 = tpu.memref_slice %arg7[%mul3A_2] : memref<49152xf32, #tpu.memory_space<hbm>> -> memref<1536xf32, #tpu.memory_space<hbm>>
    %dma_wait3A_26 = tpu.memref_slice %arg7[%mul3A_2] : memref<49152xf32, #tpu.memory_space<hbm>> -> memref<1536xf32, #tpu.memory_space<hbm>>
    tpu.wait_dma2 semaphore(%arg29 : memref<!tpu.dma_semaphore, #tpu.memory_space<semaphore_mem>>) src(%dma_wait3A_26 : memref<1536xf32, #tpu.memory_space<hbm>>) dst(%arg16 : memref<1536xf32, #tpu.memory_space<vmem>>)
    %dma_wait3A_27 = tpu.memref_slice %arg8[%mul3A_2] : memref<49152xf32, #tpu.memory_space<hbm>> -> memref<1536xf32, #tpu.memory_space<hbm>>
    %dma_wait3A_28 = tpu.memref_slice %arg8[%mul3A_2] : memref<49152xf32, #tpu.memory_space<hbm>> -> memref<1536xf32, #tpu.memory_space<hbm>>
    tpu.wait_dma2 semaphore(%arg29 : memref<!tpu.dma_semaphore, #tpu.memory_space<semaphore_mem>>) src(%dma_wait3A_28 : memref<1536xf32, #tpu.memory_space<hbm>>) dst(%arg17 : memref<1536xf32, #tpu.memory_space<vmem>>)
    %dma_wait3A_29 = tpu.memref_slice %arg9[%mul3A_2] : memref<49152xf32, #tpu.memory_space<hbm>> -> memref<1536xf32, #tpu.memory_space<hbm>>
    %dma_wait3A_30 = tpu.memref_slice %arg9[%mul3A_2] : memref<49152xf32, #tpu.memory_space<hbm>> -> memref<1536xf32, #tpu.memory_space<hbm>>
    tpu.wait_dma2 semaphore(%arg29 : memref<!tpu.dma_semaphore, #tpu.memory_space<semaphore_mem>>) src(%dma_wait3A_30 : memref<1536xf32, #tpu.memory_space<hbm>>) dst(%arg18 : memref<1536xf32, #tpu.memory_space<vmem>>)
    %dma_wait3A_31 = tpu.memref_slice %arg10[%mul3A_2] : memref<49152xf32, #tpu.memory_space<hbm>> -> memref<1536xf32, #tpu.memory_space<hbm>>
    %dma_wait3A_32 = tpu.memref_slice %arg10[%mul3A_2] : memref<49152xf32, #tpu.memory_space<hbm>> -> memref<1536xf32, #tpu.memory_space<hbm>>
    tpu.wait_dma2 semaphore(%arg29 : memref<!tpu.dma_semaphore, #tpu.memory_space<semaphore_mem>>) src(%dma_wait3A_32 : memref<1536xf32, #tpu.memory_space<hbm>>) dst(%arg19 : memref<1536xf32, #tpu.memory_space<vmem>>)
    %dma_start3A_33 = arith.constant 0 : i32
    %dma_start3A_34 = tpu.memref_slice %arg12[%dma_start3A_33] : memref<1536xi32, #tpu.memory_space<vmem>> -> memref<48xi32, #tpu.memory_space<vmem>>
    %dma_start3A_35 = arith.constant 0 : i32
    %dma_start3A_36 = arith.constant 0 : i32
    %dma_start3A_37 = tpu.memref_slice %arg2[%dma_start3A_35, %dma_start3A_36] : memref<43520x256xf32, #tpu.memory_space<hbm>> -> memref<43520x256xf32, #tpu.memory_space<hbm>>
    tpu.enqueue_indirect_dma source(%dma_start3A_37 : memref<43520x256xf32, #tpu.memory_space<hbm>>) target(%arg20 : memref<48x256xf32, #tpu.memory_space<vmem>>) offsets(%dma_start3A_34 : memref<48xi32, #tpu.memory_space<vmem>>) semaphore(%arg29 : memref<!tpu.dma_semaphore, #tpu.memory_space<semaphore_mem>>)
    %dma_start3A_38 = arith.constant 0 : i32
    %dma_start3A_39 = tpu.memref_slice %arg13[%dma_start3A_38] : memref<1536xi32, #tpu.memory_space<vmem>> -> memref<48xi32, #tpu.memory_space<vmem>>
    %dma_start3A_40 = arith.constant 0 : i32
    %dma_start3A_41 = arith.constant 0 : i32
    %dma_start3A_42 = tpu.memref_slice %arg2[%dma_start3A_40, %dma_start3A_41] : memref<43520x256xf32, #tpu.memory_space<hbm>> -> memref<43520x256xf32, #tpu.memory_space<hbm>>
    tpu.enqueue_indirect_dma source(%dma_start3A_42 : memref<43520x256xf32, #tpu.memory_space<hbm>>) target(%arg21 : memref<48x256xf32, #tpu.memory_space<vmem>>) offsets(%dma_start3A_39 : memref<48xi32, #tpu.memory_space<vmem>>) semaphore(%arg29 : memref<!tpu.dma_semaphore, #tpu.memory_space<semaphore_mem>>)
    %dma_start3A_43 = arith.constant 0 : i32
    %dma_start3A_44 = tpu.memref_slice %arg14[%dma_start3A_43] : memref<1536xi32, #tpu.memory_space<vmem>> -> memref<48xi32, #tpu.memory_space<vmem>>
    %dma_start3A_45 = arith.constant 0 : i32
    %dma_start3A_46 = arith.constant 0 : i32
    %dma_start3A_47 = tpu.memref_slice %arg2[%dma_start3A_45, %dma_start3A_46] : memref<43520x256xf32, #tpu.memory_space<hbm>> -> memref<43520x256xf32, #tpu.memory_space<hbm>>
    tpu.enqueue_indirect_dma source(%dma_start3A_47 : memref<43520x256xf32, #tpu.memory_space<hbm>>) target(%arg22 : memref<48x256xf32, #tpu.memory_space<vmem>>) offsets(%dma_start3A_44 : memref<48xi32, #tpu.memory_space<vmem>>) semaphore(%arg29 : memref<!tpu.dma_semaphore, #tpu.memory_space<semaphore_mem>>)
    %dma_start3A_48 = arith.constant 0 : i32
    %dma_start3A_49 = tpu.memref_slice %arg15[%dma_start3A_48] : memref<1536xi32, #tpu.memory_space<vmem>> -> memref<48xi32, #tpu.memory_space<vmem>>
    %dma_start3A_50 = arith.constant 0 : i32
    %dma_start3A_51 = arith.constant 0 : i32
    %dma_start3A_52 = tpu.memref_slice %arg2[%dma_start3A_50, %dma_start3A_51] : memref<43520x256xf32, #tpu.memory_space<hbm>> -> memref<43520x256xf32, #tpu.memory_space<hbm>>
    tpu.enqueue_indirect_dma source(%dma_start3A_52 : memref<43520x256xf32, #tpu.memory_space<hbm>>) target(%arg23 : memref<48x256xf32, #tpu.memory_space<vmem>>) offsets(%dma_start3A_49 : memref<48xi32, #tpu.memory_space<vmem>>) semaphore(%arg29 : memref<!tpu.dma_semaphore, #tpu.memory_space<semaphore_mem>>)
    %dma_start3A_53 = arith.constant 48 : i32
    %dma_start3A_54 = tpu.memref_slice %arg12[%dma_start3A_53] : memref<1536xi32, #tpu.memory_space<vmem>> -> memref<48xi32, #tpu.memory_space<vmem>>
    %dma_start3A_55 = arith.constant 0 : i32
    %dma_start3A_56 = arith.constant 0 : i32
    %dma_start3A_57 = tpu.memref_slice %arg2[%dma_start3A_55, %dma_start3A_56] : memref<43520x256xf32, #tpu.memory_space<hbm>> -> memref<43520x256xf32, #tpu.memory_space<hbm>>
    tpu.enqueue_indirect_dma source(%dma_start3A_57 : memref<43520x256xf32, #tpu.memory_space<hbm>>) target(%arg24 : memref<48x256xf32, #tpu.memory_space<vmem>>) offsets(%dma_start3A_54 : memref<48xi32, #tpu.memory_space<vmem>>) semaphore(%arg30 : memref<!tpu.dma_semaphore, #tpu.memory_space<semaphore_mem>>)
    %dma_start3A_58 = arith.constant 48 : i32
    %dma_start3A_59 = tpu.memref_slice %arg13[%dma_start3A_58] : memref<1536xi32, #tpu.memory_space<vmem>> -> memref<48xi32, #tpu.memory_space<vmem>>
    %dma_start3A_60 = arith.constant 0 : i32
    %dma_start3A_61 = arith.constant 0 : i32
    %dma_start3A_62 = tpu.memref_slice %arg2[%dma_start3A_60, %dma_start3A_61] : memref<43520x256xf32, #tpu.memory_space<hbm>> -> memref<43520x256xf32, #tpu.memory_space<hbm>>
    tpu.enqueue_indirect_dma source(%dma_start3A_62 : memref<43520x256xf32, #tpu.memory_space<hbm>>) target(%arg25 : memref<48x256xf32, #tpu.memory_space<vmem>>) offsets(%dma_start3A_59 : memref<48xi32, #tpu.memory_space<vmem>>) semaphore(%arg30 : memref<!tpu.dma_semaphore, #tpu.memory_space<semaphore_mem>>)
    %dma_start3A_63 = arith.constant 48 : i32
    %dma_start3A_64 = tpu.memref_slice %arg14[%dma_start3A_63] : memref<1536xi32, #tpu.memory_space<vmem>> -> memref<48xi32, #tpu.memory_space<vmem>>
    %dma_start3A_65 = arith.constant 0 : i32
    %dma_start3A_66 = arith.constant 0 : i32
    %dma_start3A_67 = tpu.memref_slice %arg2[%dma_start3A_65, %dma_start3A_66] : memref<43520x256xf32, #tpu.memory_space<hbm>> -> memref<43520x256xf32, #tpu.memory_space<hbm>>
    tpu.enqueue_indirect_dma source(%dma_start3A_67 : memref<43520x256xf32, #tpu.memory_space<hbm>>) target(%arg26 : memref<48x256xf32, #tpu.memory_space<vmem>>) offsets(%dma_start3A_64 : memref<48xi32, #tpu.memory_space<vmem>>) semaphore(%arg30 : memref<!tpu.dma_semaphore, #tpu.memory_space<semaphore_mem>>)
    %dma_start3A_68 = arith.constant 48 : i32
    %dma_start3A_69 = tpu.memref_slice %arg15[%dma_start3A_68] : memref<1536xi32, #tpu.memory_space<vmem>> -> memref<48xi32, #tpu.memory_space<vmem>>
    %dma_start3A_70 = arith.constant 0 : i32
    %dma_start3A_71 = arith.constant 0 : i32
    %dma_start3A_72 = tpu.memref_slice %arg2[%dma_start3A_70, %dma_start3A_71] : memref<43520x256xf32, #tpu.memory_space<hbm>> -> memref<43520x256xf32, #tpu.memory_space<hbm>>
    tpu.enqueue_indirect_dma source(%dma_start3A_72 : memref<43520x256xf32, #tpu.memory_space<hbm>>) target(%arg27 : memref<48x256xf32, #tpu.memory_space<vmem>>) offsets(%dma_start3A_69 : memref<48xi32, #tpu.memory_space<vmem>>) semaphore(%arg30 : memref<!tpu.dma_semaphore, #tpu.memory_space<semaphore_mem>>)
    %scan3A = arith.constant 0 : i32
    %scan3A_73 = arith.constant 16 : i32
    %scan3A_74 = arith.addi %scan3A, %scan3A_73 : i32
    %scan3A_75 = arith.constant 1 : i32
    scf.for %scan3A_83 = %scan3A to %scan3A_74 step %scan3A_75  : i32 {
      %mul3A_84 = arith.constant 2 : i32
      %mul3A_85 = arith.muli %scan3A_83, %mul3A_84 : i32
      %add3A_86 = arith.constant 0 : i32
      %add3A_87 = arith.addi %add3A_86, %mul3A_85 : i32
      %add3A_88 = arith.constant 0 : i32
      %add3A_89 = arith.addi %add3A_87, %add3A_88 : i32
      %mul3A_90 = arith.constant 48 : i32
      %mul3A_91 = arith.muli %add3A_89, %mul3A_90 : i32
      %dma_wait3A_92 = tpu.memref_slice %arg12[%mul3A_91] : memref<1536xi32, #tpu.memory_space<vmem>> -> memref<48xi32, #tpu.memory_space<vmem>>
      %dma_wait3A_93 = arith.constant 0 : i32
      %dma_wait3A_94 = arith.constant 0 : i32
      %dma_wait3A_95 = tpu.memref_slice %arg2[%dma_wait3A_93, %dma_wait3A_94] : memref<43520x256xf32, #tpu.memory_space<hbm>> -> memref<43520x256xf32, #tpu.memory_space<hbm>>
      tpu.wait_indirect_dma semaphore(%arg29 : memref<!tpu.dma_semaphore, #tpu.memory_space<semaphore_mem>>) src(%dma_wait3A_95 : memref<43520x256xf32, #tpu.memory_space<hbm>>) dst(%arg20 : memref<48x256xf32, #tpu.memory_space<vmem>>)
      %dma_wait3A_96 = tpu.memref_slice %arg13[%mul3A_91] : memref<1536xi32, #tpu.memory_space<vmem>> -> memref<48xi32, #tpu.memory_space<vmem>>
      %dma_wait3A_97 = arith.constant 0 : i32
      %dma_wait3A_98 = arith.constant 0 : i32
      %dma_wait3A_99 = tpu.memref_slice %arg2[%dma_wait3A_97, %dma_wait3A_98] : memref<43520x256xf32, #tpu.memory_space<hbm>> -> memref<43520x256xf32, #tpu.memory_space<hbm>>
      tpu.wait_indirect_dma semaphore(%arg29 : memref<!tpu.dma_semaphore, #tpu.memory_space<semaphore_mem>>) src(%dma_wait3A_99 : memref<43520x256xf32, #tpu.memory_space<hbm>>) dst(%arg21 : memref<48x256xf32, #tpu.memory_space<vmem>>)
      %dma_wait3A_100 = tpu.memref_slice %arg14[%mul3A_91] : memref<1536xi32, #tpu.memory_space<vmem>> -> memref<48xi32, #tpu.memory_space<vmem>>
      %dma_wait3A_101 = arith.constant 0 : i32
      %dma_wait3A_102 = arith.constant 0 : i32
      %dma_wait3A_103 = tpu.memref_slice %arg2[%dma_wait3A_101, %dma_wait3A_102] : memref<43520x256xf32, #tpu.memory_space<hbm>> -> memref<43520x256xf32, #tpu.memory_space<hbm>>
      tpu.wait_indirect_dma semaphore(%arg29 : memref<!tpu.dma_semaphore, #tpu.memory_space<semaphore_mem>>) src(%dma_wait3A_103 : memref<43520x256xf32, #tpu.memory_space<hbm>>) dst(%arg22 : memref<48x256xf32, #tpu.memory_space<vmem>>)
      %dma_wait3A_104 = tpu.memref_slice %arg15[%mul3A_91] : memref<1536xi32, #tpu.memory_space<vmem>> -> memref<48xi32, #tpu.memory_space<vmem>>
      %dma_wait3A_105 = arith.constant 0 : i32
      %dma_wait3A_106 = arith.constant 0 : i32
      %dma_wait3A_107 = tpu.memref_slice %arg2[%dma_wait3A_105, %dma_wait3A_106] : memref<43520x256xf32, #tpu.memory_space<hbm>> -> memref<43520x256xf32, #tpu.memory_space<hbm>>
      tpu.wait_indirect_dma semaphore(%arg29 : memref<!tpu.dma_semaphore, #tpu.memory_space<semaphore_mem>>) src(%dma_wait3A_107 : memref<43520x256xf32, #tpu.memory_space<hbm>>) dst(%arg23 : memref<48x256xf32, #tpu.memory_space<vmem>>)
      %gt3A = arith.constant 0 : i32
      %gt3A_108 = arith.cmpi sgt, %add3A_89, %gt3A : i32
      %convert_element_type3A = arith.extui %gt3A_108 : i1 to i32
      %cond3A = arith.constant 0 : i32
      %cond3A_109 = arith.cmpi ne, %convert_element_type3A, %cond3A : i32
      scf.if %cond3A_109 {
        %mul3A_171 = arith.constant 48 : i32
        %mul3A_172 = arith.muli %add3A_89, %mul3A_171 : i32
        %add3A_173 = arith.addi %mul3A_2, %mul3A_172 : i32
        %dma_wait3A_174 = arith.constant 0 : i32
        %dma_wait3A_175 = tpu.memref_slice %arg11[%add3A_173, %dma_wait3A_174] : memref<49152x256xf32, #tpu.memory_space<hbm>> -> memref<48x256xf32, #tpu.memory_space<hbm>>
        %dma_wait3A_176 = arith.constant 0 : i32
        %dma_wait3A_177 = tpu.memref_slice %arg11[%add3A_173, %dma_wait3A_176] : memref<49152x256xf32, #tpu.memory_space<hbm>> -> memref<48x256xf32, #tpu.memory_space<hbm>>
        tpu.wait_dma2 semaphore(%arg31 : memref<!tpu.dma_semaphore, #tpu.memory_space<semaphore_mem>>) src(%arg28 : memref<48x256xf32, #tpu.memory_space<vmem>>) dst(%dma_wait3A_177 : memref<48x256xf32, #tpu.memory_space<hbm>>)
      } else {
      }
      %mul3A_110 = arith.constant 48 : i32
      %mul3A_111 = arith.muli %add3A_89, %mul3A_110 : i32
      %parallel_loop3A = arith.constant 0 : i32
      %parallel_loop3A_112 = arith.constant 48 : i32
      %parallel_loop3A_113 = arith.constant 1 : i32
      scf.for %parallel_loop3A_171 = %parallel_loop3A to %parallel_loop3A_112 step %parallel_loop3A_113  : i32 {
        %parallel_loop3A_172 = arith.addi %mul3A_111, %parallel_loop3A_171 : i32
        %parallel_loop3A_173 = vector.broadcast %parallel_loop3A_172 : i32 to vector<16xi32>
        %parallel_loop3A_174 = tpu.vector_load_idx %arg16[%parallel_loop3A_173] : memref<1536xf32, #tpu.memory_space<vmem>>[vector<16xi32>], vector<16xf32>,
        %parallel_loop3A_175 = tpu.vector_load_idx %arg17[%parallel_loop3A_173] : memref<1536xf32, #tpu.memory_space<vmem>>[vector<16xi32>], vector<16xf32>,
        %parallel_loop3A_176 = tpu.vector_load_idx %arg18[%parallel_loop3A_173] : memref<1536xf32, #tpu.memory_space<vmem>>[vector<16xi32>], vector<16xf32>,
        %parallel_loop3A_177 = tpu.vector_load_idx %arg19[%parallel_loop3A_173] : memref<1536xf32, #tpu.memory_space<vmem>>[vector<16xi32>], vector<16xf32>,
        %parallel_loop3A_178 = arith.index_cast %parallel_loop3A_171 : i32 to index
        %parallel_loop3A_179 = arith.constant 0 : index
        %parallel_loop3A_180 = tpu.vector_load %arg20[%parallel_loop3A_178, %parallel_loop3A_179] {strides = array<i32>} : memref<48x256xf32, #tpu.memory_space<vmem>>, vector<16xf32>,
        %parallel_loop3A_181 = arith.mulf %parallel_loop3A_174, %parallel_loop3A_180 : vector<16xf32>
        %parallel_loop3A_182 = arith.index_cast %parallel_loop3A_171 : i32 to index
        %parallel_loop3A_183 = arith.constant 0 : index
        %parallel_loop3A_184 = tpu.vector_load %arg21[%parallel_loop3A_182, %parallel_loop3A_183] {strides = array<i32>} : memref<48x256xf32, #tpu.memory_space<vmem>>, vector<16xf32>,
        %parallel_loop3A_185 = arith.mulf %parallel_loop3A_175, %parallel_loop3A_184 : vector<16xf32>
        %parallel_loop3A_186 = arith.addf %parallel_loop3A_181, %parallel_loop3A_185 : vector<16xf32>
        %parallel_loop3A_187 = arith.index_cast %parallel_loop3A_171 : i32 to index
        %parallel_loop3A_188 = arith.constant 0 : index
        %parallel_loop3A_189 = tpu.vector_load %arg22[%parallel_loop3A_187, %parallel_loop3A_188] {strides = array<i32>} : memref<48x256xf32, #tpu.memory_space<vmem>>, vector<16xf32>,
        %parallel_loop3A_190 = arith.mulf %parallel_loop3A_176, %parallel_loop3A_189 : vector<16xf32>
        %parallel_loop3A_191 = arith.addf %parallel_loop3A_186, %parallel_loop3A_190 : vector<16xf32>
        %parallel_loop3A_192 = arith.index_cast %parallel_loop3A_171 : i32 to index
        %parallel_loop3A_193 = arith.constant 0 : index
        %parallel_loop3A_194 = tpu.vector_load %arg23[%parallel_loop3A_192, %parallel_loop3A_193] {strides = array<i32>} : memref<48x256xf32, #tpu.memory_space<vmem>>, vector<16xf32>,
        %parallel_loop3A_195 = arith.mulf %parallel_loop3A_177, %parallel_loop3A_194 : vector<16xf32>
        %parallel_loop3A_196 = arith.addf %parallel_loop3A_191, %parallel_loop3A_195 : vector<16xf32>
        %parallel_loop3A_197 = arith.index_cast %parallel_loop3A_171 : i32 to index
        %parallel_loop3A_198 = arith.constant 0 : index
        %parallel_loop3A_199 = tpu.vector_load %arg28[%parallel_loop3A_197, %parallel_loop3A_198] {strides = array<i32>} : memref<48x256xf32, #tpu.memory_space<vmem>>, vector<16xf32>,
        tpu.vector_store %arg28[%parallel_loop3A_197, %parallel_loop3A_198], %parallel_loop3A_196 {strides = array<i32>} : memref<48x256xf32, #tpu.memory_space<vmem>>, vector<16xf32>,
        %parallel_loop3A_200 = arith.index_cast %parallel_loop3A_171 : i32 to index
        %parallel_loop3A_201 = arith.constant 16 : index
        %parallel_loop3A_202 = tpu.vector_load %arg20[%parallel_loop3A_200, %parallel_loop3A_201] {strides = array<i32>} : memref<48x256xf32, #tpu.memory_space<vmem>>, vector<16xf32>,
        %parallel_loop3A_203 = arith.mulf %parallel_loop3A_174, %parallel_loop3A_202 : vector<16xf32>
        %parallel_loop3A_204 = arith.index_cast %parallel_loop3A_171 : i32 to index
        %parallel_loop3A_205 = arith.constant 16 : index
        %parallel_loop3A_206 = tpu.vector_load %arg21[%parallel_loop3A_204, %parallel_loop3A_205] {strides = array<i32>} : memref<48x256xf32, #tpu.memory_space<vmem>>, vector<16xf32>,
        %parallel_loop3A_207 = arith.mulf %parallel_loop3A_175, %parallel_loop3A_206 : vector<16xf32>
        %parallel_loop3A_208 = arith.addf %parallel_loop3A_203, %parallel_loop3A_207 : vector<16xf32>
        %parallel_loop3A_209 = arith.index_cast %parallel_loop3A_171 : i32 to index
        %parallel_loop3A_210 = arith.constant 16 : index
        %parallel_loop3A_211 = tpu.vector_load %arg22[%parallel_loop3A_209, %parallel_loop3A_210] {strides = array<i32>} : memref<48x256xf32, #tpu.memory_space<vmem>>, vector<16xf32>,
        %parallel_loop3A_212 = arith.mulf %parallel_loop3A_176, %parallel_loop3A_211 : vector<16xf32>
        %parallel_loop3A_213 = arith.addf %parallel_loop3A_208, %parallel_loop3A_212 : vector<16xf32>
        %parallel_loop3A_214 = arith.index_cast %parallel_loop3A_171 : i32 to index
        %parallel_loop3A_215 = arith.constant 16 : index
        %parallel_loop3A_216 = tpu.vector_load %arg23[%parallel_loop3A_214, %parallel_loop3A_215] {strides = array<i32>} : memref<48x256xf32, #tpu.memory_space<vmem>>, vector<16xf32>,
        %parallel_loop3A_217 = arith.mulf %parallel_loop3A_177, %parallel_loop3A_216 : vector<16xf32>
        %parallel_loop3A_218 = arith.addf %parallel_loop3A_213, %parallel_loop3A_217 : vector<16xf32>
        %parallel_loop3A_219 = arith.index_cast %parallel_loop3A_171 : i32 to index
        %parallel_loop3A_220 = arith.constant 16 : index
        %parallel_loop3A_221 = tpu.vector_load %arg28[%parallel_loop3A_219, %parallel_loop3A_220] {strides = array<i32>} : memref<48x256xf32, #tpu.memory_space<vmem>>, vector<16xf32>,
        tpu.vector_store %arg28[%parallel_loop3A_219, %parallel_loop3A_220], %parallel_loop3A_218 {strides = array<i32>} : memref<48x256xf32, #tpu.memory_space<vmem>>, vector<16xf32>,
        %parallel_loop3A_222 = arith.index_cast %parallel_loop3A_171 : i32 to index
        %parallel_loop3A_223 = arith.constant 32 : index
        %parallel_loop3A_224 = tpu.vector_load %arg20[%parallel_loop3A_222, %parallel_loop3A_223] {strides = array<i32>} : memref<48x256xf32, #tpu.memory_space<vmem>>, vector<16xf32>,
        %parallel_loop3A_225 = arith.mulf %parallel_loop3A_174, %parallel_loop3A_224 : vector<16xf32>
        %parallel_loop3A_226 = arith.index_cast %parallel_loop3A_171 : i32 to index
        %parallel_loop3A_227 = arith.constant 32 : index
        %parallel_loop3A_228 = tpu.vector_load %arg21[%parallel_loop3A_226, %parallel_loop3A_227] {strides = array<i32>} : memref<48x256xf32, #tpu.memory_space<vmem>>, vector<16xf32>,
        %parallel_loop3A_229 = arith.mulf %parallel_loop3A_175, %parallel_loop3A_228 : vector<16xf32>
        %parallel_loop3A_230 = arith.addf %parallel_loop3A_225, %parallel_loop3A_229 : vector<16xf32>
        %parallel_loop3A_231 = arith.index_cast %parallel_loop3A_171 : i32 to index
        %parallel_loop3A_232 = arith.constant 32 : index
        %parallel_loop3A_233 = tpu.vector_load %arg22[%parallel_loop3A_231, %parallel_loop3A_232] {strides = array<i32>} : memref<48x256xf32, #tpu.memory_space<vmem>>, vector<16xf32>,
        %parallel_loop3A_234 = arith.mulf %parallel_loop3A_176, %parallel_loop3A_233 : vector<16xf32>
        %parallel_loop3A_235 = arith.addf %parallel_loop3A_230, %parallel_loop3A_234 : vector<16xf32>
        %parallel_loop3A_236 = arith.index_cast %parallel_loop3A_171 : i32 to index
        %parallel_loop3A_237 = arith.constant 32 : index
        %parallel_loop3A_238 = tpu.vector_load %arg23[%parallel_loop3A_236, %parallel_loop3A_237] {strides = array<i32>} : memref<48x256xf32, #tpu.memory_space<vmem>>, vector<16xf32>,
        %parallel_loop3A_239 = arith.mulf %parallel_loop3A_177, %parallel_loop3A_238 : vector<16xf32>
        %parallel_loop3A_240 = arith.addf %parallel_loop3A_235, %parallel_loop3A_239 : vector<16xf32>
        %parallel_loop3A_241 = arith.index_cast %parallel_loop3A_171 : i32 to index
        %parallel_loop3A_242 = arith.constant 32 : index
        %parallel_loop3A_243 = tpu.vector_load %arg28[%parallel_loop3A_241, %parallel_loop3A_242] {strides = array<i32>} : memref<48x256xf32, #tpu.memory_space<vmem>>, vector<16xf32>,
        tpu.vector_store %arg28[%parallel_loop3A_241, %parallel_loop3A_242], %parallel_loop3A_240 {strides = array<i32>} : memref<48x256xf32, #tpu.memory_space<vmem>>, vector<16xf32>,
        %parallel_loop3A_244 = arith.index_cast %parallel_loop3A_171 : i32 to index
        %parallel_loop3A_245 = arith.constant 48 : index
        %parallel_loop3A_246 = tpu.vector_load %arg20[%parallel_loop3A_244, %parallel_loop3A_245] {strides = array<i32>} : memref<48x256xf32, #tpu.memory_space<vmem>>, vector<16xf32>,
        %parallel_loop3A_247 = arith.mulf %parallel_loop3A_174, %parallel_loop3A_246 : vector<16xf32>
        %parallel_loop3A_248 = arith.index_cast %parallel_loop3A_171 : i32 to index
        %parallel_loop3A_249 = arith.constant 48 : index
        %parallel_loop3A_250 = tpu.vector_load %arg21[%parallel_loop3A_248, %parallel_loop3A_249] {strides = array<i32>} : memref<48x256xf32, #tpu.memory_space<vmem>>, vector<16xf32>,
        %parallel_loop3A_251 = arith.mulf %parallel_loop3A_175, %parallel_loop3A_250 : vector<16xf32>
        %parallel_loop3A_252 = arith.addf %parallel_loop3A_247, %parallel_loop3A_251 : vector<16xf32>
        %parallel_loop3A_253 = arith.index_cast %parallel_loop3A_171 : i32 to index
        %parallel_loop3A_254 = arith.constant 48 : index
        %parallel_loop3A_255 = tpu.vector_load %arg22[%parallel_loop3A_253, %parallel_loop3A_254] {strides = array<i32>} : memref<48x256xf32, #tpu.memory_space<vmem>>, vector<16xf32>,
        %parallel_loop3A_256 = arith.mulf %parallel_loop3A_176, %parallel_loop3A_255 : vector<16xf32>
        %parallel_loop3A_257 = arith.addf %parallel_loop3A_252, %parallel_loop3A_256 : vector<16xf32>
        %parallel_loop3A_258 = arith.index_cast %parallel_loop3A_171 : i32 to index
        %parallel_loop3A_259 = arith.constant 48 : index
        %parallel_loop3A_260 = tpu.vector_load %arg23[%parallel_loop3A_258, %parallel_loop3A_259] {strides = array<i32>} : memref<48x256xf32, #tpu.memory_space<vmem>>, vector<16xf32>,
        %parallel_loop3A_261 = arith.mulf %parallel_loop3A_177, %parallel_loop3A_260 : vector<16xf32>
        %parallel_loop3A_262 = arith.addf %parallel_loop3A_257, %parallel_loop3A_261 : vector<16xf32>
        %parallel_loop3A_263 = arith.index_cast %parallel_loop3A_171 : i32 to index
        %parallel_loop3A_264 = arith.constant 48 : index
        %parallel_loop3A_265 = tpu.vector_load %arg28[%parallel_loop3A_263, %parallel_loop3A_264] {strides = array<i32>} : memref<48x256xf32, #tpu.memory_space<vmem>>, vector<16xf32>,
        tpu.vector_store %arg28[%parallel_loop3A_263, %parallel_loop3A_264], %parallel_loop3A_262 {strides = array<i32>} : memref<48x256xf32, #tpu.memory_space<vmem>>, vector<16xf32>,
        %parallel_loop3A_266 = arith.index_cast %parallel_loop3A_171 : i32 to index
        %parallel_loop3A_267 = arith.constant 64 : index
        %parallel_loop3A_268 = tpu.vector_load %arg20[%parallel_loop3A_266, %parallel_loop3A_267] {strides = array<i32>} : memref<48x256xf32, #tpu.memory_space<vmem>>, vector<16xf32>,
        %parallel_loop3A_269 = arith.mulf %parallel_loop3A_174, %parallel_loop3A_268 : vector<16xf32>
        %parallel_loop3A_270 = arith.index_cast %parallel_loop3A_171 : i32 to index
        %parallel_loop3A_271 = arith.constant 64 : index
        %parallel_loop3A_272 = tpu.vector_load %arg21[%parallel_loop3A_270, %parallel_loop3A_271] {strides = array<i32>} : memref<48x256xf32, #tpu.memory_space<vmem>>, vector<16xf32>,
        %parallel_loop3A_273 = arith.mulf %parallel_loop3A_175, %parallel_loop3A_272 : vector<16xf32>
        %parallel_loop3A_274 = arith.addf %parallel_loop3A_269, %parallel_loop3A_273 : vector<16xf32>
        %parallel_loop3A_275 = arith.index_cast %parallel_loop3A_171 : i32 to index
        %parallel_loop3A_276 = arith.constant 64 : index
        %parallel_loop3A_277 = tpu.vector_load %arg22[%parallel_loop3A_275, %parallel_loop3A_276] {strides = array<i32>} : memref<48x256xf32, #tpu.memory_space<vmem>>, vector<16xf32>,
        %parallel_loop3A_278 = arith.mulf %parallel_loop3A_176, %parallel_loop3A_277 : vector<16xf32>
        %parallel_loop3A_279 = arith.addf %parallel_loop3A_274, %parallel_loop3A_278 : vector<16xf32>
        %parallel_loop3A_280 = arith.index_cast %parallel_loop3A_171 : i32 to index
        %parallel_loop3A_281 = arith.constant 64 : index
        %parallel_loop3A_282 = tpu.vector_load %arg23[%parallel_loop3A_280, %parallel_loop3A_281] {strides = array<i32>} : memref<48x256xf32, #tpu.memory_space<vmem>>, vector<16xf32>,
        %parallel_loop3A_283 = arith.mulf %parallel_loop3A_177, %parallel_loop3A_282 : vector<16xf32>
        %parallel_loop3A_284 = arith.addf %parallel_loop3A_279, %parallel_loop3A_283 : vector<16xf32>
        %parallel_loop3A_285 = arith.index_cast %parallel_loop3A_171 : i32 to index
        %parallel_loop3A_286 = arith.constant 64 : index
        %parallel_loop3A_287 = tpu.vector_load %arg28[%parallel_loop3A_285, %parallel_loop3A_286] {strides = array<i32>} : memref<48x256xf32, #tpu.memory_space<vmem>>, vector<16xf32>,
        tpu.vector_store %arg28[%parallel_loop3A_285, %parallel_loop3A_286], %parallel_loop3A_284 {strides = array<i32>} : memref<48x256xf32, #tpu.memory_space<vmem>>, vector<16xf32>,
        %parallel_loop3A_288 = arith.index_cast %parallel_loop3A_171 : i32 to index
        %parallel_loop3A_289 = arith.constant 80 : index
        %parallel_loop3A_290 = tpu.vector_load %arg20[%parallel_loop3A_288, %parallel_loop3A_289] {strides = array<i32>} : memref<48x256xf32, #tpu.memory_space<vmem>>, vector<16xf32>,
        %parallel_loop3A_291 = arith.mulf %parallel_loop3A_174, %parallel_loop3A_290 : vector<16xf32>
        %parallel_loop3A_292 = arith.index_cast %parallel_loop3A_171 : i32 to index
        %parallel_loop3A_293 = arith.constant 80 : index
        %parallel_loop3A_294 = tpu.vector_load %arg21[%parallel_loop3A_292, %parallel_loop3A_293] {strides = array<i32>} : memref<48x256xf32, #tpu.memory_space<vmem>>, vector<16xf32>,
        %parallel_loop3A_295 = arith.mulf %parallel_loop3A_175, %parallel_loop3A_294 : vector<16xf32>
        %parallel_loop3A_296 = arith.addf %parallel_loop3A_291, %parallel_loop3A_295 : vector<16xf32>
        %parallel_loop3A_297 = arith.index_cast %parallel_loop3A_171 : i32 to index
        %parallel_loop3A_298 = arith.constant 80 : index
        %parallel_loop3A_299 = tpu.vector_load %arg22[%parallel_loop3A_297, %parallel_loop3A_298] {strides = array<i32>} : memref<48x256xf32, #tpu.memory_space<vmem>>, vector<16xf32>,
        %parallel_loop3A_300 = arith.mulf %parallel_loop3A_176, %parallel_loop3A_299 : vector<16xf32>
        %parallel_loop3A_301 = arith.addf %parallel_loop3A_296, %parallel_loop3A_300 : vector<16xf32>
        %parallel_loop3A_302 = arith.index_cast %parallel_loop3A_171 : i32 to index
        %parallel_loop3A_303 = arith.constant 80 : index
        %parallel_loop3A_304 = tpu.vector_load %arg23[%parallel_loop3A_302, %parallel_loop3A_303] {strides = array<i32>} : memref<48x256xf32, #tpu.memory_space<vmem>>, vector<16xf32>,
        %parallel_loop3A_305 = arith.mulf %parallel_loop3A_177, %parallel_loop3A_304 : vector<16xf32>
        %parallel_loop3A_306 = arith.addf %parallel_loop3A_301, %parallel_loop3A_305 : vector<16xf32>
        %parallel_loop3A_307 = arith.index_cast %parallel_loop3A_171 : i32 to index
        %parallel_loop3A_308 = arith.constant 80 : index
        %parallel_loop3A_309 = tpu.vector_load %arg28[%parallel_loop3A_307, %parallel_loop3A_308] {strides = array<i32>} : memref<48x256xf32, #tpu.memory_space<vmem>>, vector<16xf32>,
        tpu.vector_store %arg28[%parallel_loop3A_307, %parallel_loop3A_308], %parallel_loop3A_306 {strides = array<i32>} : memref<48x256xf32, #tpu.memory_space<vmem>>, vector<16xf32>,
        %parallel_loop3A_310 = arith.index_cast %parallel_loop3A_171 : i32 to index
        %parallel_loop3A_311 = arith.constant 96 : index
        %parallel_loop3A_312 = tpu.vector_load %arg20[%parallel_loop3A_310, %parallel_loop3A_311] {strides = array<i32>} : memref<48x256xf32, #tpu.memory_space<vmem>>, vector<16xf32>,
        %parallel_loop3A_313 = arith.mulf %parallel_loop3A_174, %parallel_loop3A_312 : vector<16xf32>
        %parallel_loop3A_314 = arith.index_cast %parallel_loop3A_171 : i32 to index
        %parallel_loop3A_315 = arith.constant 96 : index
        %parallel_loop3A_316 = tpu.vector_load %arg21[%parallel_loop3A_314, %parallel_loop3A_315] {strides = array<i32>} : memref<48x256xf32, #tpu.memory_space<vmem>>, vector<16xf32>,
        %parallel_loop3A_317 = arith.mulf %parallel_loop3A_175, %parallel_loop3A_316 : vector<16xf32>
        %parallel_loop3A_318 = arith.addf %parallel_loop3A_313, %parallel_loop3A_317 : vector<16xf32>
        %parallel_loop3A_319 = arith.index_cast %parallel_loop3A_171 : i32 to index
        %parallel_loop3A_320 = arith.constant 96 : index
        %parallel_loop3A_321 = tpu.vector_load %arg22[%parallel_loop3A_319, %parallel_loop3A_320] {strides = array<i32>} : memref<48x256xf32, #tpu.memory_space<vmem>>, vector<16xf32>,
        %parallel_loop3A_322 = arith.mulf %parallel_loop3A_176, %parallel_loop3A_321 : vector<16xf32>
        %parallel_loop3A_323 = arith.addf %parallel_loop3A_318, %parallel_loop3A_322 : vector<16xf32>
        %parallel_loop3A_324 = arith.index_cast %parallel_loop3A_171 : i32 to index
        %parallel_loop3A_325 = arith.constant 96 : index
        %parallel_loop3A_326 = tpu.vector_load %arg23[%parallel_loop3A_324, %parallel_loop3A_325] {strides = array<i32>} : memref<48x256xf32, #tpu.memory_space<vmem>>, vector<16xf32>,
        %parallel_loop3A_327 = arith.mulf %parallel_loop3A_177, %parallel_loop3A_326 : vector<16xf32>
        %parallel_loop3A_328 = arith.addf %parallel_loop3A_323, %parallel_loop3A_327 : vector<16xf32>
        %parallel_loop3A_329 = arith.index_cast %parallel_loop3A_171 : i32 to index
        %parallel_loop3A_330 = arith.constant 96 : index
        %parallel_loop3A_331 = tpu.vector_load %arg28[%parallel_loop3A_329, %parallel_loop3A_330] {strides = array<i32>} : memref<48x256xf32, #tpu.memory_space<vmem>>, vector<16xf32>,
        tpu.vector_store %arg28[%parallel_loop3A_329, %parallel_loop3A_330], %parallel_loop3A_328 {strides = array<i32>} : memref<48x256xf32, #tpu.memory_space<vmem>>, vector<16xf32>,
        %parallel_loop3A_332 = arith.index_cast %parallel_loop3A_171 : i32 to index
        %parallel_loop3A_333 = arith.constant 112 : index
        %parallel_loop3A_334 = tpu.vector_load %arg20[%parallel_loop3A_332, %parallel_loop3A_333] {strides = array<i32>} : memref<48x256xf32, #tpu.memory_space<vmem>>, vector<16xf32>,
        %parallel_loop3A_335 = arith.mulf %parallel_loop3A_174, %parallel_loop3A_334 : vector<16xf32>
        %parallel_loop3A_336 = arith.index_cast %parallel_loop3A_171 : i32 to index
        %parallel_loop3A_337 = arith.constant 112 : index
        %parallel_loop3A_338 = tpu.vector_load %arg21[%parallel_loop3A_336, %parallel_loop3A_337] {strides = array<i32>} : memref<48x256xf32, #tpu.memory_space<vmem>>, vector<16xf32>,
        %parallel_loop3A_339 = arith.mulf %parallel_loop3A_175, %parallel_loop3A_338 : vector<16xf32>
        %parallel_loop3A_340 = arith.addf %parallel_loop3A_335, %parallel_loop3A_339 : vector<16xf32>
        %parallel_loop3A_341 = arith.index_cast %parallel_loop3A_171 : i32 to index
        %parallel_loop3A_342 = arith.constant 112 : index
        %parallel_loop3A_343 = tpu.vector_load %arg22[%parallel_loop3A_341, %parallel_loop3A_342] {strides = array<i32>} : memref<48x256xf32, #tpu.memory_space<vmem>>, vector<16xf32>,
        %parallel_loop3A_344 = arith.mulf %parallel_loop3A_176, %parallel_loop3A_343 : vector<16xf32>
        %parallel_loop3A_345 = arith.addf %parallel_loop3A_340, %parallel_loop3A_344 : vector<16xf32>
        %parallel_loop3A_346 = arith.index_cast %parallel_loop3A_171 : i32 to index
        %parallel_loop3A_347 = arith.constant 112 : index
        %parallel_loop3A_348 = tpu.vector_load %arg23[%parallel_loop3A_346, %parallel_loop3A_347] {strides = array<i32>} : memref<48x256xf32, #tpu.memory_space<vmem>>, vector<16xf32>,
        %parallel_loop3A_349 = arith.mulf %parallel_loop3A_177, %parallel_loop3A_348 : vector<16xf32>
        %parallel_loop3A_350 = arith.addf %parallel_loop3A_345, %parallel_loop3A_349 : vector<16xf32>
        %parallel_loop3A_351 = arith.index_cast %parallel_loop3A_171 : i32 to index
        %parallel_loop3A_352 = arith.constant 112 : index
        %parallel_loop3A_353 = tpu.vector_load %arg28[%parallel_loop3A_351, %parallel_loop3A_352] {strides = array<i32>} : memref<48x256xf32, #tpu.memory_space<vmem>>, vector<16xf32>,
        tpu.vector_store %arg28[%parallel_loop3A_351, %parallel_loop3A_352], %parallel_loop3A_350 {strides = array<i32>} : memref<48x256xf32, #tpu.memory_space<vmem>>, vector<16xf32>,
        %parallel_loop3A_354 = arith.index_cast %parallel_loop3A_171 : i32 to index
        %parallel_loop3A_355 = arith.constant 128 : index
        %parallel_loop3A_356 = tpu.vector_load %arg20[%parallel_loop3A_354, %parallel_loop3A_355] {strides = array<i32>} : memref<48x256xf32, #tpu.memory_space<vmem>>, vector<16xf32>,
        %parallel_loop3A_357 = arith.mulf %parallel_loop3A_174, %parallel_loop3A_356 : vector<16xf32>
        %parallel_loop3A_358 = arith.index_cast %parallel_loop3A_171 : i32 to index
        %parallel_loop3A_359 = arith.constant 128 : index
        %parallel_loop3A_360 = tpu.vector_load %arg21[%parallel_loop3A_358, %parallel_loop3A_359] {strides = array<i32>} : memref<48x256xf32, #tpu.memory_space<vmem>>, vector<16xf32>,
        %parallel_loop3A_361 = arith.mulf %parallel_loop3A_175, %parallel_loop3A_360 : vector<16xf32>
        %parallel_loop3A_362 = arith.addf %parallel_loop3A_357, %parallel_loop3A_361 : vector<16xf32>
        %parallel_loop3A_363 = arith.index_cast %parallel_loop3A_171 : i32 to index
        %parallel_loop3A_364 = arith.constant 128 : index
        %parallel_loop3A_365 = tpu.vector_load %arg22[%parallel_loop3A_363, %parallel_loop3A_364] {strides = array<i32>} : memref<48x256xf32, #tpu.memory_space<vmem>>, vector<16xf32>,
        %parallel_loop3A_366 = arith.mulf %parallel_loop3A_176, %parallel_loop3A_365 : vector<16xf32>
        %parallel_loop3A_367 = arith.addf %parallel_loop3A_362, %parallel_loop3A_366 : vector<16xf32>
        %parallel_loop3A_368 = arith.index_cast %parallel_loop3A_171 : i32 to index
        %parallel_loop3A_369 = arith.constant 128 : index
        %parallel_loop3A_370 = tpu.vector_load %arg23[%parallel_loop3A_368, %parallel_loop3A_369] {strides = array<i32>} : memref<48x256xf32, #tpu.memory_space<vmem>>, vector<16xf32>,
        %parallel_loop3A_371 = arith.mulf %parallel_loop3A_177, %parallel_loop3A_370 : vector<16xf32>
        %parallel_loop3A_372 = arith.addf %parallel_loop3A_367, %parallel_loop3A_371 : vector<16xf32>
        %parallel_loop3A_373 = arith.index_cast %parallel_loop3A_171 : i32 to index
        %parallel_loop3A_374 = arith.constant 128 : index
        %parallel_loop3A_375 = tpu.vector_load %arg28[%parallel_loop3A_373, %parallel_loop3A_374] {strides = array<i32>} : memref<48x256xf32, #tpu.memory_space<vmem>>, vector<16xf32>,
        tpu.vector_store %arg28[%parallel_loop3A_373, %parallel_loop3A_374], %parallel_loop3A_372 {strides = array<i32>} : memref<48x256xf32, #tpu.memory_space<vmem>>, vector<16xf32>,
        %parallel_loop3A_376 = arith.index_cast %parallel_loop3A_171 : i32 to index
        %parallel_loop3A_377 = arith.constant 144 : index
        %parallel_loop3A_378 = tpu.vector_load %arg20[%parallel_loop3A_376, %parallel_loop3A_377] {strides = array<i32>} : memref<48x256xf32, #tpu.memory_space<vmem>>, vector<16xf32>,
        %parallel_loop3A_379 = arith.mulf %parallel_loop3A_174, %parallel_loop3A_378 : vector<16xf32>
        %parallel_loop3A_380 = arith.index_cast %parallel_loop3A_171 : i32 to index
        %parallel_loop3A_381 = arith.constant 144 : index
        %parallel_loop3A_382 = tpu.vector_load %arg21[%parallel_loop3A_380, %parallel_loop3A_381] {strides = array<i32>} : memref<48x256xf32, #tpu.memory_space<vmem>>, vector<16xf32>,
        %parallel_loop3A_383 = arith.mulf %parallel_loop3A_175, %parallel_loop3A_382 : vector<16xf32>
        %parallel_loop3A_384 = arith.addf %parallel_loop3A_379, %parallel_loop3A_383 : vector<16xf32>
        %parallel_loop3A_385 = arith.index_cast %parallel_loop3A_171 : i32 to index
        %parallel_loop3A_386 = arith.constant 144 : index
        %parallel_loop3A_387 = tpu.vector_load %arg22[%parallel_loop3A_385, %parallel_loop3A_386] {strides = array<i32>} : memref<48x256xf32, #tpu.memory_space<vmem>>, vector<16xf32>,
        %parallel_loop3A_388 = arith.mulf %parallel_loop3A_176, %parallel_loop3A_387 : vector<16xf32>
        %parallel_loop3A_389 = arith.addf %parallel_loop3A_384, %parallel_loop3A_388 : vector<16xf32>
        %parallel_loop3A_390 = arith.index_cast %parallel_loop3A_171 : i32 to index
        %parallel_loop3A_391 = arith.constant 144 : index
        %parallel_loop3A_392 = tpu.vector_load %arg23[%parallel_loop3A_390, %parallel_loop3A_391] {strides = array<i32>} : memref<48x256xf32, #tpu.memory_space<vmem>>, vector<16xf32>,
        %parallel_loop3A_393 = arith.mulf %parallel_loop3A_177, %parallel_loop3A_392 : vector<16xf32>
        %parallel_loop3A_394 = arith.addf %parallel_loop3A_389, %parallel_loop3A_393 : vector<16xf32>
        %parallel_loop3A_395 = arith.index_cast %parallel_loop3A_171 : i32 to index
        %parallel_loop3A_396 = arith.constant 144 : index
        %parallel_loop3A_397 = tpu.vector_load %arg28[%parallel_loop3A_395, %parallel_loop3A_396] {strides = array<i32>} : memref<48x256xf32, #tpu.memory_space<vmem>>, vector<16xf32>,
        tpu.vector_store %arg28[%parallel_loop3A_395, %parallel_loop3A_396], %parallel_loop3A_394 {strides = array<i32>} : memref<48x256xf32, #tpu.memory_space<vmem>>, vector<16xf32>,
        %parallel_loop3A_398 = arith.index_cast %parallel_loop3A_171 : i32 to index
        %parallel_loop3A_399 = arith.constant 160 : index
        %parallel_loop3A_400 = tpu.vector_load %arg20[%parallel_loop3A_398, %parallel_loop3A_399] {strides = array<i32>} : memref<48x256xf32, #tpu.memory_space<vmem>>, vector<16xf32>,
        %parallel_loop3A_401 = arith.mulf %parallel_loop3A_174, %parallel_loop3A_400 : vector<16xf32>
        %parallel_loop3A_402 = arith.index_cast %parallel_loop3A_171 : i32 to index
        %parallel_loop3A_403 = arith.constant 160 : index
        %parallel_loop3A_404 = tpu.vector_load %arg21[%parallel_loop3A_402, %parallel_loop3A_403] {strides = array<i32>} : memref<48x256xf32, #tpu.memory_space<vmem>>, vector<16xf32>,
        %parallel_loop3A_405 = arith.mulf %parallel_loop3A_175, %parallel_loop3A_404 : vector<16xf32>
        %parallel_loop3A_406 = arith.addf %parallel_loop3A_401, %parallel_loop3A_405 : vector<16xf32>
        %parallel_loop3A_407 = arith.index_cast %parallel_loop3A_171 : i32 to index
        %parallel_loop3A_408 = arith.constant 160 : index
        %parallel_loop3A_409 = tpu.vector_load %arg22[%parallel_loop3A_407, %parallel_loop3A_408] {strides = array<i32>} : memref<48x256xf32, #tpu.memory_space<vmem>>, vector<16xf32>,
        %parallel_loop3A_410 = arith.mulf %parallel_loop3A_176, %parallel_loop3A_409 : vector<16xf32>
        %parallel_loop3A_411 = arith.addf %parallel_loop3A_406, %parallel_loop3A_410 : vector<16xf32>
        %parallel_loop3A_412 = arith.index_cast %parallel_loop3A_171 : i32 to index
        %parallel_loop3A_413 = arith.constant 160 : index
        %parallel_loop3A_414 = tpu.vector_load %arg23[%parallel_loop3A_412, %parallel_loop3A_413] {strides = array<i32>} : memref<48x256xf32, #tpu.memory_space<vmem>>, vector<16xf32>,
        %parallel_loop3A_415 = arith.mulf %parallel_loop3A_177, %parallel_loop3A_414 : vector<16xf32>
        %parallel_loop3A_416 = arith.addf %parallel_loop3A_411, %parallel_loop3A_415 : vector<16xf32>
        %parallel_loop3A_417 = arith.index_cast %parallel_loop3A_171 : i32 to index
        %parallel_loop3A_418 = arith.constant 160 : index
        %parallel_loop3A_419 = tpu.vector_load %arg28[%parallel_loop3A_417, %parallel_loop3A_418] {strides = array<i32>} : memref<48x256xf32, #tpu.memory_space<vmem>>, vector<16xf32>,
        tpu.vector_store %arg28[%parallel_loop3A_417, %parallel_loop3A_418], %parallel_loop3A_416 {strides = array<i32>} : memref<48x256xf32, #tpu.memory_space<vmem>>, vector<16xf32>,
        %parallel_loop3A_420 = arith.index_cast %parallel_loop3A_171 : i32 to index
        %parallel_loop3A_421 = arith.constant 176 : index
        %parallel_loop3A_422 = tpu.vector_load %arg20[%parallel_loop3A_420, %parallel_loop3A_421] {strides = array<i32>} : memref<48x256xf32, #tpu.memory_space<vmem>>, vector<16xf32>,
        %parallel_loop3A_423 = arith.mulf %parallel_loop3A_174, %parallel_loop3A_422 : vector<16xf32>
        %parallel_loop3A_424 = arith.index_cast %parallel_loop3A_171 : i32 to index
        %parallel_loop3A_425 = arith.constant 176 : index
        %parallel_loop3A_426 = tpu.vector_load %arg21[%parallel_loop3A_424, %parallel_loop3A_425] {strides = array<i32>} : memref<48x256xf32, #tpu.memory_space<vmem>>, vector<16xf32>,
        %parallel_loop3A_427 = arith.mulf %parallel_loop3A_175, %parallel_loop3A_426 : vector<16xf32>
        %parallel_loop3A_428 = arith.addf %parallel_loop3A_423, %parallel_loop3A_427 : vector<16xf32>
        %parallel_loop3A_429 = arith.index_cast %parallel_loop3A_171 : i32 to index
        %parallel_loop3A_430 = arith.constant 176 : index
        %parallel_loop3A_431 = tpu.vector_load %arg22[%parallel_loop3A_429, %parallel_loop3A_430] {strides = array<i32>} : memref<48x256xf32, #tpu.memory_space<vmem>>, vector<16xf32>,
        %parallel_loop3A_432 = arith.mulf %parallel_loop3A_176, %parallel_loop3A_431 : vector<16xf32>
        %parallel_loop3A_433 = arith.addf %parallel_loop3A_428, %parallel_loop3A_432 : vector<16xf32>
        %parallel_loop3A_434 = arith.index_cast %parallel_loop3A_171 : i32 to index
        %parallel_loop3A_435 = arith.constant 176 : index
        %parallel_loop3A_436 = tpu.vector_load %arg23[%parallel_loop3A_434, %parallel_loop3A_435] {strides = array<i32>} : memref<48x256xf32, #tpu.memory_space<vmem>>, vector<16xf32>,
        %parallel_loop3A_437 = arith.mulf %parallel_loop3A_177, %parallel_loop3A_436 : vector<16xf32>
        %parallel_loop3A_438 = arith.addf %parallel_loop3A_433, %parallel_loop3A_437 : vector<16xf32>
        %parallel_loop3A_439 = arith.index_cast %parallel_loop3A_171 : i32 to index
        %parallel_loop3A_440 = arith.constant 176 : index
        %parallel_loop3A_441 = tpu.vector_load %arg28[%parallel_loop3A_439, %parallel_loop3A_440] {strides = array<i32>} : memref<48x256xf32, #tpu.memory_space<vmem>>, vector<16xf32>,
        tpu.vector_store %arg28[%parallel_loop3A_439, %parallel_loop3A_440], %parallel_loop3A_438 {strides = array<i32>} : memref<48x256xf32, #tpu.memory_space<vmem>>, vector<16xf32>,
        %parallel_loop3A_442 = arith.index_cast %parallel_loop3A_171 : i32 to index
        %parallel_loop3A_443 = arith.constant 192 : index
        %parallel_loop3A_444 = tpu.vector_load %arg20[%parallel_loop3A_442, %parallel_loop3A_443] {strides = array<i32>} : memref<48x256xf32, #tpu.memory_space<vmem>>, vector<16xf32>,
        %parallel_loop3A_445 = arith.mulf %parallel_loop3A_174, %parallel_loop3A_444 : vector<16xf32>
        %parallel_loop3A_446 = arith.index_cast %parallel_loop3A_171 : i32 to index
        %parallel_loop3A_447 = arith.constant 192 : index
        %parallel_loop3A_448 = tpu.vector_load %arg21[%parallel_loop3A_446, %parallel_loop3A_447] {strides = array<i32>} : memref<48x256xf32, #tpu.memory_space<vmem>>, vector<16xf32>,
        %parallel_loop3A_449 = arith.mulf %parallel_loop3A_175, %parallel_loop3A_448 : vector<16xf32>
        %parallel_loop3A_450 = arith.addf %parallel_loop3A_445, %parallel_loop3A_449 : vector<16xf32>
        %parallel_loop3A_451 = arith.index_cast %parallel_loop3A_171 : i32 to index
        %parallel_loop3A_452 = arith.constant 192 : index
        %parallel_loop3A_453 = tpu.vector_load %arg22[%parallel_loop3A_451, %parallel_loop3A_452] {strides = array<i32>} : memref<48x256xf32, #tpu.memory_space<vmem>>, vector<16xf32>,
        %parallel_loop3A_454 = arith.mulf %parallel_loop3A_176, %parallel_loop3A_453 : vector<16xf32>
        %parallel_loop3A_455 = arith.addf %parallel_loop3A_450, %parallel_loop3A_454 : vector<16xf32>
        %parallel_loop3A_456 = arith.index_cast %parallel_loop3A_171 : i32 to index
        %parallel_loop3A_457 = arith.constant 192 : index
        %parallel_loop3A_458 = tpu.vector_load %arg23[%parallel_loop3A_456, %parallel_loop3A_457] {strides = array<i32>} : memref<48x256xf32, #tpu.memory_space<vmem>>, vector<16xf32>,
        %parallel_loop3A_459 = arith.mulf %parallel_loop3A_177, %parallel_loop3A_458 : vector<16xf32>
        %parallel_loop3A_460 = arith.addf %parallel_loop3A_455, %parallel_loop3A_459 : vector<16xf32>
        %parallel_loop3A_461 = arith.index_cast %parallel_loop3A_171 : i32 to index
        %parallel_loop3A_462 = arith.constant 192 : index
        %parallel_loop3A_463 = tpu.vector_load %arg28[%parallel_loop3A_461, %parallel_loop3A_462] {strides = array<i32>} : memref<48x256xf32, #tpu.memory_space<vmem>>, vector<16xf32>,
        tpu.vector_store %arg28[%parallel_loop3A_461, %parallel_loop3A_462], %parallel_loop3A_460 {strides = array<i32>} : memref<48x256xf32, #tpu.memory_space<vmem>>, vector<16xf32>,
        %parallel_loop3A_464 = arith.index_cast %parallel_loop3A_171 : i32 to index
        %parallel_loop3A_465 = arith.constant 208 : index
        %parallel_loop3A_466 = tpu.vector_load %arg20[%parallel_loop3A_464, %parallel_loop3A_465] {strides = array<i32>} : memref<48x256xf32, #tpu.memory_space<vmem>>, vector<16xf32>,
        %parallel_loop3A_467 = arith.mulf %parallel_loop3A_174, %parallel_loop3A_466 : vector<16xf32>
        %parallel_loop3A_468 = arith.index_cast %parallel_loop3A_171 : i32 to index
        %parallel_loop3A_469 = arith.constant 208 : index
        %parallel_loop3A_470 = tpu.vector_load %arg21[%parallel_loop3A_468, %parallel_loop3A_469] {strides = array<i32>} : memref<48x256xf32, #tpu.memory_space<vmem>>, vector<16xf32>,
        %parallel_loop3A_471 = arith.mulf %parallel_loop3A_175, %parallel_loop3A_470 : vector<16xf32>
        %parallel_loop3A_472 = arith.addf %parallel_loop3A_467, %parallel_loop3A_471 : vector<16xf32>
        %parallel_loop3A_473 = arith.index_cast %parallel_loop3A_171 : i32 to index
        %parallel_loop3A_474 = arith.constant 208 : index
        %parallel_loop3A_475 = tpu.vector_load %arg22[%parallel_loop3A_473, %parallel_loop3A_474] {strides = array<i32>} : memref<48x256xf32, #tpu.memory_space<vmem>>, vector<16xf32>,
        %parallel_loop3A_476 = arith.mulf %parallel_loop3A_176, %parallel_loop3A_475 : vector<16xf32>
        %parallel_loop3A_477 = arith.addf %parallel_loop3A_472, %parallel_loop3A_476 : vector<16xf32>
        %parallel_loop3A_478 = arith.index_cast %parallel_loop3A_171 : i32 to index
        %parallel_loop3A_479 = arith.constant 208 : index
        %parallel_loop3A_480 = tpu.vector_load %arg23[%parallel_loop3A_478, %parallel_loop3A_479] {strides = array<i32>} : memref<48x256xf32, #tpu.memory_space<vmem>>, vector<16xf32>,
        %parallel_loop3A_481 = arith.mulf %parallel_loop3A_177, %parallel_loop3A_480 : vector<16xf32>
        %parallel_loop3A_482 = arith.addf %parallel_loop3A_477, %parallel_loop3A_481 : vector<16xf32>
        %parallel_loop3A_483 = arith.index_cast %parallel_loop3A_171 : i32 to index
        %parallel_loop3A_484 = arith.constant 208 : index
        %parallel_loop3A_485 = tpu.vector_load %arg28[%parallel_loop3A_483, %parallel_loop3A_484] {strides = array<i32>} : memref<48x256xf32, #tpu.memory_space<vmem>>, vector<16xf32>,
        tpu.vector_store %arg28[%parallel_loop3A_483, %parallel_loop3A_484], %parallel_loop3A_482 {strides = array<i32>} : memref<48x256xf32, #tpu.memory_space<vmem>>, vector<16xf32>,
        %parallel_loop3A_486 = arith.index_cast %parallel_loop3A_171 : i32 to index
        %parallel_loop3A_487 = arith.constant 224 : index
        %parallel_loop3A_488 = tpu.vector_load %arg20[%parallel_loop3A_486, %parallel_loop3A_487] {strides = array<i32>} : memref<48x256xf32, #tpu.memory_space<vmem>>, vector<16xf32>,
        %parallel_loop3A_489 = arith.mulf %parallel_loop3A_174, %parallel_loop3A_488 : vector<16xf32>
        %parallel_loop3A_490 = arith.index_cast %parallel_loop3A_171 : i32 to index
        %parallel_loop3A_491 = arith.constant 224 : index
        %parallel_loop3A_492 = tpu.vector_load %arg21[%parallel_loop3A_490, %parallel_loop3A_491] {strides = array<i32>} : memref<48x256xf32, #tpu.memory_space<vmem>>, vector<16xf32>,
        %parallel_loop3A_493 = arith.mulf %parallel_loop3A_175, %parallel_loop3A_492 : vector<16xf32>
        %parallel_loop3A_494 = arith.addf %parallel_loop3A_489, %parallel_loop3A_493 : vector<16xf32>
        %parallel_loop3A_495 = arith.index_cast %parallel_loop3A_171 : i32 to index
        %parallel_loop3A_496 = arith.constant 224 : index
        %parallel_loop3A_497 = tpu.vector_load %arg22[%parallel_loop3A_495, %parallel_loop3A_496] {strides = array<i32>} : memref<48x256xf32, #tpu.memory_space<vmem>>, vector<16xf32>,
        %parallel_loop3A_498 = arith.mulf %parallel_loop3A_176, %parallel_loop3A_497 : vector<16xf32>
        %parallel_loop3A_499 = arith.addf %parallel_loop3A_494, %parallel_loop3A_498 : vector<16xf32>
        %parallel_loop3A_500 = arith.index_cast %parallel_loop3A_171 : i32 to index
        %parallel_loop3A_501 = arith.constant 224 : index
        %parallel_loop3A_502 = tpu.vector_load %arg23[%parallel_loop3A_500, %parallel_loop3A_501] {strides = array<i32>} : memref<48x256xf32, #tpu.memory_space<vmem>>, vector<16xf32>,
        %parallel_loop3A_503 = arith.mulf %parallel_loop3A_177, %parallel_loop3A_502 : vector<16xf32>
        %parallel_loop3A_504 = arith.addf %parallel_loop3A_499, %parallel_loop3A_503 : vector<16xf32>
        %parallel_loop3A_505 = arith.index_cast %parallel_loop3A_171 : i32 to index
        %parallel_loop3A_506 = arith.constant 224 : index
        %parallel_loop3A_507 = tpu.vector_load %arg28[%parallel_loop3A_505, %parallel_loop3A_506] {strides = array<i32>} : memref<48x256xf32, #tpu.memory_space<vmem>>, vector<16xf32>,
        tpu.vector_store %arg28[%parallel_loop3A_505, %parallel_loop3A_506], %parallel_loop3A_504 {strides = array<i32>} : memref<48x256xf32, #tpu.memory_space<vmem>>, vector<16xf32>,
        %parallel_loop3A_508 = arith.index_cast %parallel_loop3A_171 : i32 to index
        %parallel_loop3A_509 = arith.constant 240 : index
        %parallel_loop3A_510 = tpu.vector_load %arg20[%parallel_loop3A_508, %parallel_loop3A_509] {strides = array<i32>} : memref<48x256xf32, #tpu.memory_space<vmem>>, vector<16xf32>,
        %parallel_loop3A_511 = arith.mulf %parallel_loop3A_174, %parallel_loop3A_510 : vector<16xf32>
        %parallel_loop3A_512 = arith.index_cast %parallel_loop3A_171 : i32 to index
        %parallel_loop3A_513 = arith.constant 240 : index
        %parallel_loop3A_514 = tpu.vector_load %arg21[%parallel_loop3A_512, %parallel_loop3A_513] {strides = array<i32>} : memref<48x256xf32, #tpu.memory_space<vmem>>, vector<16xf32>,
        %parallel_loop3A_515 = arith.mulf %parallel_loop3A_175, %parallel_loop3A_514 : vector<16xf32>
        %parallel_loop3A_516 = arith.addf %parallel_loop3A_511, %parallel_loop3A_515 : vector<16xf32>
        %parallel_loop3A_517 = arith.index_cast %parallel_loop3A_171 : i32 to index
        %parallel_loop3A_518 = arith.constant 240 : index
        %parallel_loop3A_519 = tpu.vector_load %arg22[%parallel_loop3A_517, %parallel_loop3A_518] {strides = array<i32>} : memref<48x256xf32, #tpu.memory_space<vmem>>, vector<16xf32>,
        %parallel_loop3A_520 = arith.mulf %parallel_loop3A_176, %parallel_loop3A_519 : vector<16xf32>
        %parallel_loop3A_521 = arith.addf %parallel_loop3A_516, %parallel_loop3A_520 : vector<16xf32>
        %parallel_loop3A_522 = arith.index_cast %parallel_loop3A_171 : i32 to index
        %parallel_loop3A_523 = arith.constant 240 : index
        %parallel_loop3A_524 = tpu.vector_load %arg23[%parallel_loop3A_522, %parallel_loop3A_523] {strides = array<i32>} : memref<48x256xf32, #tpu.memory_space<vmem>>, vector<16xf32>,
        %parallel_loop3A_525 = arith.mulf %parallel_loop3A_177, %parallel_loop3A_524 : vector<16xf32>
        %parallel_loop3A_526 = arith.addf %parallel_loop3A_521, %parallel_loop3A_525 : vector<16xf32>
        %parallel_loop3A_527 = arith.index_cast %parallel_loop3A_171 : i32 to index
        %parallel_loop3A_528 = arith.constant 240 : index
        %parallel_loop3A_529 = tpu.vector_load %arg28[%parallel_loop3A_527, %parallel_loop3A_528] {strides = array<i32>} : memref<48x256xf32, #tpu.memory_space<vmem>>, vector<16xf32>,
        tpu.vector_store %arg28[%parallel_loop3A_527, %parallel_loop3A_528], %parallel_loop3A_526 {strides = array<i32>} : memref<48x256xf32, #tpu.memory_space<vmem>>, vector<16xf32>,
      } {sc.loop_unroll_factor = 2 : i64, sc.parallel_access}
      %mul3A_114 = arith.constant 48 : i32
      %mul3A_115 = arith.muli %add3A_89, %mul3A_114 : i32
      %add3A_116 = arith.addi %mul3A_2, %mul3A_115 : i32
      %dma_start3A_117 = arith.constant 0 : i32
      %dma_start3A_118 = tpu.memref_slice %arg11[%add3A_116, %dma_start3A_117] : memref<49152x256xf32, #tpu.memory_space<hbm>> -> memref<48x256xf32, #tpu.memory_space<hbm>>
      %dma_start3A_119 = arith.constant 0 : i32
      %dma_start3A_120 = tpu.memref_slice %arg11[%add3A_116, %dma_start3A_119] : memref<49152x256xf32, #tpu.memory_space<hbm>> -> memref<48x256xf32, #tpu.memory_space<hbm>>
      tpu.enqueue_dma source(%arg28 : memref<48x256xf32, #tpu.memory_space<vmem>>) target(%dma_start3A_120 : memref<48x256xf32, #tpu.memory_space<hbm>>) target_semaphore(%arg31 : memref<!tpu.dma_semaphore, #tpu.memory_space<semaphore_mem>>)
      %add3A_121 = arith.constant 2 : i32
      %add3A_122 = arith.addi %add3A_89, %add3A_121 : i32
      %lt3A = arith.constant 32 : i32
      %lt3A_123 = arith.cmpi slt, %add3A_122, %lt3A : i32
      %convert_element_type3A_124 = arith.extui %lt3A_123 : i1 to i32
      %cond3A_125 = arith.constant 0 : i32
      %cond3A_126 = arith.cmpi ne, %convert_element_type3A_124, %cond3A_125 : i32
      scf.if %cond3A_126 {
        %add3A_171 = arith.constant 2 : i32
        %add3A_172 = arith.addi %add3A_89, %add3A_171 : i32
        %mul3A_173 = arith.constant 48 : i32
        %mul3A_174 = arith.muli %add3A_172, %mul3A_173 : i32
        %dma_start3A_175 = tpu.memref_slice %arg12[%mul3A_174] : memref<1536xi32, #tpu.memory_space<vmem>> -> memref<48xi32, #tpu.memory_space<vmem>>
        %dma_start3A_176 = arith.constant 0 : i32
        %dma_start3A_177 = arith.constant 0 : i32
        %dma_start3A_178 = tpu.memref_slice %arg2[%dma_start3A_176, %dma_start3A_177] : memref<43520x256xf32, #tpu.memory_space<hbm>> -> memref<43520x256xf32, #tpu.memory_space<hbm>>
        tpu.enqueue_indirect_dma source(%dma_start3A_178 : memref<43520x256xf32, #tpu.memory_space<hbm>>) target(%arg20 : memref<48x256xf32, #tpu.memory_space<vmem>>) offsets(%dma_start3A_175 : memref<48xi32, #tpu.memory_space<vmem>>) semaphore(%arg29 : memref<!tpu.dma_semaphore, #tpu.memory_space<semaphore_mem>>)
        %dma_start3A_179 = tpu.memref_slice %arg13[%mul3A_174] : memref<1536xi32, #tpu.memory_space<vmem>> -> memref<48xi32, #tpu.memory_space<vmem>>
        %dma_start3A_180 = arith.constant 0 : i32
        %dma_start3A_181 = arith.constant 0 : i32
        %dma_start3A_182 = tpu.memref_slice %arg2[%dma_start3A_180, %dma_start3A_181] : memref<43520x256xf32, #tpu.memory_space<hbm>> -> memref<43520x256xf32, #tpu.memory_space<hbm>>
        tpu.enqueue_indirect_dma source(%dma_start3A_182 : memref<43520x256xf32, #tpu.memory_space<hbm>>) target(%arg21 : memref<48x256xf32, #tpu.memory_space<vmem>>) offsets(%dma_start3A_179 : memref<48xi32, #tpu.memory_space<vmem>>) semaphore(%arg29 : memref<!tpu.dma_semaphore, #tpu.memory_space<semaphore_mem>>)
        %dma_start3A_183 = tpu.memref_slice %arg14[%mul3A_174] : memref<1536xi32, #tpu.memory_space<vmem>> -> memref<48xi32, #tpu.memory_space<vmem>>
        %dma_start3A_184 = arith.constant 0 : i32
        %dma_start3A_185 = arith.constant 0 : i32
        %dma_start3A_186 = tpu.memref_slice %arg2[%dma_start3A_184, %dma_start3A_185] : memref<43520x256xf32, #tpu.memory_space<hbm>> -> memref<43520x256xf32, #tpu.memory_space<hbm>>
        tpu.enqueue_indirect_dma source(%dma_start3A_186 : memref<43520x256xf32, #tpu.memory_space<hbm>>) target(%arg22 : memref<48x256xf32, #tpu.memory_space<vmem>>) offsets(%dma_start3A_183 : memref<48xi32, #tpu.memory_space<vmem>>) semaphore(%arg29 : memref<!tpu.dma_semaphore, #tpu.memory_space<semaphore_mem>>)
        %dma_start3A_187 = tpu.memref_slice %arg15[%mul3A_174] : memref<1536xi32, #tpu.memory_space<vmem>> -> memref<48xi32, #tpu.memory_space<vmem>>
        %dma_start3A_188 = arith.constant 0 : i32
        %dma_start3A_189 = arith.constant 0 : i32
        %dma_start3A_190 = tpu.memref_slice %arg2[%dma_start3A_188, %dma_start3A_189] : memref<43520x256xf32, #tpu.memory_space<hbm>> -> memref<43520x256xf32, #tpu.memory_space<hbm>>
        tpu.enqueue_indirect_dma source(%dma_start3A_190 : memref<43520x256xf32, #tpu.memory_space<hbm>>) target(%arg23 : memref<48x256xf32, #tpu.memory_space<vmem>>) offsets(%dma_start3A_187 : memref<48xi32, #tpu.memory_space<vmem>>) semaphore(%arg29 : memref<!tpu.dma_semaphore, #tpu.memory_space<semaphore_mem>>)
      } else {
      }
      %add3A_127 = arith.constant 1 : i32
      %add3A_128 = arith.addi %add3A_87, %add3A_127 : i32
      %mul3A_129 = arith.constant 48 : i32
      %mul3A_130 = arith.muli %add3A_128, %mul3A_129 : i32
      %dma_wait3A_131 = tpu.memref_slice %arg12[%mul3A_130] : memref<1536xi32, #tpu.memory_space<vmem>> -> memref<48xi32, #tpu.memory_space<vmem>>
      %dma_wait3A_132 = arith.constant 0 : i32
      %dma_wait3A_133 = arith.constant 0 : i32
      %dma_wait3A_134 = tpu.memref_slice %arg2[%dma_wait3A_132, %dma_wait3A_133] : memref<43520x256xf32, #tpu.memory_space<hbm>> -> memref<43520x256xf32, #tpu.memory_space<hbm>>
      tpu.wait_indirect_dma semaphore(%arg30 : memref<!tpu.dma_semaphore, #tpu.memory_space<semaphore_mem>>) src(%dma_wait3A_134 : memref<43520x256xf32, #tpu.memory_space<hbm>>) dst(%arg24 : memref<48x256xf32, #tpu.memory_space<vmem>>)
      %dma_wait3A_135 = tpu.memref_slice %arg13[%mul3A_130] : memref<1536xi32, #tpu.memory_space<vmem>> -> memref<48xi32, #tpu.memory_space<vmem>>
      %dma_wait3A_136 = arith.constant 0 : i32
      %dma_wait3A_137 = arith.constant 0 : i32
      %dma_wait3A_138 = tpu.memref_slice %arg2[%dma_wait3A_136, %dma_wait3A_137] : memref<43520x256xf32, #tpu.memory_space<hbm>> -> memref<43520x256xf32, #tpu.memory_space<hbm>>
      tpu.wait_indirect_dma semaphore(%arg30 : memref<!tpu.dma_semaphore, #tpu.memory_space<semaphore_mem>>) src(%dma_wait3A_138 : memref<43520x256xf32, #tpu.memory_space<hbm>>) dst(%arg25 : memref<48x256xf32, #tpu.memory_space<vmem>>)
      %dma_wait3A_139 = tpu.memref_slice %arg14[%mul3A_130] : memref<1536xi32, #tpu.memory_space<vmem>> -> memref<48xi32, #tpu.memory_space<vmem>>
      %dma_wait3A_140 = arith.constant 0 : i32
      %dma_wait3A_141 = arith.constant 0 : i32
      %dma_wait3A_142 = tpu.memref_slice %arg2[%dma_wait3A_140, %dma_wait3A_141] : memref<43520x256xf32, #tpu.memory_space<hbm>> -> memref<43520x256xf32, #tpu.memory_space<hbm>>
      tpu.wait_indirect_dma semaphore(%arg30 : memref<!tpu.dma_semaphore, #tpu.memory_space<semaphore_mem>>) src(%dma_wait3A_142 : memref<43520x256xf32, #tpu.memory_space<hbm>>) dst(%arg26 : memref<48x256xf32, #tpu.memory_space<vmem>>)
      %dma_wait3A_143 = tpu.memref_slice %arg15[%mul3A_130] : memref<1536xi32, #tpu.memory_space<vmem>> -> memref<48xi32, #tpu.memory_space<vmem>>
      %dma_wait3A_144 = arith.constant 0 : i32
      %dma_wait3A_145 = arith.constant 0 : i32
      %dma_wait3A_146 = tpu.memref_slice %arg2[%dma_wait3A_144, %dma_wait3A_145] : memref<43520x256xf32, #tpu.memory_space<hbm>> -> memref<43520x256xf32, #tpu.memory_space<hbm>>
      tpu.wait_indirect_dma semaphore(%arg30 : memref<!tpu.dma_semaphore, #tpu.memory_space<semaphore_mem>>) src(%dma_wait3A_146 : memref<43520x256xf32, #tpu.memory_space<hbm>>) dst(%arg27 : memref<48x256xf32, #tpu.memory_space<vmem>>)
      %gt3A_147 = arith.constant 0 : i32
      %gt3A_148 = arith.cmpi sgt, %add3A_128, %gt3A_147 : i32
      %convert_element_type3A_149 = arith.extui %gt3A_148 : i1 to i32
      %cond3A_150 = arith.constant 0 : i32
      %cond3A_151 = arith.cmpi ne, %convert_element_type3A_149, %cond3A_150 : i32
      scf.if %cond3A_151 {
        %mul3A_171 = arith.constant 48 : i32
        %mul3A_172 = arith.muli %add3A_128, %mul3A_171 : i32
        %add3A_173 = arith.addi %mul3A_2, %mul3A_172 : i32
        %dma_wait3A_174 = arith.constant 0 : i32
        %dma_wait3A_175 = tpu.memref_slice %arg11[%add3A_173, %dma_wait3A_174] : memref<49152x256xf32, #tpu.memory_space<hbm>> -> memref<48x256xf32, #tpu.memory_space<hbm>>
        %dma_wait3A_176 = arith.constant 0 : i32
        %dma_wait3A_177 = tpu.memref_slice %arg11[%add3A_173, %dma_wait3A_176] : memref<49152x256xf32, #tpu.memory_space<hbm>> -> memref<48x256xf32, #tpu.memory_space<hbm>>
        tpu.wait_dma2 semaphore(%arg31 : memref<!tpu.dma_semaphore, #tpu.memory_space<semaphore_mem>>) src(%arg28 : memref<48x256xf32, #tpu.memory_space<vmem>>) dst(%dma_wait3A_177 : memref<48x256xf32, #tpu.memory_space<hbm>>)
      } else {
      }
      %mul3A_152 = arith.constant 48 : i32
      %mul3A_153 = arith.muli %add3A_128, %mul3A_152 : i32
      %parallel_loop3A_154 = arith.constant 0 : i32
      %parallel_loop3A_155 = arith.constant 48 : i32
      %parallel_loop3A_156 = arith.constant 1 : i32
      scf.for %parallel_loop3A_171 = %parallel_loop3A_154 to %parallel_loop3A_155 step %parallel_loop3A_156  : i32 {
        %parallel_loop3A_172 = arith.addi %mul3A_153, %parallel_loop3A_171 : i32
        %parallel_loop3A_173 = vector.broadcast %parallel_loop3A_172 : i32 to vector<16xi32>
        %parallel_loop3A_174 = tpu.vector_load_idx %arg16[%parallel_loop3A_173] : memref<1536xf32, #tpu.memory_space<vmem>>[vector<16xi32>], vector<16xf32>,
        %parallel_loop3A_175 = tpu.vector_load_idx %arg17[%parallel_loop3A_173] : memref<1536xf32, #tpu.memory_space<vmem>>[vector<16xi32>], vector<16xf32>,
        %parallel_loop3A_176 = tpu.vector_load_idx %arg18[%parallel_loop3A_173] : memref<1536xf32, #tpu.memory_space<vmem>>[vector<16xi32>], vector<16xf32>,
        %parallel_loop3A_177 = tpu.vector_load_idx %arg19[%parallel_loop3A_173] : memref<1536xf32, #tpu.memory_space<vmem>>[vector<16xi32>], vector<16xf32>,
        %parallel_loop3A_178 = arith.index_cast %parallel_loop3A_171 : i32 to index
        %parallel_loop3A_179 = arith.constant 0 : index
        %parallel_loop3A_180 = tpu.vector_load %arg24[%parallel_loop3A_178, %parallel_loop3A_179] {strides = array<i32>} : memref<48x256xf32, #tpu.memory_space<vmem>>, vector<16xf32>,
        %parallel_loop3A_181 = arith.mulf %parallel_loop3A_174, %parallel_loop3A_180 : vector<16xf32>
        %parallel_loop3A_182 = arith.index_cast %parallel_loop3A_171 : i32 to index
        %parallel_loop3A_183 = arith.constant 0 : index
        %parallel_loop3A_184 = tpu.vector_load %arg25[%parallel_loop3A_182, %parallel_loop3A_183] {strides = array<i32>} : memref<48x256xf32, #tpu.memory_space<vmem>>, vector<16xf32>,
        %parallel_loop3A_185 = arith.mulf %parallel_loop3A_175, %parallel_loop3A_184 : vector<16xf32>
        %parallel_loop3A_186 = arith.addf %parallel_loop3A_181, %parallel_loop3A_185 : vector<16xf32>
        %parallel_loop3A_187 = arith.index_cast %parallel_loop3A_171 : i32 to index
        %parallel_loop3A_188 = arith.constant 0 : index
        %parallel_loop3A_189 = tpu.vector_load %arg26[%parallel_loop3A_187, %parallel_loop3A_188] {strides = array<i32>} : memref<48x256xf32, #tpu.memory_space<vmem>>, vector<16xf32>,
        %parallel_loop3A_190 = arith.mulf %parallel_loop3A_176, %parallel_loop3A_189 : vector<16xf32>
        %parallel_loop3A_191 = arith.addf %parallel_loop3A_186, %parallel_loop3A_190 : vector<16xf32>
        %parallel_loop3A_192 = arith.index_cast %parallel_loop3A_171 : i32 to index
        %parallel_loop3A_193 = arith.constant 0 : index
        %parallel_loop3A_194 = tpu.vector_load %arg27[%parallel_loop3A_192, %parallel_loop3A_193] {strides = array<i32>} : memref<48x256xf32, #tpu.memory_space<vmem>>, vector<16xf32>,
        %parallel_loop3A_195 = arith.mulf %parallel_loop3A_177, %parallel_loop3A_194 : vector<16xf32>
        %parallel_loop3A_196 = arith.addf %parallel_loop3A_191, %parallel_loop3A_195 : vector<16xf32>
        %parallel_loop3A_197 = arith.index_cast %parallel_loop3A_171 : i32 to index
        %parallel_loop3A_198 = arith.constant 0 : index
        %parallel_loop3A_199 = tpu.vector_load %arg28[%parallel_loop3A_197, %parallel_loop3A_198] {strides = array<i32>} : memref<48x256xf32, #tpu.memory_space<vmem>>, vector<16xf32>,
        tpu.vector_store %arg28[%parallel_loop3A_197, %parallel_loop3A_198], %parallel_loop3A_196 {strides = array<i32>} : memref<48x256xf32, #tpu.memory_space<vmem>>, vector<16xf32>,
        %parallel_loop3A_200 = arith.index_cast %parallel_loop3A_171 : i32 to index
        %parallel_loop3A_201 = arith.constant 16 : index
        %parallel_loop3A_202 = tpu.vector_load %arg24[%parallel_loop3A_200, %parallel_loop3A_201] {strides = array<i32>} : memref<48x256xf32, #tpu.memory_space<vmem>>, vector<16xf32>,
        %parallel_loop3A_203 = arith.mulf %parallel_loop3A_174, %parallel_loop3A_202 : vector<16xf32>
        %parallel_loop3A_204 = arith.index_cast %parallel_loop3A_171 : i32 to index
        %parallel_loop3A_205 = arith.constant 16 : index
        %parallel_loop3A_206 = tpu.vector_load %arg25[%parallel_loop3A_204, %parallel_loop3A_205] {strides = array<i32>} : memref<48x256xf32, #tpu.memory_space<vmem>>, vector<16xf32>,
        %parallel_loop3A_207 = arith.mulf %parallel_loop3A_175, %parallel_loop3A_206 : vector<16xf32>
        %parallel_loop3A_208 = arith.addf %parallel_loop3A_203, %parallel_loop3A_207 : vector<16xf32>
        %parallel_loop3A_209 = arith.index_cast %parallel_loop3A_171 : i32 to index
        %parallel_loop3A_210 = arith.constant 16 : index
        %parallel_loop3A_211 = tpu.vector_load %arg26[%parallel_loop3A_209, %parallel_loop3A_210] {strides = array<i32>} : memref<48x256xf32, #tpu.memory_space<vmem>>, vector<16xf32>,
        %parallel_loop3A_212 = arith.mulf %parallel_loop3A_176, %parallel_loop3A_211 : vector<16xf32>
        %parallel_loop3A_213 = arith.addf %parallel_loop3A_208, %parallel_loop3A_212 : vector<16xf32>
        %parallel_loop3A_214 = arith.index_cast %parallel_loop3A_171 : i32 to index
        %parallel_loop3A_215 = arith.constant 16 : index
        %parallel_loop3A_216 = tpu.vector_load %arg27[%parallel_loop3A_214, %parallel_loop3A_215] {strides = array<i32>} : memref<48x256xf32, #tpu.memory_space<vmem>>, vector<16xf32>,
        %parallel_loop3A_217 = arith.mulf %parallel_loop3A_177, %parallel_loop3A_216 : vector<16xf32>
        %parallel_loop3A_218 = arith.addf %parallel_loop3A_213, %parallel_loop3A_217 : vector<16xf32>
        %parallel_loop3A_219 = arith.index_cast %parallel_loop3A_171 : i32 to index
        %parallel_loop3A_220 = arith.constant 16 : index
        %parallel_loop3A_221 = tpu.vector_load %arg28[%parallel_loop3A_219, %parallel_loop3A_220] {strides = array<i32>} : memref<48x256xf32, #tpu.memory_space<vmem>>, vector<16xf32>,
        tpu.vector_store %arg28[%parallel_loop3A_219, %parallel_loop3A_220], %parallel_loop3A_218 {strides = array<i32>} : memref<48x256xf32, #tpu.memory_space<vmem>>, vector<16xf32>,
        %parallel_loop3A_222 = arith.index_cast %parallel_loop3A_171 : i32 to index
        %parallel_loop3A_223 = arith.constant 32 : index
        %parallel_loop3A_224 = tpu.vector_load %arg24[%parallel_loop3A_222, %parallel_loop3A_223] {strides = array<i32>} : memref<48x256xf32, #tpu.memory_space<vmem>>, vector<16xf32>,
        %parallel_loop3A_225 = arith.mulf %parallel_loop3A_174, %parallel_loop3A_224 : vector<16xf32>
        %parallel_loop3A_226 = arith.index_cast %parallel_loop3A_171 : i32 to index
        %parallel_loop3A_227 = arith.constant 32 : index
        %parallel_loop3A_228 = tpu.vector_load %arg25[%parallel_loop3A_226, %parallel_loop3A_227] {strides = array<i32>} : memref<48x256xf32, #tpu.memory_space<vmem>>, vector<16xf32>,
        %parallel_loop3A_229 = arith.mulf %parallel_loop3A_175, %parallel_loop3A_228 : vector<16xf32>
        %parallel_loop3A_230 = arith.addf %parallel_loop3A_225, %parallel_loop3A_229 : vector<16xf32>
        %parallel_loop3A_231 = arith.index_cast %parallel_loop3A_171 : i32 to index
        %parallel_loop3A_232 = arith.constant 32 : index
        %parallel_loop3A_233 = tpu.vector_load %arg26[%parallel_loop3A_231, %parallel_loop3A_232] {strides = array<i32>} : memref<48x256xf32, #tpu.memory_space<vmem>>, vector<16xf32>,
        %parallel_loop3A_234 = arith.mulf %parallel_loop3A_176, %parallel_loop3A_233 : vector<16xf32>
        %parallel_loop3A_235 = arith.addf %parallel_loop3A_230, %parallel_loop3A_234 : vector<16xf32>
        %parallel_loop3A_236 = arith.index_cast %parallel_loop3A_171 : i32 to index
        %parallel_loop3A_237 = arith.constant 32 : index
        %parallel_loop3A_238 = tpu.vector_load %arg27[%parallel_loop3A_236, %parallel_loop3A_237] {strides = array<i32>} : memref<48x256xf32, #tpu.memory_space<vmem>>, vector<16xf32>,
        %parallel_loop3A_239 = arith.mulf %parallel_loop3A_177, %parallel_loop3A_238 : vector<16xf32>
        %parallel_loop3A_240 = arith.addf %parallel_loop3A_235, %parallel_loop3A_239 : vector<16xf32>
        %parallel_loop3A_241 = arith.index_cast %parallel_loop3A_171 : i32 to index
        %parallel_loop3A_242 = arith.constant 32 : index
        %parallel_loop3A_243 = tpu.vector_load %arg28[%parallel_loop3A_241, %parallel_loop3A_242] {strides = array<i32>} : memref<48x256xf32, #tpu.memory_space<vmem>>, vector<16xf32>,
        tpu.vector_store %arg28[%parallel_loop3A_241, %parallel_loop3A_242], %parallel_loop3A_240 {strides = array<i32>} : memref<48x256xf32, #tpu.memory_space<vmem>>, vector<16xf32>,
        %parallel_loop3A_244 = arith.index_cast %parallel_loop3A_171 : i32 to index
        %parallel_loop3A_245 = arith.constant 48 : index
        %parallel_loop3A_246 = tpu.vector_load %arg24[%parallel_loop3A_244, %parallel_loop3A_245] {strides = array<i32>} : memref<48x256xf32, #tpu.memory_space<vmem>>, vector<16xf32>,
        %parallel_loop3A_247 = arith.mulf %parallel_loop3A_174, %parallel_loop3A_246 : vector<16xf32>
        %parallel_loop3A_248 = arith.index_cast %parallel_loop3A_171 : i32 to index
        %parallel_loop3A_249 = arith.constant 48 : index
        %parallel_loop3A_250 = tpu.vector_load %arg25[%parallel_loop3A_248, %parallel_loop3A_249] {strides = array<i32>} : memref<48x256xf32, #tpu.memory_space<vmem>>, vector<16xf32>,
        %parallel_loop3A_251 = arith.mulf %parallel_loop3A_175, %parallel_loop3A_250 : vector<16xf32>
        %parallel_loop3A_252 = arith.addf %parallel_loop3A_247, %parallel_loop3A_251 : vector<16xf32>
        %parallel_loop3A_253 = arith.index_cast %parallel_loop3A_171 : i32 to index
        %parallel_loop3A_254 = arith.constant 48 : index
        %parallel_loop3A_255 = tpu.vector_load %arg26[%parallel_loop3A_253, %parallel_loop3A_254] {strides = array<i32>} : memref<48x256xf32, #tpu.memory_space<vmem>>, vector<16xf32>,
        %parallel_loop3A_256 = arith.mulf %parallel_loop3A_176, %parallel_loop3A_255 : vector<16xf32>
        %parallel_loop3A_257 = arith.addf %parallel_loop3A_252, %parallel_loop3A_256 : vector<16xf32>
        %parallel_loop3A_258 = arith.index_cast %parallel_loop3A_171 : i32 to index
        %parallel_loop3A_259 = arith.constant 48 : index
        %parallel_loop3A_260 = tpu.vector_load %arg27[%parallel_loop3A_258, %parallel_loop3A_259] {strides = array<i32>} : memref<48x256xf32, #tpu.memory_space<vmem>>, vector<16xf32>,
        %parallel_loop3A_261 = arith.mulf %parallel_loop3A_177, %parallel_loop3A_260 : vector<16xf32>
        %parallel_loop3A_262 = arith.addf %parallel_loop3A_257, %parallel_loop3A_261 : vector<16xf32>
        %parallel_loop3A_263 = arith.index_cast %parallel_loop3A_171 : i32 to index
        %parallel_loop3A_264 = arith.constant 48 : index
        %parallel_loop3A_265 = tpu.vector_load %arg28[%parallel_loop3A_263, %parallel_loop3A_264] {strides = array<i32>} : memref<48x256xf32, #tpu.memory_space<vmem>>, vector<16xf32>,
        tpu.vector_store %arg28[%parallel_loop3A_263, %parallel_loop3A_264], %parallel_loop3A_262 {strides = array<i32>} : memref<48x256xf32, #tpu.memory_space<vmem>>, vector<16xf32>,
        %parallel_loop3A_266 = arith.index_cast %parallel_loop3A_171 : i32 to index
        %parallel_loop3A_267 = arith.constant 64 : index
        %parallel_loop3A_268 = tpu.vector_load %arg24[%parallel_loop3A_266, %parallel_loop3A_267] {strides = array<i32>} : memref<48x256xf32, #tpu.memory_space<vmem>>, vector<16xf32>,
        %parallel_loop3A_269 = arith.mulf %parallel_loop3A_174, %parallel_loop3A_268 : vector<16xf32>
        %parallel_loop3A_270 = arith.index_cast %parallel_loop3A_171 : i32 to index
        %parallel_loop3A_271 = arith.constant 64 : index
        %parallel_loop3A_272 = tpu.vector_load %arg25[%parallel_loop3A_270, %parallel_loop3A_271] {strides = array<i32>} : memref<48x256xf32, #tpu.memory_space<vmem>>, vector<16xf32>,
        %parallel_loop3A_273 = arith.mulf %parallel_loop3A_175, %parallel_loop3A_272 : vector<16xf32>
        %parallel_loop3A_274 = arith.addf %parallel_loop3A_269, %parallel_loop3A_273 : vector<16xf32>
        %parallel_loop3A_275 = arith.index_cast %parallel_loop3A_171 : i32 to index
        %parallel_loop3A_276 = arith.constant 64 : index
        %parallel_loop3A_277 = tpu.vector_load %arg26[%parallel_loop3A_275, %parallel_loop3A_276] {strides = array<i32>} : memref<48x256xf32, #tpu.memory_space<vmem>>, vector<16xf32>,
        %parallel_loop3A_278 = arith.mulf %parallel_loop3A_176, %parallel_loop3A_277 : vector<16xf32>
        %parallel_loop3A_279 = arith.addf %parallel_loop3A_274, %parallel_loop3A_278 : vector<16xf32>
        %parallel_loop3A_280 = arith.index_cast %parallel_loop3A_171 : i32 to index
        %parallel_loop3A_281 = arith.constant 64 : index
        %parallel_loop3A_282 = tpu.vector_load %arg27[%parallel_loop3A_280, %parallel_loop3A_281] {strides = array<i32>} : memref<48x256xf32, #tpu.memory_space<vmem>>, vector<16xf32>,
        %parallel_loop3A_283 = arith.mulf %parallel_loop3A_177, %parallel_loop3A_282 : vector<16xf32>
        %parallel_loop3A_284 = arith.addf %parallel_loop3A_279, %parallel_loop3A_283 : vector<16xf32>
        %parallel_loop3A_285 = arith.index_cast %parallel_loop3A_171 : i32 to index
        %parallel_loop3A_286 = arith.constant 64 : index
        %parallel_loop3A_287 = tpu.vector_load %arg28[%parallel_loop3A_285, %parallel_loop3A_286] {strides = array<i32>} : memref<48x256xf32, #tpu.memory_space<vmem>>, vector<16xf32>,
        tpu.vector_store %arg28[%parallel_loop3A_285, %parallel_loop3A_286], %parallel_loop3A_284 {strides = array<i32>} : memref<48x256xf32, #tpu.memory_space<vmem>>, vector<16xf32>,
        %parallel_loop3A_288 = arith.index_cast %parallel_loop3A_171 : i32 to index
        %parallel_loop3A_289 = arith.constant 80 : index
        %parallel_loop3A_290 = tpu.vector_load %arg24[%parallel_loop3A_288, %parallel_loop3A_289] {strides = array<i32>} : memref<48x256xf32, #tpu.memory_space<vmem>>, vector<16xf32>,
        %parallel_loop3A_291 = arith.mulf %parallel_loop3A_174, %parallel_loop3A_290 : vector<16xf32>
        %parallel_loop3A_292 = arith.index_cast %parallel_loop3A_171 : i32 to index
        %parallel_loop3A_293 = arith.constant 80 : index
        %parallel_loop3A_294 = tpu.vector_load %arg25[%parallel_loop3A_292, %parallel_loop3A_293] {strides = array<i32>} : memref<48x256xf32, #tpu.memory_space<vmem>>, vector<16xf32>,
        %parallel_loop3A_295 = arith.mulf %parallel_loop3A_175, %parallel_loop3A_294 : vector<16xf32>
        %parallel_loop3A_296 = arith.addf %parallel_loop3A_291, %parallel_loop3A_295 : vector<16xf32>
        %parallel_loop3A_297 = arith.index_cast %parallel_loop3A_171 : i32 to index
        %parallel_loop3A_298 = arith.constant 80 : index
        %parallel_loop3A_299 = tpu.vector_load %arg26[%parallel_loop3A_297, %parallel_loop3A_298] {strides = array<i32>} : memref<48x256xf32, #tpu.memory_space<vmem>>, vector<16xf32>,
        %parallel_loop3A_300 = arith.mulf %parallel_loop3A_176, %parallel_loop3A_299 : vector<16xf32>
        %parallel_loop3A_301 = arith.addf %parallel_loop3A_296, %parallel_loop3A_300 : vector<16xf32>
        %parallel_loop3A_302 = arith.index_cast %parallel_loop3A_171 : i32 to index
        %parallel_loop3A_303 = arith.constant 80 : index
        %parallel_loop3A_304 = tpu.vector_load %arg27[%parallel_loop3A_302, %parallel_loop3A_303] {strides = array<i32>} : memref<48x256xf32, #tpu.memory_space<vmem>>, vector<16xf32>,
        %parallel_loop3A_305 = arith.mulf %parallel_loop3A_177, %parallel_loop3A_304 : vector<16xf32>
        %parallel_loop3A_306 = arith.addf %parallel_loop3A_301, %parallel_loop3A_305 : vector<16xf32>
        %parallel_loop3A_307 = arith.index_cast %parallel_loop3A_171 : i32 to index
        %parallel_loop3A_308 = arith.constant 80 : index
        %parallel_loop3A_309 = tpu.vector_load %arg28[%parallel_loop3A_307, %parallel_loop3A_308] {strides = array<i32>} : memref<48x256xf32, #tpu.memory_space<vmem>>, vector<16xf32>,
        tpu.vector_store %arg28[%parallel_loop3A_307, %parallel_loop3A_308], %parallel_loop3A_306 {strides = array<i32>} : memref<48x256xf32, #tpu.memory_space<vmem>>, vector<16xf32>,
        %parallel_loop3A_310 = arith.index_cast %parallel_loop3A_171 : i32 to index
        %parallel_loop3A_311 = arith.constant 96 : index
        %parallel_loop3A_312 = tpu.vector_load %arg24[%parallel_loop3A_310, %parallel_loop3A_311] {strides = array<i32>} : memref<48x256xf32, #tpu.memory_space<vmem>>, vector<16xf32>,
        %parallel_loop3A_313 = arith.mulf %parallel_loop3A_174, %parallel_loop3A_312 : vector<16xf32>
        %parallel_loop3A_314 = arith.index_cast %parallel_loop3A_171 : i32 to index
        %parallel_loop3A_315 = arith.constant 96 : index
        %parallel_loop3A_316 = tpu.vector_load %arg25[%parallel_loop3A_314, %parallel_loop3A_315] {strides = array<i32>} : memref<48x256xf32, #tpu.memory_space<vmem>>, vector<16xf32>,
        %parallel_loop3A_317 = arith.mulf %parallel_loop3A_175, %parallel_loop3A_316 : vector<16xf32>
        %parallel_loop3A_318 = arith.addf %parallel_loop3A_313, %parallel_loop3A_317 : vector<16xf32>
        %parallel_loop3A_319 = arith.index_cast %parallel_loop3A_171 : i32 to index
        %parallel_loop3A_320 = arith.constant 96 : index
        %parallel_loop3A_321 = tpu.vector_load %arg26[%parallel_loop3A_319, %parallel_loop3A_320] {strides = array<i32>} : memref<48x256xf32, #tpu.memory_space<vmem>>, vector<16xf32>,
        %parallel_loop3A_322 = arith.mulf %parallel_loop3A_176, %parallel_loop3A_321 : vector<16xf32>
        %parallel_loop3A_323 = arith.addf %parallel_loop3A_318, %parallel_loop3A_322 : vector<16xf32>
        %parallel_loop3A_324 = arith.index_cast %parallel_loop3A_171 : i32 to index
        %parallel_loop3A_325 = arith.constant 96 : index
        %parallel_loop3A_326 = tpu.vector_load %arg27[%parallel_loop3A_324, %parallel_loop3A_325] {strides = array<i32>} : memref<48x256xf32, #tpu.memory_space<vmem>>, vector<16xf32>,
        %parallel_loop3A_327 = arith.mulf %parallel_loop3A_177, %parallel_loop3A_326 : vector<16xf32>
        %parallel_loop3A_328 = arith.addf %parallel_loop3A_323, %parallel_loop3A_327 : vector<16xf32>
        %parallel_loop3A_329 = arith.index_cast %parallel_loop3A_171 : i32 to index
        %parallel_loop3A_330 = arith.constant 96 : index
        %parallel_loop3A_331 = tpu.vector_load %arg28[%parallel_loop3A_329, %parallel_loop3A_330] {strides = array<i32>} : memref<48x256xf32, #tpu.memory_space<vmem>>, vector<16xf32>,
        tpu.vector_store %arg28[%parallel_loop3A_329, %parallel_loop3A_330], %parallel_loop3A_328 {strides = array<i32>} : memref<48x256xf32, #tpu.memory_space<vmem>>, vector<16xf32>,
        %parallel_loop3A_332 = arith.index_cast %parallel_loop3A_171 : i32 to index
        %parallel_loop3A_333 = arith.constant 112 : index
        %parallel_loop3A_334 = tpu.vector_load %arg24[%parallel_loop3A_332, %parallel_loop3A_333] {strides = array<i32>} : memref<48x256xf32, #tpu.memory_space<vmem>>, vector<16xf32>,
        %parallel_loop3A_335 = arith.mulf %parallel_loop3A_174, %parallel_loop3A_334 : vector<16xf32>
        %parallel_loop3A_336 = arith.index_cast %parallel_loop3A_171 : i32 to index
        %parallel_loop3A_337 = arith.constant 112 : index
        %parallel_loop3A_338 = tpu.vector_load %arg25[%parallel_loop3A_336, %parallel_loop3A_337] {strides = array<i32>} : memref<48x256xf32, #tpu.memory_space<vmem>>, vector<16xf32>,
        %parallel_loop3A_339 = arith.mulf %parallel_loop3A_175, %parallel_loop3A_338 : vector<16xf32>
        %parallel_loop3A_340 = arith.addf %parallel_loop3A_335, %parallel_loop3A_339 : vector<16xf32>
        %parallel_loop3A_341 = arith.index_cast %parallel_loop3A_171 : i32 to index
        %parallel_loop3A_342 = arith.constant 112 : index
        %parallel_loop3A_343 = tpu.vector_load %arg26[%parallel_loop3A_341, %parallel_loop3A_342] {strides = array<i32>} : memref<48x256xf32, #tpu.memory_space<vmem>>, vector<16xf32>,
        %parallel_loop3A_344 = arith.mulf %parallel_loop3A_176, %parallel_loop3A_343 : vector<16xf32>
        %parallel_loop3A_345 = arith.addf %parallel_loop3A_340, %parallel_loop3A_344 : vector<16xf32>
        %parallel_loop3A_346 = arith.index_cast %parallel_loop3A_171 : i32 to index
        %parallel_loop3A_347 = arith.constant 112 : index
        %parallel_loop3A_348 = tpu.vector_load %arg27[%parallel_loop3A_346, %parallel_loop3A_347] {strides = array<i32>} : memref<48x256xf32, #tpu.memory_space<vmem>>, vector<16xf32>,
        %parallel_loop3A_349 = arith.mulf %parallel_loop3A_177, %parallel_loop3A_348 : vector<16xf32>
        %parallel_loop3A_350 = arith.addf %parallel_loop3A_345, %parallel_loop3A_349 : vector<16xf32>
        %parallel_loop3A_351 = arith.index_cast %parallel_loop3A_171 : i32 to index
        %parallel_loop3A_352 = arith.constant 112 : index
        %parallel_loop3A_353 = tpu.vector_load %arg28[%parallel_loop3A_351, %parallel_loop3A_352] {strides = array<i32>} : memref<48x256xf32, #tpu.memory_space<vmem>>, vector<16xf32>,
        tpu.vector_store %arg28[%parallel_loop3A_351, %parallel_loop3A_352], %parallel_loop3A_350 {strides = array<i32>} : memref<48x256xf32, #tpu.memory_space<vmem>>, vector<16xf32>,
        %parallel_loop3A_354 = arith.index_cast %parallel_loop3A_171 : i32 to index
        %parallel_loop3A_355 = arith.constant 128 : index
        %parallel_loop3A_356 = tpu.vector_load %arg24[%parallel_loop3A_354, %parallel_loop3A_355] {strides = array<i32>} : memref<48x256xf32, #tpu.memory_space<vmem>>, vector<16xf32>,
        %parallel_loop3A_357 = arith.mulf %parallel_loop3A_174, %parallel_loop3A_356 : vector<16xf32>
        %parallel_loop3A_358 = arith.index_cast %parallel_loop3A_171 : i32 to index
        %parallel_loop3A_359 = arith.constant 128 : index
        %parallel_loop3A_360 = tpu.vector_load %arg25[%parallel_loop3A_358, %parallel_loop3A_359] {strides = array<i32>} : memref<48x256xf32, #tpu.memory_space<vmem>>, vector<16xf32>,
        %parallel_loop3A_361 = arith.mulf %parallel_loop3A_175, %parallel_loop3A_360 : vector<16xf32>
        %parallel_loop3A_362 = arith.addf %parallel_loop3A_357, %parallel_loop3A_361 : vector<16xf32>
        %parallel_loop3A_363 = arith.index_cast %parallel_loop3A_171 : i32 to index
        %parallel_loop3A_364 = arith.constant 128 : index
        %parallel_loop3A_365 = tpu.vector_load %arg26[%parallel_loop3A_363, %parallel_loop3A_364] {strides = array<i32>} : memref<48x256xf32, #tpu.memory_space<vmem>>, vector<16xf32>,
        %parallel_loop3A_366 = arith.mulf %parallel_loop3A_176, %parallel_loop3A_365 : vector<16xf32>
        %parallel_loop3A_367 = arith.addf %parallel_loop3A_362, %parallel_loop3A_366 : vector<16xf32>
        %parallel_loop3A_368 = arith.index_cast %parallel_loop3A_171 : i32 to index
        %parallel_loop3A_369 = arith.constant 128 : index
        %parallel_loop3A_370 = tpu.vector_load %arg27[%parallel_loop3A_368, %parallel_loop3A_369] {strides = array<i32>} : memref<48x256xf32, #tpu.memory_space<vmem>>, vector<16xf32>,
        %parallel_loop3A_371 = arith.mulf %parallel_loop3A_177, %parallel_loop3A_370 : vector<16xf32>
        %parallel_loop3A_372 = arith.addf %parallel_loop3A_367, %parallel_loop3A_371 : vector<16xf32>
        %parallel_loop3A_373 = arith.index_cast %parallel_loop3A_171 : i32 to index
        %parallel_loop3A_374 = arith.constant 128 : index
        %parallel_loop3A_375 = tpu.vector_load %arg28[%parallel_loop3A_373, %parallel_loop3A_374] {strides = array<i32>} : memref<48x256xf32, #tpu.memory_space<vmem>>, vector<16xf32>,
        tpu.vector_store %arg28[%parallel_loop3A_373, %parallel_loop3A_374], %parallel_loop3A_372 {strides = array<i32>} : memref<48x256xf32, #tpu.memory_space<vmem>>, vector<16xf32>,
        %parallel_loop3A_376 = arith.index_cast %parallel_loop3A_171 : i32 to index
        %parallel_loop3A_377 = arith.constant 144 : index
        %parallel_loop3A_378 = tpu.vector_load %arg24[%parallel_loop3A_376, %parallel_loop3A_377] {strides = array<i32>} : memref<48x256xf32, #tpu.memory_space<vmem>>, vector<16xf32>,
        %parallel_loop3A_379 = arith.mulf %parallel_loop3A_174, %parallel_loop3A_378 : vector<16xf32>
        %parallel_loop3A_380 = arith.index_cast %parallel_loop3A_171 : i32 to index
        %parallel_loop3A_381 = arith.constant 144 : index
        %parallel_loop3A_382 = tpu.vector_load %arg25[%parallel_loop3A_380, %parallel_loop3A_381] {strides = array<i32>} : memref<48x256xf32, #tpu.memory_space<vmem>>, vector<16xf32>,
        %parallel_loop3A_383 = arith.mulf %parallel_loop3A_175, %parallel_loop3A_382 : vector<16xf32>
        %parallel_loop3A_384 = arith.addf %parallel_loop3A_379, %parallel_loop3A_383 : vector<16xf32>
        %parallel_loop3A_385 = arith.index_cast %parallel_loop3A_171 : i32 to index
        %parallel_loop3A_386 = arith.constant 144 : index
        %parallel_loop3A_387 = tpu.vector_load %arg26[%parallel_loop3A_385, %parallel_loop3A_386] {strides = array<i32>} : memref<48x256xf32, #tpu.memory_space<vmem>>, vector<16xf32>,
        %parallel_loop3A_388 = arith.mulf %parallel_loop3A_176, %parallel_loop3A_387 : vector<16xf32>
        %parallel_loop3A_389 = arith.addf %parallel_loop3A_384, %parallel_loop3A_388 : vector<16xf32>
        %parallel_loop3A_390 = arith.index_cast %parallel_loop3A_171 : i32 to index
        %parallel_loop3A_391 = arith.constant 144 : index
        %parallel_loop3A_392 = tpu.vector_load %arg27[%parallel_loop3A_390, %parallel_loop3A_391] {strides = array<i32>} : memref<48x256xf32, #tpu.memory_space<vmem>>, vector<16xf32>,
        %parallel_loop3A_393 = arith.mulf %parallel_loop3A_177, %parallel_loop3A_392 : vector<16xf32>
        %parallel_loop3A_394 = arith.addf %parallel_loop3A_389, %parallel_loop3A_393 : vector<16xf32>
        %parallel_loop3A_395 = arith.index_cast %parallel_loop3A_171 : i32 to index
        %parallel_loop3A_396 = arith.constant 144 : index
        %parallel_loop3A_397 = tpu.vector_load %arg28[%parallel_loop3A_395, %parallel_loop3A_396] {strides = array<i32>} : memref<48x256xf32, #tpu.memory_space<vmem>>, vector<16xf32>,
        tpu.vector_store %arg28[%parallel_loop3A_395, %parallel_loop3A_396], %parallel_loop3A_394 {strides = array<i32>} : memref<48x256xf32, #tpu.memory_space<vmem>>, vector<16xf32>,
        %parallel_loop3A_398 = arith.index_cast %parallel_loop3A_171 : i32 to index
        %parallel_loop3A_399 = arith.constant 160 : index
        %parallel_loop3A_400 = tpu.vector_load %arg24[%parallel_loop3A_398, %parallel_loop3A_399] {strides = array<i32>} : memref<48x256xf32, #tpu.memory_space<vmem>>, vector<16xf32>,
        %parallel_loop3A_401 = arith.mulf %parallel_loop3A_174, %parallel_loop3A_400 : vector<16xf32>
        %parallel_loop3A_402 = arith.index_cast %parallel_loop3A_171 : i32 to index
        %parallel_loop3A_403 = arith.constant 160 : index
        %parallel_loop3A_404 = tpu.vector_load %arg25[%parallel_loop3A_402, %parallel_loop3A_403] {strides = array<i32>} : memref<48x256xf32, #tpu.memory_space<vmem>>, vector<16xf32>,
        %parallel_loop3A_405 = arith.mulf %parallel_loop3A_175, %parallel_loop3A_404 : vector<16xf32>
        %parallel_loop3A_406 = arith.addf %parallel_loop3A_401, %parallel_loop3A_405 : vector<16xf32>
        %parallel_loop3A_407 = arith.index_cast %parallel_loop3A_171 : i32 to index
        %parallel_loop3A_408 = arith.constant 160 : index
        %parallel_loop3A_409 = tpu.vector_load %arg26[%parallel_loop3A_407, %parallel_loop3A_408] {strides = array<i32>} : memref<48x256xf32, #tpu.memory_space<vmem>>, vector<16xf32>,
        %parallel_loop3A_410 = arith.mulf %parallel_loop3A_176, %parallel_loop3A_409 : vector<16xf32>
        %parallel_loop3A_411 = arith.addf %parallel_loop3A_406, %parallel_loop3A_410 : vector<16xf32>
        %parallel_loop3A_412 = arith.index_cast %parallel_loop3A_171 : i32 to index
        %parallel_loop3A_413 = arith.constant 160 : index
        %parallel_loop3A_414 = tpu.vector_load %arg27[%parallel_loop3A_412, %parallel_loop3A_413] {strides = array<i32>} : memref<48x256xf32, #tpu.memory_space<vmem>>, vector<16xf32>,
        %parallel_loop3A_415 = arith.mulf %parallel_loop3A_177, %parallel_loop3A_414 : vector<16xf32>
        %parallel_loop3A_416 = arith.addf %parallel_loop3A_411, %parallel_loop3A_415 : vector<16xf32>
        %parallel_loop3A_417 = arith.index_cast %parallel_loop3A_171 : i32 to index
        %parallel_loop3A_418 = arith.constant 160 : index
        %parallel_loop3A_419 = tpu.vector_load %arg28[%parallel_loop3A_417, %parallel_loop3A_418] {strides = array<i32>} : memref<48x256xf32, #tpu.memory_space<vmem>>, vector<16xf32>,
        tpu.vector_store %arg28[%parallel_loop3A_417, %parallel_loop3A_418], %parallel_loop3A_416 {strides = array<i32>} : memref<48x256xf32, #tpu.memory_space<vmem>>, vector<16xf32>,
        %parallel_loop3A_420 = arith.index_cast %parallel_loop3A_171 : i32 to index
        %parallel_loop3A_421 = arith.constant 176 : index
        %parallel_loop3A_422 = tpu.vector_load %arg24[%parallel_loop3A_420, %parallel_loop3A_421] {strides = array<i32>} : memref<48x256xf32, #tpu.memory_space<vmem>>, vector<16xf32>,
        %parallel_loop3A_423 = arith.mulf %parallel_loop3A_174, %parallel_loop3A_422 : vector<16xf32>
        %parallel_loop3A_424 = arith.index_cast %parallel_loop3A_171 : i32 to index
        %parallel_loop3A_425 = arith.constant 176 : index
        %parallel_loop3A_426 = tpu.vector_load %arg25[%parallel_loop3A_424, %parallel_loop3A_425] {strides = array<i32>} : memref<48x256xf32, #tpu.memory_space<vmem>>, vector<16xf32>,
        %parallel_loop3A_427 = arith.mulf %parallel_loop3A_175, %parallel_loop3A_426 : vector<16xf32>
        %parallel_loop3A_428 = arith.addf %parallel_loop3A_423, %parallel_loop3A_427 : vector<16xf32>
        %parallel_loop3A_429 = arith.index_cast %parallel_loop3A_171 : i32 to index
        %parallel_loop3A_430 = arith.constant 176 : index
        %parallel_loop3A_431 = tpu.vector_load %arg26[%parallel_loop3A_429, %parallel_loop3A_430] {strides = array<i32>} : memref<48x256xf32, #tpu.memory_space<vmem>>, vector<16xf32>,
        %parallel_loop3A_432 = arith.mulf %parallel_loop3A_176, %parallel_loop3A_431 : vector<16xf32>
        %parallel_loop3A_433 = arith.addf %parallel_loop3A_428, %parallel_loop3A_432 : vector<16xf32>
        %parallel_loop3A_434 = arith.index_cast %parallel_loop3A_171 : i32 to index
        %parallel_loop3A_435 = arith.constant 176 : index
        %parallel_loop3A_436 = tpu.vector_load %arg27[%parallel_loop3A_434, %parallel_loop3A_435] {strides = array<i32>} : memref<48x256xf32, #tpu.memory_space<vmem>>, vector<16xf32>,
        %parallel_loop3A_437 = arith.mulf %parallel_loop3A_177, %parallel_loop3A_436 : vector<16xf32>
        %parallel_loop3A_438 = arith.addf %parallel_loop3A_433, %parallel_loop3A_437 : vector<16xf32>
        %parallel_loop3A_439 = arith.index_cast %parallel_loop3A_171 : i32 to index
        %parallel_loop3A_440 = arith.constant 176 : index
        %parallel_loop3A_441 = tpu.vector_load %arg28[%parallel_loop3A_439, %parallel_loop3A_440] {strides = array<i32>} : memref<48x256xf32, #tpu.memory_space<vmem>>, vector<16xf32>,
        tpu.vector_store %arg28[%parallel_loop3A_439, %parallel_loop3A_440], %parallel_loop3A_438 {strides = array<i32>} : memref<48x256xf32, #tpu.memory_space<vmem>>, vector<16xf32>,
        %parallel_loop3A_442 = arith.index_cast %parallel_loop3A_171 : i32 to index
        %parallel_loop3A_443 = arith.constant 192 : index
        %parallel_loop3A_444 = tpu.vector_load %arg24[%parallel_loop3A_442, %parallel_loop3A_443] {strides = array<i32>} : memref<48x256xf32, #tpu.memory_space<vmem>>, vector<16xf32>,
        %parallel_loop3A_445 = arith.mulf %parallel_loop3A_174, %parallel_loop3A_444 : vector<16xf32>
        %parallel_loop3A_446 = arith.index_cast %parallel_loop3A_171 : i32 to index
        %parallel_loop3A_447 = arith.constant 192 : index
        %parallel_loop3A_448 = tpu.vector_load %arg25[%parallel_loop3A_446, %parallel_loop3A_447] {strides = array<i32>} : memref<48x256xf32, #tpu.memory_space<vmem>>, vector<16xf32>,
        %parallel_loop3A_449 = arith.mulf %parallel_loop3A_175, %parallel_loop3A_448 : vector<16xf32>
        %parallel_loop3A_450 = arith.addf %parallel_loop3A_445, %parallel_loop3A_449 : vector<16xf32>
        %parallel_loop3A_451 = arith.index_cast %parallel_loop3A_171 : i32 to index
        %parallel_loop3A_452 = arith.constant 192 : index
        %parallel_loop3A_453 = tpu.vector_load %arg26[%parallel_loop3A_451, %parallel_loop3A_452] {strides = array<i32>} : memref<48x256xf32, #tpu.memory_space<vmem>>, vector<16xf32>,
        %parallel_loop3A_454 = arith.mulf %parallel_loop3A_176, %parallel_loop3A_453 : vector<16xf32>
        %parallel_loop3A_455 = arith.addf %parallel_loop3A_450, %parallel_loop3A_454 : vector<16xf32>
        %parallel_loop3A_456 = arith.index_cast %parallel_loop3A_171 : i32 to index
        %parallel_loop3A_457 = arith.constant 192 : index
        %parallel_loop3A_458 = tpu.vector_load %arg27[%parallel_loop3A_456, %parallel_loop3A_457] {strides = array<i32>} : memref<48x256xf32, #tpu.memory_space<vmem>>, vector<16xf32>,
        %parallel_loop3A_459 = arith.mulf %parallel_loop3A_177, %parallel_loop3A_458 : vector<16xf32>
        %parallel_loop3A_460 = arith.addf %parallel_loop3A_455, %parallel_loop3A_459 : vector<16xf32>
        %parallel_loop3A_461 = arith.index_cast %parallel_loop3A_171 : i32 to index
        %parallel_loop3A_462 = arith.constant 192 : index
        %parallel_loop3A_463 = tpu.vector_load %arg28[%parallel_loop3A_461, %parallel_loop3A_462] {strides = array<i32>} : memref<48x256xf32, #tpu.memory_space<vmem>>, vector<16xf32>,
        tpu.vector_store %arg28[%parallel_loop3A_461, %parallel_loop3A_462], %parallel_loop3A_460 {strides = array<i32>} : memref<48x256xf32, #tpu.memory_space<vmem>>, vector<16xf32>,
        %parallel_loop3A_464 = arith.index_cast %parallel_loop3A_171 : i32 to index
        %parallel_loop3A_465 = arith.constant 208 : index
        %parallel_loop3A_466 = tpu.vector_load %arg24[%parallel_loop3A_464, %parallel_loop3A_465] {strides = array<i32>} : memref<48x256xf32, #tpu.memory_space<vmem>>, vector<16xf32>,
        %parallel_loop3A_467 = arith.mulf %parallel_loop3A_174, %parallel_loop3A_466 : vector<16xf32>
        %parallel_loop3A_468 = arith.index_cast %parallel_loop3A_171 : i32 to index
        %parallel_loop3A_469 = arith.constant 208 : index
        %parallel_loop3A_470 = tpu.vector_load %arg25[%parallel_loop3A_468, %parallel_loop3A_469] {strides = array<i32>} : memref<48x256xf32, #tpu.memory_space<vmem>>, vector<16xf32>,
        %parallel_loop3A_471 = arith.mulf %parallel_loop3A_175, %parallel_loop3A_470 : vector<16xf32>
        %parallel_loop3A_472 = arith.addf %parallel_loop3A_467, %parallel_loop3A_471 : vector<16xf32>
        %parallel_loop3A_473 = arith.index_cast %parallel_loop3A_171 : i32 to index
        %parallel_loop3A_474 = arith.constant 208 : index
        %parallel_loop3A_475 = tpu.vector_load %arg26[%parallel_loop3A_473, %parallel_loop3A_474] {strides = array<i32>} : memref<48x256xf32, #tpu.memory_space<vmem>>, vector<16xf32>,
        %parallel_loop3A_476 = arith.mulf %parallel_loop3A_176, %parallel_loop3A_475 : vector<16xf32>
        %parallel_loop3A_477 = arith.addf %parallel_loop3A_472, %parallel_loop3A_476 : vector<16xf32>
        %parallel_loop3A_478 = arith.index_cast %parallel_loop3A_171 : i32 to index
        %parallel_loop3A_479 = arith.constant 208 : index
        %parallel_loop3A_480 = tpu.vector_load %arg27[%parallel_loop3A_478, %parallel_loop3A_479] {strides = array<i32>} : memref<48x256xf32, #tpu.memory_space<vmem>>, vector<16xf32>,
        %parallel_loop3A_481 = arith.mulf %parallel_loop3A_177, %parallel_loop3A_480 : vector<16xf32>
        %parallel_loop3A_482 = arith.addf %parallel_loop3A_477, %parallel_loop3A_481 : vector<16xf32>
        %parallel_loop3A_483 = arith.index_cast %parallel_loop3A_171 : i32 to index
        %parallel_loop3A_484 = arith.constant 208 : index
        %parallel_loop3A_485 = tpu.vector_load %arg28[%parallel_loop3A_483, %parallel_loop3A_484] {strides = array<i32>} : memref<48x256xf32, #tpu.memory_space<vmem>>, vector<16xf32>,
        tpu.vector_store %arg28[%parallel_loop3A_483, %parallel_loop3A_484], %parallel_loop3A_482 {strides = array<i32>} : memref<48x256xf32, #tpu.memory_space<vmem>>, vector<16xf32>,
        %parallel_loop3A_486 = arith.index_cast %parallel_loop3A_171 : i32 to index
        %parallel_loop3A_487 = arith.constant 224 : index
        %parallel_loop3A_488 = tpu.vector_load %arg24[%parallel_loop3A_486, %parallel_loop3A_487] {strides = array<i32>} : memref<48x256xf32, #tpu.memory_space<vmem>>, vector<16xf32>,
        %parallel_loop3A_489 = arith.mulf %parallel_loop3A_174, %parallel_loop3A_488 : vector<16xf32>
        %parallel_loop3A_490 = arith.index_cast %parallel_loop3A_171 : i32 to index
        %parallel_loop3A_491 = arith.constant 224 : index
        %parallel_loop3A_492 = tpu.vector_load %arg25[%parallel_loop3A_490, %parallel_loop3A_491] {strides = array<i32>} : memref<48x256xf32, #tpu.memory_space<vmem>>, vector<16xf32>,
        %parallel_loop3A_493 = arith.mulf %parallel_loop3A_175, %parallel_loop3A_492 : vector<16xf32>
        %parallel_loop3A_494 = arith.addf %parallel_loop3A_489, %parallel_loop3A_493 : vector<16xf32>
        %parallel_loop3A_495 = arith.index_cast %parallel_loop3A_171 : i32 to index
        %parallel_loop3A_496 = arith.constant 224 : index
        %parallel_loop3A_497 = tpu.vector_load %arg26[%parallel_loop3A_495, %parallel_loop3A_496] {strides = array<i32>} : memref<48x256xf32, #tpu.memory_space<vmem>>, vector<16xf32>,
        %parallel_loop3A_498 = arith.mulf %parallel_loop3A_176, %parallel_loop3A_497 : vector<16xf32>
        %parallel_loop3A_499 = arith.addf %parallel_loop3A_494, %parallel_loop3A_498 : vector<16xf32>
        %parallel_loop3A_500 = arith.index_cast %parallel_loop3A_171 : i32 to index
        %parallel_loop3A_501 = arith.constant 224 : index
        %parallel_loop3A_502 = tpu.vector_load %arg27[%parallel_loop3A_500, %parallel_loop3A_501] {strides = array<i32>} : memref<48x256xf32, #tpu.memory_space<vmem>>, vector<16xf32>,
        %parallel_loop3A_503 = arith.mulf %parallel_loop3A_177, %parallel_loop3A_502 : vector<16xf32>
        %parallel_loop3A_504 = arith.addf %parallel_loop3A_499, %parallel_loop3A_503 : vector<16xf32>
        %parallel_loop3A_505 = arith.index_cast %parallel_loop3A_171 : i32 to index
        %parallel_loop3A_506 = arith.constant 224 : index
        %parallel_loop3A_507 = tpu.vector_load %arg28[%parallel_loop3A_505, %parallel_loop3A_506] {strides = array<i32>} : memref<48x256xf32, #tpu.memory_space<vmem>>, vector<16xf32>,
        tpu.vector_store %arg28[%parallel_loop3A_505, %parallel_loop3A_506], %parallel_loop3A_504 {strides = array<i32>} : memref<48x256xf32, #tpu.memory_space<vmem>>, vector<16xf32>,
        %parallel_loop3A_508 = arith.index_cast %parallel_loop3A_171 : i32 to index
        %parallel_loop3A_509 = arith.constant 240 : index
        %parallel_loop3A_510 = tpu.vector_load %arg24[%parallel_loop3A_508, %parallel_loop3A_509] {strides = array<i32>} : memref<48x256xf32, #tpu.memory_space<vmem>>, vector<16xf32>,
        %parallel_loop3A_511 = arith.mulf %parallel_loop3A_174, %parallel_loop3A_510 : vector<16xf32>
        %parallel_loop3A_512 = arith.index_cast %parallel_loop3A_171 : i32 to index
        %parallel_loop3A_513 = arith.constant 240 : index
        %parallel_loop3A_514 = tpu.vector_load %arg25[%parallel_loop3A_512, %parallel_loop3A_513] {strides = array<i32>} : memref<48x256xf32, #tpu.memory_space<vmem>>, vector<16xf32>,
        %parallel_loop3A_515 = arith.mulf %parallel_loop3A_175, %parallel_loop3A_514 : vector<16xf32>
        %parallel_loop3A_516 = arith.addf %parallel_loop3A_511, %parallel_loop3A_515 : vector<16xf32>
        %parallel_loop3A_517 = arith.index_cast %parallel_loop3A_171 : i32 to index
        %parallel_loop3A_518 = arith.constant 240 : index
        %parallel_loop3A_519 = tpu.vector_load %arg26[%parallel_loop3A_517, %parallel_loop3A_518] {strides = array<i32>} : memref<48x256xf32, #tpu.memory_space<vmem>>, vector<16xf32>,
        %parallel_loop3A_520 = arith.mulf %parallel_loop3A_176, %parallel_loop3A_519 : vector<16xf32>
        %parallel_loop3A_521 = arith.addf %parallel_loop3A_516, %parallel_loop3A_520 : vector<16xf32>
        %parallel_loop3A_522 = arith.index_cast %parallel_loop3A_171 : i32 to index
        %parallel_loop3A_523 = arith.constant 240 : index
        %parallel_loop3A_524 = tpu.vector_load %arg27[%parallel_loop3A_522, %parallel_loop3A_523] {strides = array<i32>} : memref<48x256xf32, #tpu.memory_space<vmem>>, vector<16xf32>,
        %parallel_loop3A_525 = arith.mulf %parallel_loop3A_177, %parallel_loop3A_524 : vector<16xf32>
        %parallel_loop3A_526 = arith.addf %parallel_loop3A_521, %parallel_loop3A_525 : vector<16xf32>
        %parallel_loop3A_527 = arith.index_cast %parallel_loop3A_171 : i32 to index
        %parallel_loop3A_528 = arith.constant 240 : index
        %parallel_loop3A_529 = tpu.vector_load %arg28[%parallel_loop3A_527, %parallel_loop3A_528] {strides = array<i32>} : memref<48x256xf32, #tpu.memory_space<vmem>>, vector<16xf32>,
        tpu.vector_store %arg28[%parallel_loop3A_527, %parallel_loop3A_528], %parallel_loop3A_526 {strides = array<i32>} : memref<48x256xf32, #tpu.memory_space<vmem>>, vector<16xf32>,
      } {sc.loop_unroll_factor = 2 : i64, sc.parallel_access}
      %mul3A_157 = arith.constant 48 : i32
      %mul3A_158 = arith.muli %add3A_128, %mul3A_157 : i32
      %add3A_159 = arith.addi %mul3A_2, %mul3A_158 : i32
      %dma_start3A_160 = arith.constant 0 : i32
      %dma_start3A_161 = tpu.memref_slice %arg11[%add3A_159, %dma_start3A_160] : memref<49152x256xf32, #tpu.memory_space<hbm>> -> memref<48x256xf32, #tpu.memory_space<hbm>>
      %dma_start3A_162 = arith.constant 0 : i32
      %dma_start3A_163 = tpu.memref_slice %arg11[%add3A_159, %dma_start3A_162] : memref<49152x256xf32, #tpu.memory_space<hbm>> -> memref<48x256xf32, #tpu.memory_space<hbm>>
      tpu.enqueue_dma source(%arg28 : memref<48x256xf32, #tpu.memory_space<vmem>>) target(%dma_start3A_163 : memref<48x256xf32, #tpu.memory_space<hbm>>) target_semaphore(%arg31 : memref<!tpu.dma_semaphore, #tpu.memory_space<semaphore_mem>>)
      %add3A_164 = arith.constant 2 : i32
      %add3A_165 = arith.addi %add3A_128, %add3A_164 : i32
      %lt3A_166 = arith.constant 32 : i32
      %lt3A_167 = arith.cmpi slt, %add3A_165, %lt3A_166 : i32
      %convert_element_type3A_168 = arith.extui %lt3A_167 : i1 to i32
      %cond3A_169 = arith.constant 0 : i32
      %cond3A_170 = arith.cmpi ne, %convert_element_type3A_168, %cond3A_169 : i32
      scf.if %cond3A_170 {
        %add3A_171 = arith.constant 2 : i32
        %add3A_172 = arith.addi %add3A_128, %add3A_171 : i32
        %mul3A_173 = arith.constant 48 : i32
        %mul3A_174 = arith.muli %add3A_172, %mul3A_173 : i32
        %dma_start3A_175 = tpu.memref_slice %arg12[%mul3A_174] : memref<1536xi32, #tpu.memory_space<vmem>> -> memref<48xi32, #tpu.memory_space<vmem>>
        %dma_start3A_176 = arith.constant 0 : i32
        %dma_start3A_177 = arith.constant 0 : i32
        %dma_start3A_178 = tpu.memref_slice %arg2[%dma_start3A_176, %dma_start3A_177] : memref<43520x256xf32, #tpu.memory_space<hbm>> -> memref<43520x256xf32, #tpu.memory_space<hbm>>
        tpu.enqueue_indirect_dma source(%dma_start3A_178 : memref<43520x256xf32, #tpu.memory_space<hbm>>) target(%arg24 : memref<48x256xf32, #tpu.memory_space<vmem>>) offsets(%dma_start3A_175 : memref<48xi32, #tpu.memory_space<vmem>>) semaphore(%arg30 : memref<!tpu.dma_semaphore, #tpu.memory_space<semaphore_mem>>)
        %dma_start3A_179 = tpu.memref_slice %arg13[%mul3A_174] : memref<1536xi32, #tpu.memory_space<vmem>> -> memref<48xi32, #tpu.memory_space<vmem>>
        %dma_start3A_180 = arith.constant 0 : i32
        %dma_start3A_181 = arith.constant 0 : i32
        %dma_start3A_182 = tpu.memref_slice %arg2[%dma_start3A_180, %dma_start3A_181] : memref<43520x256xf32, #tpu.memory_space<hbm>> -> memref<43520x256xf32, #tpu.memory_space<hbm>>
        tpu.enqueue_indirect_dma source(%dma_start3A_182 : memref<43520x256xf32, #tpu.memory_space<hbm>>) target(%arg25 : memref<48x256xf32, #tpu.memory_space<vmem>>) offsets(%dma_start3A_179 : memref<48xi32, #tpu.memory_space<vmem>>) semaphore(%arg30 : memref<!tpu.dma_semaphore, #tpu.memory_space<semaphore_mem>>)
        %dma_start3A_183 = tpu.memref_slice %arg14[%mul3A_174] : memref<1536xi32, #tpu.memory_space<vmem>> -> memref<48xi32, #tpu.memory_space<vmem>>
        %dma_start3A_184 = arith.constant 0 : i32
        %dma_start3A_185 = arith.constant 0 : i32
        %dma_start3A_186 = tpu.memref_slice %arg2[%dma_start3A_184, %dma_start3A_185] : memref<43520x256xf32, #tpu.memory_space<hbm>> -> memref<43520x256xf32, #tpu.memory_space<hbm>>
        tpu.enqueue_indirect_dma source(%dma_start3A_186 : memref<43520x256xf32, #tpu.memory_space<hbm>>) target(%arg26 : memref<48x256xf32, #tpu.memory_space<vmem>>) offsets(%dma_start3A_183 : memref<48xi32, #tpu.memory_space<vmem>>) semaphore(%arg30 : memref<!tpu.dma_semaphore, #tpu.memory_space<semaphore_mem>>)
        %dma_start3A_187 = tpu.memref_slice %arg15[%mul3A_174] : memref<1536xi32, #tpu.memory_space<vmem>> -> memref<48xi32, #tpu.memory_space<vmem>>
        %dma_start3A_188 = arith.constant 0 : i32
        %dma_start3A_189 = arith.constant 0 : i32
        %dma_start3A_190 = tpu.memref_slice %arg2[%dma_start3A_188, %dma_start3A_189] : memref<43520x256xf32, #tpu.memory_space<hbm>> -> memref<43520x256xf32, #tpu.memory_space<hbm>>
        tpu.enqueue_indirect_dma source(%dma_start3A_190 : memref<43520x256xf32, #tpu.memory_space<hbm>>) target(%arg27 : memref<48x256xf32, #tpu.memory_space<vmem>>) offsets(%dma_start3A_187 : memref<48xi32, #tpu.memory_space<vmem>>) semaphore(%arg30 : memref<!tpu.dma_semaphore, #tpu.memory_space<semaphore_mem>>)
      } else {
      }
    }
    %scan3A_76 = arith.constant 16 : i32
    %add3A_77 = arith.constant 1488 : i32
    %add3A_78 = arith.addi %mul3A_2, %add3A_77 : i32
    %dma_wait3A_79 = arith.constant 0 : i32
    %dma_wait3A_80 = tpu.memref_slice %arg11[%add3A_78, %dma_wait3A_79] : memref<49152x256xf32, #tpu.memory_space<hbm>> -> memref<48x256xf32, #tpu.memory_space<hbm>>
    %dma_wait3A_81 = arith.constant 0 : i32
    %dma_wait3A_82 = tpu.memref_slice %arg11[%add3A_78, %dma_wait3A_81] : memref<49152x256xf32, #tpu.memory_space<hbm>> -> memref<48x256xf32, #tpu.memory_space<hbm>>
    tpu.wait_dma2 semaphore(%arg31 : memref<!tpu.dma_semaphore, #tpu.memory_space<semaphore_mem>>) src(%arg28 : memref<48x256xf32, #tpu.memory_space<vmem>>) dst(%dma_wait3A_82 : memref<48x256xf32, #tpu.memory_space<hbm>>)
    return
  }
}

module attributes {stable_mosaic.version = 14 : i64} {
  func.func @_prep_body(%arg0: memref<384x128xf32, #tpu.memory_space<vmem>>, %arg1: memref<384x128xf32, #tpu.memory_space<vmem>>, %arg2: memref<384x128xf32, #tpu.memory_space<vmem>>, %arg3: memref<384x128xf32, #tpu.memory_space<vmem>>, %arg4: memref<384x128xi32, #tpu.memory_space<vmem>>, %arg5: memref<384x128xi32, #tpu.memory_space<vmem>>, %arg6: memref<384x128xi32, #tpu.memory_space<vmem>>, %arg7: memref<384x128xi32, #tpu.memory_space<vmem>>, %arg8: memref<384x128xi32, #tpu.memory_space<vmem>>, %arg9: memref<384x128xf32, #tpu.memory_space<vmem>>, %arg10: memref<384x128xf32, #tpu.memory_space<vmem>>, %arg11: memref<384x128xf32, #tpu.memory_space<vmem>>, %arg12: memref<384x128xf32, #tpu.memory_space<vmem>>) attributes {dimension_semantics = [], scalar_prefetch = 0 : i64, scratch_operands = 0 : i64, tpu.core_type = #tpu.core_type<tc>} {
    %get3A = arith.constant 0 : index
    %get3A_0 = arith.constant 0 : index
    %get3A_1 = vector.load %arg0[%get3A, %get3A_0] : memref<384x128xf32, #tpu.memory_space<vmem>>, vector<384x128xf32>
    %get3A_2 = arith.constant 0 : index
    %get3A_3 = arith.constant 0 : index
    %get3A_4 = vector.load %arg1[%get3A_2, %get3A_3] : memref<384x128xf32, #tpu.memory_space<vmem>>, vector<384x128xf32>
    %get3A_5 = arith.constant 0 : index
    %get3A_6 = arith.constant 0 : index
    %get3A_7 = vector.load %arg2[%get3A_5, %get3A_6] : memref<384x128xf32, #tpu.memory_space<vmem>>, vector<384x128xf32>
    %get3A_8 = arith.constant 0 : index
    %get3A_9 = arith.constant 0 : index
    %get3A_10 = vector.load %arg3[%get3A_8, %get3A_9] : memref<384x128xf32, #tpu.memory_space<vmem>>, vector<384x128xf32>
    %get3A_11 = arith.constant 0 : index
    %get3A_12 = arith.constant 0 : index
    %get3A_13 = vector.load %arg4[%get3A_11, %get3A_12] : memref<384x128xi32, #tpu.memory_space<vmem>>, vector<384x128xi32>
    %iota3A = tpu.iota {dimensions = array<i32: 0>} : vector<384x128xi32>
    %iota3A_14 = tpu.iota {dimensions = array<i32: 1>} : vector<384x128xi32>
    %mul3A = arith.constant 128 : i32
    %mul3A_15 = vector.broadcast %mul3A : i32 to vector<384x128xi32>
    %mul3A_16 = arith.muli %iota3A, %mul3A_15 : vector<384x128xi32>
    %add3A = arith.addi %mul3A_16, %iota3A_14 : vector<384x128xi32>
    %jit3A = arith.constant 49 : i32
    %eq3A = arith.constant 0 : i32
    %eq3A_17 = arith.cmpi eq, %jit3A, %eq3A : i32
    %jit3A_18 = arith.constant 1 : i32
    %select_n3A = arith.select %eq3A_17, %jit3A_18, %jit3A : i32
    %rem3A = vector.broadcast %select_n3A : i32 to vector<384x128xi32>
    %rem3A_19 = arith.remsi %add3A, %rem3A : vector<384x128xi32>
    %ne3A = arith.constant 0 : i32
    %ne3A_20 = vector.broadcast %ne3A : i32 to vector<384x128xi32>
    %ne3A_21 = arith.cmpi ne, %rem3A_19, %ne3A_20 : vector<384x128xi32>
    %lt3A = arith.constant 0 : i32
    %lt3A_22 = vector.broadcast %lt3A : i32 to vector<384x128xi32>
    %lt3A_23 = arith.cmpi slt, %rem3A_19, %lt3A_22 : vector<384x128xi32>
    %lt3A_24 = arith.constant 0 : i32
    %lt3A_25 = arith.cmpi slt, %select_n3A, %lt3A_24 : i32
    %ne3A_26 = vector.broadcast %lt3A_25 : i1 to vector<384x128xi1>
    %ne3A_27 = vector.broadcast %ne3A_26 : vector<384x128xi1> to vector<384x128xi1>
    %ne3A_28 = arith.xori %lt3A_23, %ne3A_27 : vector<384x128xi1>
    %and3A = arith.andi %ne3A_28, %ne3A_21 : vector<384x128xi1>
    %add3A_29 = vector.broadcast %select_n3A : i32 to vector<384x128xi32>
    %add3A_30 = arith.addi %rem3A_19, %add3A_29 : vector<384x128xi32>
    %select_n3A_31 = arith.select %and3A, %add3A_30, %rem3A_19 : vector<384x128xi1>, vector<384x128xi32>
    %jit3A_32 = arith.constant 7 : i32
    %div3A = vector.broadcast %jit3A_32 : i32 to vector<384x128xi32>
    %div3A_33 = arith.divsi %select_n3A_31, %div3A : vector<384x128xi32>
    %sign3A = arith.constant 0 : i32
    %sign3A_34 = vector.broadcast %sign3A : i32 to vector<384x128xi32>
    %sign3A_35 = arith.cmpi sgt, %select_n3A_31, %sign3A_34 : vector<384x128xi32>
    %sign3A_36 = arith.extui %sign3A_35 : vector<384x128xi1> to vector<384x128xi32>
    %sign3A_37 = arith.constant 0 : i32
    %sign3A_38 = vector.broadcast %sign3A_37 : i32 to vector<384x128xi32>
    %sign3A_39 = arith.cmpi slt, %select_n3A_31, %sign3A_38 : vector<384x128xi32>
    %sign3A_40 = arith.extui %sign3A_39 : vector<384x128xi1> to vector<384x128xi32>
    %sign3A_41 = arith.subi %sign3A_36, %sign3A_40 : vector<384x128xi32>
    %sign3A_42 = arith.constant 0 : i32
    %sign3A_43 = arith.cmpi sgt, %jit3A_32, %sign3A_42 : i32
    %sign3A_44 = arith.extui %sign3A_43 : i1 to i32
    %sign3A_45 = arith.constant 0 : i32
    %sign3A_46 = arith.cmpi slt, %jit3A_32, %sign3A_45 : i32
    %sign3A_47 = arith.extui %sign3A_46 : i1 to i32
    %sign3A_48 = arith.subi %sign3A_44, %sign3A_47 : i32
    %ne3A_49 = vector.broadcast %sign3A_48 : i32 to vector<384x128xi32>
    %ne3A_50 = arith.cmpi ne, %sign3A_41, %ne3A_49 : vector<384x128xi32>
    %rem3A_51 = vector.broadcast %jit3A_32 : i32 to vector<384x128xi32>
    %rem3A_52 = arith.remsi %select_n3A_31, %rem3A_51 : vector<384x128xi32>
    %ne3A_53 = arith.constant 0 : i32
    %ne3A_54 = vector.broadcast %ne3A_53 : i32 to vector<384x128xi32>
    %ne3A_55 = arith.cmpi ne, %rem3A_52, %ne3A_54 : vector<384x128xi32>
    %and3A_56 = arith.andi %ne3A_50, %ne3A_55 : vector<384x128xi1>
    %sub3A = arith.constant 1 : i32
    %sub3A_57 = vector.broadcast %sub3A : i32 to vector<384x128xi32>
    %sub3A_58 = arith.subi %div3A_33, %sub3A_57 : vector<384x128xi32>
    %select_n3A_59 = arith.select %and3A_56, %sub3A_58, %div3A_33 : vector<384x128xi1>, vector<384x128xi32>
    %jit3A_60 = arith.constant 7 : i32
    %eq3A_61 = arith.constant 0 : i32
    %eq3A_62 = arith.cmpi eq, %jit3A_60, %eq3A_61 : i32
    %jit3A_63 = arith.constant 1 : i32
    %select_n3A_64 = arith.select %eq3A_62, %jit3A_63, %jit3A_60 : i32
    %rem3A_65 = vector.broadcast %select_n3A_64 : i32 to vector<384x128xi32>
    %rem3A_66 = arith.remsi %select_n3A_31, %rem3A_65 : vector<384x128xi32>
    %ne3A_67 = arith.constant 0 : i32
    %ne3A_68 = vector.broadcast %ne3A_67 : i32 to vector<384x128xi32>
    %ne3A_69 = arith.cmpi ne, %rem3A_66, %ne3A_68 : vector<384x128xi32>
    %lt3A_70 = arith.constant 0 : i32
    %lt3A_71 = vector.broadcast %lt3A_70 : i32 to vector<384x128xi32>
    %lt3A_72 = arith.cmpi slt, %rem3A_66, %lt3A_71 : vector<384x128xi32>
    %lt3A_73 = arith.constant 0 : i32
    %lt3A_74 = arith.cmpi slt, %select_n3A_64, %lt3A_73 : i32
    %ne3A_75 = vector.broadcast %lt3A_74 : i1 to vector<384x128xi1>
    %ne3A_76 = vector.broadcast %ne3A_75 : vector<384x128xi1> to vector<384x128xi1>
    %ne3A_77 = arith.xori %lt3A_72, %ne3A_76 : vector<384x128xi1>
    %and3A_78 = arith.andi %ne3A_77, %ne3A_69 : vector<384x128xi1>
    %add3A_79 = vector.broadcast %select_n3A_64 : i32 to vector<384x128xi32>
    %add3A_80 = arith.addi %rem3A_66, %add3A_79 : vector<384x128xi32>
    %select_n3A_81 = arith.select %and3A_78, %add3A_80, %rem3A_66 : vector<384x128xi1>, vector<384x128xi32>
    %sub3A_82 = arith.subf %get3A_7, %get3A_1 : vector<384x128xf32>
    %add3A_83 = arith.constant 1.000000e+00 : f32
    %add3A_84 = vector.broadcast %add3A_83 : f32 to vector<384x128xf32>
    %add3A_85 = arith.addf %sub3A_82, %add3A_84 : vector<384x128xf32>
    %sub3A_86 = arith.subf %get3A_10, %get3A_4 : vector<384x128xf32>
    %add3A_87 = arith.constant 1.000000e+00 : f32
    %add3A_88 = vector.broadcast %add3A_87 : f32 to vector<384x128xf32>
    %add3A_89 = arith.addf %sub3A_86, %add3A_88 : vector<384x128xf32>
    %mul3A_90 = arith.mulf %add3A_85, %add3A_89 : vector<384x128xf32>
    %broadcast_in_dim3A = arith.constant 0 : i32
    %broadcast_in_dim3A_91 = vector.broadcast %broadcast_in_dim3A : i32 to vector<384x128xi32>
    %div3A_92 = arith.constant 1.024000e+03 : f32
    %div3A_93 = vector.broadcast %div3A_92 : f32 to vector<384x128xf32>
    %div3A_94 = arith.divf %mul3A_90, %div3A_93 : vector<384x128xf32>
    %sqrt3A = math.sqrt %div3A_94 : vector<384x128xf32>
    %log3A = math.log %sqrt3A : vector<384x128xf32>
    %div3A_95 = arith.constant 0.693147182 : f32
    %div3A_96 = vector.broadcast %div3A_95 : f32 to vector<384x128xf32>
    %div3A_97 = arith.divf %log3A, %div3A_96 : vector<384x128xf32>
    %abs3A = math.absf %div3A_97 : vector<384x128xf32>
    %div3A_98 = arith.constant 4.096000e+03 : f32
    %div3A_99 = vector.broadcast %div3A_98 : f32 to vector<384x128xf32>
    %div3A_100 = arith.divf %mul3A_90, %div3A_99 : vector<384x128xf32>
    %sqrt3A_101 = math.sqrt %div3A_100 : vector<384x128xf32>
    %log3A_102 = math.log %sqrt3A_101 : vector<384x128xf32>
    %div3A_103 = arith.constant 0.693147182 : f32
    %div3A_104 = vector.broadcast %div3A_103 : f32 to vector<384x128xf32>
    %div3A_105 = arith.divf %log3A_102, %div3A_104 : vector<384x128xf32>
    %abs3A_106 = math.absf %div3A_105 : vector<384x128xf32>
    %lt3A_107 = arith.cmpf olt, %abs3A_106, %abs3A : vector<384x128xf32>
    %jit3A_108 = arith.constant 1 : i32
    %broadcast_in_dim3A_109 = vector.broadcast %jit3A_108 : i32 to vector<384x128xi32>
    %select_n3A_110 = arith.select %lt3A_107, %broadcast_in_dim3A_109, %broadcast_in_dim3A_91 : vector<384x128xi1>, vector<384x128xi32>
    %select_n3A_111 = arith.select %lt3A_107, %abs3A_106, %abs3A : vector<384x128xi1>, vector<384x128xf32>
    %div3A_112 = arith.constant 1.638400e+04 : f32
    %div3A_113 = vector.broadcast %div3A_112 : f32 to vector<384x128xf32>
    %div3A_114 = arith.divf %mul3A_90, %div3A_113 : vector<384x128xf32>
    %sqrt3A_115 = math.sqrt %div3A_114 : vector<384x128xf32>
    %log3A_116 = math.log %sqrt3A_115 : vector<384x128xf32>
    %div3A_117 = arith.constant 0.693147182 : f32
    %div3A_118 = vector.broadcast %div3A_117 : f32 to vector<384x128xf32>
    %div3A_119 = arith.divf %log3A_116, %div3A_118 : vector<384x128xf32>
    %abs3A_120 = math.absf %div3A_119 : vector<384x128xf32>
    %lt3A_121 = arith.cmpf olt, %abs3A_120, %select_n3A_111 : vector<384x128xf32>
    %jit3A_122 = arith.constant 2 : i32
    %broadcast_in_dim3A_123 = vector.broadcast %jit3A_122 : i32 to vector<384x128xi32>
    %select_n3A_124 = arith.select %lt3A_121, %broadcast_in_dim3A_123, %select_n3A_110 : vector<384x128xi1>, vector<384x128xi32>
    %select_n3A_125 = arith.select %lt3A_121, %abs3A_120, %select_n3A_111 : vector<384x128xi1>, vector<384x128xf32>
    %div3A_126 = arith.constant 6.553600e+04 : f32
    %div3A_127 = vector.broadcast %div3A_126 : f32 to vector<384x128xf32>
    %div3A_128 = arith.divf %mul3A_90, %div3A_127 : vector<384x128xf32>
    %sqrt3A_129 = math.sqrt %div3A_128 : vector<384x128xf32>
    %log3A_130 = math.log %sqrt3A_129 : vector<384x128xf32>
    %div3A_131 = arith.constant 0.693147182 : f32
    %div3A_132 = vector.broadcast %div3A_131 : f32 to vector<384x128xf32>
    %div3A_133 = arith.divf %log3A_130, %div3A_132 : vector<384x128xf32>
    %abs3A_134 = math.absf %div3A_133 : vector<384x128xf32>
    %lt3A_135 = arith.cmpf olt, %abs3A_134, %select_n3A_125 : vector<384x128xf32>
    %jit3A_136 = arith.constant 3 : i32
    %broadcast_in_dim3A_137 = vector.broadcast %jit3A_136 : i32 to vector<384x128xi32>
    %select_n3A_138 = arith.select %lt3A_135, %broadcast_in_dim3A_137, %select_n3A_124 : vector<384x128xi1>, vector<384x128xi32>
    %eq3A_139 = arith.constant 0 : i32
    %eq3A_140 = vector.broadcast %eq3A_139 : i32 to vector<384x128xi32>
    %eq3A_141 = arith.cmpi eq, %select_n3A_138, %eq3A_140 : vector<384x128xi32>
    %eq3A_142 = arith.constant 1 : i32
    %eq3A_143 = vector.broadcast %eq3A_142 : i32 to vector<384x128xi32>
    %eq3A_144 = arith.cmpi eq, %select_n3A_138, %eq3A_143 : vector<384x128xi32>
    %eq3A_145 = arith.constant 2 : i32
    %eq3A_146 = vector.broadcast %eq3A_145 : i32 to vector<384x128xi32>
    %eq3A_147 = arith.cmpi eq, %select_n3A_138, %eq3A_146 : vector<384x128xi32>
    %jit3A_148 = arith.constant 6.250000e-02 : f32
    %jit3A_149 = arith.constant 3.125000e-02 : f32
    %broadcast_in_dim3A_150 = vector.broadcast %jit3A_148 : f32 to vector<384x128xf32>
    %broadcast_in_dim3A_151 = vector.broadcast %jit3A_149 : f32 to vector<384x128xf32>
    %select_n3A_152 = arith.select %eq3A_147, %broadcast_in_dim3A_150, %broadcast_in_dim3A_151 : vector<384x128xi1>, vector<384x128xf32>
    %jit3A_153 = arith.constant 1.250000e-01 : f32
    %broadcast_in_dim3A_154 = vector.broadcast %jit3A_153 : f32 to vector<384x128xf32>
    %select_n3A_155 = arith.select %eq3A_144, %broadcast_in_dim3A_154, %select_n3A_152 : vector<384x128xi1>, vector<384x128xf32>
    %jit3A_156 = arith.constant 2.500000e-01 : f32
    %broadcast_in_dim3A_157 = vector.broadcast %jit3A_156 : f32 to vector<384x128xf32>
    %select_n3A_158 = arith.select %eq3A_141, %broadcast_in_dim3A_157, %select_n3A_155 : vector<384x128xi1>, vector<384x128xf32>
    %eq3A_159 = arith.constant 0 : i32
    %eq3A_160 = vector.broadcast %eq3A_159 : i32 to vector<384x128xi32>
    %eq3A_161 = arith.cmpi eq, %select_n3A_138, %eq3A_160 : vector<384x128xi32>
    %eq3A_162 = arith.constant 1 : i32
    %eq3A_163 = vector.broadcast %eq3A_162 : i32 to vector<384x128xi32>
    %eq3A_164 = arith.cmpi eq, %select_n3A_138, %eq3A_163 : vector<384x128xi32>
    %eq3A_165 = arith.constant 2 : i32
    %eq3A_166 = vector.broadcast %eq3A_165 : i32 to vector<384x128xi32>
    %eq3A_167 = arith.cmpi eq, %select_n3A_138, %eq3A_166 : vector<384x128xi32>
    %jit3A_168 = arith.constant 3.200000e+01 : f32
    %jit3A_169 = arith.constant 1.600000e+01 : f32
    %broadcast_in_dim3A_170 = vector.broadcast %jit3A_168 : f32 to vector<384x128xf32>
    %broadcast_in_dim3A_171 = vector.broadcast %jit3A_169 : f32 to vector<384x128xf32>
    %select_n3A_172 = arith.select %eq3A_167, %broadcast_in_dim3A_170, %broadcast_in_dim3A_171 : vector<384x128xi1>, vector<384x128xf32>
    %jit3A_173 = arith.constant 6.400000e+01 : f32
    %broadcast_in_dim3A_174 = vector.broadcast %jit3A_173 : f32 to vector<384x128xf32>
    %select_n3A_175 = arith.select %eq3A_164, %broadcast_in_dim3A_174, %select_n3A_172 : vector<384x128xi1>, vector<384x128xf32>
    %jit3A_176 = arith.constant 1.280000e+02 : f32
    %broadcast_in_dim3A_177 = vector.broadcast %jit3A_176 : f32 to vector<384x128xf32>
    %select_n3A_178 = arith.select %eq3A_161, %broadcast_in_dim3A_177, %select_n3A_175 : vector<384x128xi1>, vector<384x128xf32>
    %eq3A_179 = arith.constant 0 : i32
    %eq3A_180 = vector.broadcast %eq3A_179 : i32 to vector<384x128xi32>
    %eq3A_181 = arith.cmpi eq, %select_n3A_138, %eq3A_180 : vector<384x128xi32>
    %eq3A_182 = arith.constant 1 : i32
    %eq3A_183 = vector.broadcast %eq3A_182 : i32 to vector<384x128xi32>
    %eq3A_184 = arith.cmpi eq, %select_n3A_138, %eq3A_183 : vector<384x128xi32>
    %eq3A_185 = arith.constant 2 : i32
    %eq3A_186 = vector.broadcast %eq3A_185 : i32 to vector<384x128xi32>
    %eq3A_187 = arith.cmpi eq, %select_n3A_138, %eq3A_186 : vector<384x128xi32>
    %jit3A_188 = arith.constant 32 : i32
    %jit3A_189 = arith.constant 16 : i32
    %broadcast_in_dim3A_190 = vector.broadcast %jit3A_188 : i32 to vector<384x128xi32>
    %broadcast_in_dim3A_191 = vector.broadcast %jit3A_189 : i32 to vector<384x128xi32>
    %select_n3A_192 = arith.select %eq3A_187, %broadcast_in_dim3A_190, %broadcast_in_dim3A_191 : vector<384x128xi1>, vector<384x128xi32>
    %jit3A_193 = arith.constant 64 : i32
    %broadcast_in_dim3A_194 = vector.broadcast %jit3A_193 : i32 to vector<384x128xi32>
    %select_n3A_195 = arith.select %eq3A_184, %broadcast_in_dim3A_194, %select_n3A_192 : vector<384x128xi1>, vector<384x128xi32>
    %jit3A_196 = arith.constant 128 : i32
    %broadcast_in_dim3A_197 = vector.broadcast %jit3A_196 : i32 to vector<384x128xi32>
    %select_n3A_198 = arith.select %eq3A_181, %broadcast_in_dim3A_197, %select_n3A_195 : vector<384x128xi1>, vector<384x128xi32>
    %eq3A_199 = arith.constant 0 : i32
    %eq3A_200 = vector.broadcast %eq3A_199 : i32 to vector<384x128xi32>
    %eq3A_201 = arith.cmpi eq, %select_n3A_138, %eq3A_200 : vector<384x128xi32>
    %eq3A_202 = arith.constant 1 : i32
    %eq3A_203 = vector.broadcast %eq3A_202 : i32 to vector<384x128xi32>
    %eq3A_204 = arith.cmpi eq, %select_n3A_138, %eq3A_203 : vector<384x128xi32>
    %eq3A_205 = arith.constant 2 : i32
    %eq3A_206 = vector.broadcast %eq3A_205 : i32 to vector<384x128xi32>
    %eq3A_207 = arith.cmpi eq, %select_n3A_138, %eq3A_206 : vector<384x128xi32>
    %jit3A_208 = arith.constant 40960 : i32
    %jit3A_209 = arith.constant 43008 : i32
    %broadcast_in_dim3A_210 = vector.broadcast %jit3A_208 : i32 to vector<384x128xi32>
    %broadcast_in_dim3A_211 = vector.broadcast %jit3A_209 : i32 to vector<384x128xi32>
    %select_n3A_212 = arith.select %eq3A_207, %broadcast_in_dim3A_210, %broadcast_in_dim3A_211 : vector<384x128xi1>, vector<384x128xi32>
    %jit3A_213 = arith.constant 32768 : i32
    %broadcast_in_dim3A_214 = vector.broadcast %jit3A_213 : i32 to vector<384x128xi32>
    %select_n3A_215 = arith.select %eq3A_204, %broadcast_in_dim3A_214, %select_n3A_212 : vector<384x128xi1>, vector<384x128xi32>
    %jit3A_216 = arith.constant 0 : i32
    %broadcast_in_dim3A_217 = vector.broadcast %jit3A_216 : i32 to vector<384x128xi32>
    %select_n3A_218 = arith.select %eq3A_201, %broadcast_in_dim3A_217, %select_n3A_215 : vector<384x128xi1>, vector<384x128xi32>
    %mul3A_219 = arith.muli %select_n3A_198, %select_n3A_198 : vector<384x128xi32>
    %mul3A_220 = arith.mulf %get3A_1, %select_n3A_158 : vector<384x128xf32>
    %mul3A_221 = arith.mulf %get3A_4, %select_n3A_158 : vector<384x128xf32>
    %mul3A_222 = arith.mulf %get3A_7, %select_n3A_158 : vector<384x128xf32>
    %mul3A_223 = arith.mulf %get3A_10, %select_n3A_158 : vector<384x128xf32>
    %sub3A_224 = arith.subf %mul3A_222, %mul3A_220 : vector<384x128xf32>
    %max3A = arith.constant 1.000000e+00 : f32
    %max3A_225 = vector.broadcast %max3A : f32 to vector<384x128xf32>
    %max3A_226 = arith.maximumf %sub3A_224, %max3A_225 : vector<384x128xf32>
    %sub3A_227 = arith.subf %mul3A_223, %mul3A_221 : vector<384x128xf32>
    %max3A_228 = arith.constant 1.000000e+00 : f32
    %max3A_229 = vector.broadcast %max3A_228 : f32 to vector<384x128xf32>
    %max3A_230 = arith.maximumf %sub3A_227, %max3A_229 : vector<384x128xf32>
    %div3A_231 = arith.constant 7.000000e+00 : f32
    %div3A_232 = vector.broadcast %div3A_231 : f32 to vector<384x128xf32>
    %div3A_233 = arith.divf %max3A_226, %div3A_232 : vector<384x128xf32>
    %div3A_234 = arith.constant 7.000000e+00 : f32
    %div3A_235 = vector.broadcast %div3A_234 : f32 to vector<384x128xf32>
    %div3A_236 = arith.divf %max3A_230, %div3A_235 : vector<384x128xf32>
    %convert_element_type3A = arith.sitofp %select_n3A_81 : vector<384x128xi32> to vector<384x128xf32>
    %add3A_237 = arith.constant 5.000000e-01 : f32
    %add3A_238 = vector.broadcast %add3A_237 : f32 to vector<384x128xf32>
    %add3A_239 = arith.addf %convert_element_type3A, %add3A_238 : vector<384x128xf32>
    %mul3A_240 = arith.mulf %div3A_233, %add3A_239 : vector<384x128xf32>
    %add3A_241 = arith.addf %mul3A_220, %mul3A_240 : vector<384x128xf32>
    %convert_element_type3A_242 = arith.sitofp %select_n3A_59 : vector<384x128xi32> to vector<384x128xf32>
    %add3A_243 = arith.constant 5.000000e-01 : f32
    %add3A_244 = vector.broadcast %add3A_243 : f32 to vector<384x128xf32>
    %add3A_245 = arith.addf %convert_element_type3A_242, %add3A_244 : vector<384x128xf32>
    %mul3A_246 = arith.mulf %div3A_236, %add3A_245 : vector<384x128xf32>
    %add3A_247 = arith.addf %mul3A_221, %mul3A_246 : vector<384x128xf32>
    %gt3A = arith.constant -1.000000e+00 : f32
    %gt3A_248 = vector.broadcast %gt3A : f32 to vector<384x128xf32>
    %gt3A_249 = arith.cmpf ogt, %add3A_247, %gt3A_248 : vector<384x128xf32>
    %lt3A_250 = arith.cmpf olt, %add3A_247, %select_n3A_178 : vector<384x128xf32>
    %and3A_251 = arith.andi %gt3A_249, %lt3A_250 : vector<384x128xi1>
    %gt3A_252 = arith.constant -1.000000e+00 : f32
    %gt3A_253 = vector.broadcast %gt3A_252 : f32 to vector<384x128xf32>
    %gt3A_254 = arith.cmpf ogt, %add3A_241, %gt3A_253 : vector<384x128xf32>
    %and3A_255 = arith.andi %and3A_251, %gt3A_254 : vector<384x128xi1>
    %lt3A_256 = arith.cmpf olt, %add3A_241, %select_n3A_178 : vector<384x128xf32>
    %and3A_257 = arith.andi %and3A_255, %lt3A_256 : vector<384x128xi1>
    %sub3A_258 = arith.constant 1.000000e+00 : f32
    %sub3A_259 = vector.broadcast %sub3A_258 : f32 to vector<384x128xf32>
    %sub3A_260 = arith.subf %select_n3A_178, %sub3A_259 : vector<384x128xf32>
    %jit3A_261 = arith.constant 0.000000e+00 : f32
    %max3A_262 = vector.broadcast %jit3A_261 : f32 to vector<384x128xf32>
    %max3A_263 = arith.maximumf %max3A_262, %add3A_247 : vector<384x128xf32>
    %min3A = arith.minimumf %sub3A_260, %max3A_263 : vector<384x128xf32>
    %sub3A_264 = arith.constant 1.000000e+00 : f32
    %sub3A_265 = vector.broadcast %sub3A_264 : f32 to vector<384x128xf32>
    %sub3A_266 = arith.subf %select_n3A_178, %sub3A_265 : vector<384x128xf32>
    %jit3A_267 = arith.constant 0.000000e+00 : f32
    %max3A_268 = vector.broadcast %jit3A_267 : f32 to vector<384x128xf32>
    %max3A_269 = arith.maximumf %max3A_268, %add3A_241 : vector<384x128xf32>
    %min3A_270 = arith.minimumf %sub3A_266, %max3A_269 : vector<384x128xf32>
    %floor3A = math.floor %min3A : vector<384x128xf32>
    %floor3A_271 = math.floor %min3A_270 : vector<384x128xf32>
    %convert_element_type3A_272 = arith.fptosi %floor3A : vector<384x128xf32> to vector<384x128xi32>
    %convert_element_type3A_273 = arith.fptosi %floor3A_271 : vector<384x128xf32> to vector<384x128xi32>
    %add3A_274 = arith.constant 1 : i32
    %add3A_275 = vector.broadcast %add3A_274 : i32 to vector<384x128xi32>
    %add3A_276 = arith.addi %convert_element_type3A_272, %add3A_275 : vector<384x128xi32>
    %sub3A_277 = arith.constant 1 : i32
    %sub3A_278 = vector.broadcast %sub3A_277 : i32 to vector<384x128xi32>
    %sub3A_279 = arith.subi %select_n3A_198, %sub3A_278 : vector<384x128xi32>
    %min3A_280 = arith.minsi %add3A_276, %sub3A_279 : vector<384x128xi32>
    %add3A_281 = arith.constant 1 : i32
    %add3A_282 = vector.broadcast %add3A_281 : i32 to vector<384x128xi32>
    %add3A_283 = arith.addi %convert_element_type3A_273, %add3A_282 : vector<384x128xi32>
    %sub3A_284 = arith.constant 1 : i32
    %sub3A_285 = vector.broadcast %sub3A_284 : i32 to vector<384x128xi32>
    %sub3A_286 = arith.subi %select_n3A_198, %sub3A_285 : vector<384x128xi32>
    %min3A_287 = arith.minsi %add3A_283, %sub3A_286 : vector<384x128xi32>
    %sub3A_288 = arith.subf %min3A, %floor3A : vector<384x128xf32>
    %sub3A_289 = arith.subf %min3A_270, %floor3A_271 : vector<384x128xf32>
    %sub3A_290 = arith.constant 1.000000e+00 : f32
    %sub3A_291 = vector.broadcast %sub3A_290 : f32 to vector<384x128xf32>
    %sub3A_292 = arith.subf %sub3A_291, %sub3A_288 : vector<384x128xf32>
    %sub3A_293 = arith.constant 1.000000e+00 : f32
    %sub3A_294 = vector.broadcast %sub3A_293 : f32 to vector<384x128xf32>
    %sub3A_295 = arith.subf %sub3A_294, %sub3A_289 : vector<384x128xf32>
    %lt3A_296 = arith.constant 49000 : i32
    %lt3A_297 = vector.broadcast %lt3A_296 : i32 to vector<384x128xi32>
    %lt3A_298 = arith.cmpi slt, %add3A, %lt3A_297 : vector<384x128xi32>
    %and3A_299 = arith.andi %and3A_257, %lt3A_298 : vector<384x128xi1>
    %convert_element_type3A_300 = arith.extui %and3A_299 : vector<384x128xi1> to vector<384x128xi32>
    %convert_element_type3A_301 = arith.sitofp %convert_element_type3A_300 : vector<384x128xi32> to vector<384x128xf32>
    %mul3A_302 = arith.mulf %sub3A_292, %sub3A_295 : vector<384x128xf32>
    %mul3A_303 = arith.mulf %mul3A_302, %convert_element_type3A_301 : vector<384x128xf32>
    %swap3A = arith.constant 0 : index
    %swap3A_304 = arith.constant 0 : index
    %swap3A_305 = vector.load %arg9[%swap3A, %swap3A_304] : memref<384x128xf32, #tpu.memory_space<vmem>>, vector<384x128xf32>
    tpu.vector_store %arg9[%swap3A, %swap3A_304], %mul3A_303 {strides = array<i32>} : memref<384x128xf32, #tpu.memory_space<vmem>>, vector<384x128xf32>,
    %mul3A_306 = arith.mulf %sub3A_292, %sub3A_289 : vector<384x128xf32>
    %mul3A_307 = arith.mulf %mul3A_306, %convert_element_type3A_301 : vector<384x128xf32>
    %swap3A_308 = arith.constant 0 : index
    %swap3A_309 = arith.constant 0 : index
    %swap3A_310 = vector.load %arg10[%swap3A_308, %swap3A_309] : memref<384x128xf32, #tpu.memory_space<vmem>>, vector<384x128xf32>
    tpu.vector_store %arg10[%swap3A_308, %swap3A_309], %mul3A_307 {strides = array<i32>} : memref<384x128xf32, #tpu.memory_space<vmem>>, vector<384x128xf32>,
    %mul3A_311 = arith.mulf %sub3A_288, %sub3A_295 : vector<384x128xf32>
    %mul3A_312 = arith.mulf %mul3A_311, %convert_element_type3A_301 : vector<384x128xf32>
    %swap3A_313 = arith.constant 0 : index
    %swap3A_314 = arith.constant 0 : index
    %swap3A_315 = vector.load %arg11[%swap3A_313, %swap3A_314] : memref<384x128xf32, #tpu.memory_space<vmem>>, vector<384x128xf32>
    tpu.vector_store %arg11[%swap3A_313, %swap3A_314], %mul3A_312 {strides = array<i32>} : memref<384x128xf32, #tpu.memory_space<vmem>>, vector<384x128xf32>,
    %mul3A_316 = arith.mulf %sub3A_288, %sub3A_289 : vector<384x128xf32>
    %mul3A_317 = arith.mulf %mul3A_316, %convert_element_type3A_301 : vector<384x128xf32>
    %swap3A_318 = arith.constant 0 : index
    %swap3A_319 = arith.constant 0 : index
    %swap3A_320 = vector.load %arg12[%swap3A_318, %swap3A_319] : memref<384x128xf32, #tpu.memory_space<vmem>>, vector<384x128xf32>
    tpu.vector_store %arg12[%swap3A_318, %swap3A_319], %mul3A_317 {strides = array<i32>} : memref<384x128xf32, #tpu.memory_space<vmem>>, vector<384x128xf32>,
    %mul3A_321 = arith.muli %get3A_13, %mul3A_219 : vector<384x128xi32>
    %add3A_322 = arith.addi %select_n3A_218, %mul3A_321 : vector<384x128xi32>
    %mul3A_323 = arith.muli %convert_element_type3A_272, %select_n3A_198 : vector<384x128xi32>
    %add3A_324 = arith.addi %add3A_322, %mul3A_323 : vector<384x128xi32>
    %add3A_325 = arith.addi %add3A_324, %convert_element_type3A_273 : vector<384x128xi32>
    %swap3A_326 = arith.constant 0 : index
    %swap3A_327 = arith.constant 0 : index
    %swap3A_328 = vector.load %arg5[%swap3A_326, %swap3A_327] : memref<384x128xi32, #tpu.memory_space<vmem>>, vector<384x128xi32>
    tpu.vector_store %arg5[%swap3A_326, %swap3A_327], %add3A_325 {strides = array<i32>} : memref<384x128xi32, #tpu.memory_space<vmem>>, vector<384x128xi32>,
    %mul3A_329 = arith.muli %convert_element_type3A_272, %select_n3A_198 : vector<384x128xi32>
    %add3A_330 = arith.addi %add3A_322, %mul3A_329 : vector<384x128xi32>
    %add3A_331 = arith.addi %add3A_330, %min3A_287 : vector<384x128xi32>
    %swap3A_332 = arith.constant 0 : index
    %swap3A_333 = arith.constant 0 : index
    %swap3A_334 = vector.load %arg6[%swap3A_332, %swap3A_333] : memref<384x128xi32, #tpu.memory_space<vmem>>, vector<384x128xi32>
    tpu.vector_store %arg6[%swap3A_332, %swap3A_333], %add3A_331 {strides = array<i32>} : memref<384x128xi32, #tpu.memory_space<vmem>>, vector<384x128xi32>,
    %mul3A_335 = arith.muli %min3A_280, %select_n3A_198 : vector<384x128xi32>
    %add3A_336 = arith.addi %add3A_322, %mul3A_335 : vector<384x128xi32>
    %add3A_337 = arith.addi %add3A_336, %convert_element_type3A_273 : vector<384x128xi32>
    %swap3A_338 = arith.constant 0 : index
    %swap3A_339 = arith.constant 0 : index
    %swap3A_340 = vector.load %arg7[%swap3A_338, %swap3A_339] : memref<384x128xi32, #tpu.memory_space<vmem>>, vector<384x128xi32>
    tpu.vector_store %arg7[%swap3A_338, %swap3A_339], %add3A_337 {strides = array<i32>} : memref<384x128xi32, #tpu.memory_space<vmem>>, vector<384x128xi32>,
    %mul3A_341 = arith.muli %min3A_280, %select_n3A_198 : vector<384x128xi32>
    %add3A_342 = arith.addi %add3A_322, %mul3A_341 : vector<384x128xi32>
    %add3A_343 = arith.addi %add3A_342, %min3A_287 : vector<384x128xi32>
    %swap3A_344 = arith.constant 0 : index
    %swap3A_345 = arith.constant 0 : index
    %swap3A_346 = vector.load %arg8[%swap3A_344, %swap3A_345] : memref<384x128xi32, #tpu.memory_space<vmem>>, vector<384x128xi32>
    tpu.vector_store %arg8[%swap3A_344, %swap3A_345], %add3A_343 {strides = array<i32>} : memref<384x128xi32, #tpu.memory_space<vmem>>, vector<384x128xi32>,
    return
  }
}

</mosaic_0001>

<sc_bundles>
// kernel: kernel.4.cloned.1.call-start
scs
__scs_entry_jumppad:
0x0: {  	(pc) =	sbr.rel $0x88, $3  }
0x1: {  	(tag) =	ssettag $0x0;
	lr =	simm.s32 $0x1  }
0x2: {  	[smem:$0x3F9B] =	sst lr;
	_ =	strace $0xD0000000  }
0x3: {  	_ = 	snop  }
0x4: {  	_ = 	snop  }
0x5: {  	_ = 	snop  }
0x6: {  	_ = 	snop  }
0x7: {  	_ = 	snop  }
__scs_overlays_trampoline_lowered:
0x8: {  	[smem:$0x3FAA] =	sst s0  }
0x9: {  	[smem:$0x3FAB] =	sst s1  }
0xa: {  	[smem:$0x3FAC] =	sst s2  }
0xb: {  	[smem:$0x3FAD] =	sst s3  }
0xc: {  	[smem:$0x3FAE] =	sst s4  }
0xd: {  	[smem:$0x3FAF] =	sst s5  }
0xe: {  	[smem:$0x3FB0] =	sst s6  }
0xf: {  	[smem:$0x3FB1] =	sst s7  }
0x10: {  	[smem:$0x3FB2] =	sst s8  }
0x11: {  	[smem:$0x3FB3] =	sst s9;
	s0 =	simm.s32 @!p0 $0x0  }
0x12: {  	s1 =	sld [smem:$0x3F99];
	s0 =	simm.s32 @p0 $0x1  }
0x13: {  	[smem:$0x3FB4] =	sst s0;
	s0 =	simm.s32 @!p1 $0x0  }
0x14: {  	s2 =	sld [smem:$0x3F98];
	s0 =	simm.s32 @p1 $0x1  }
0x15: {  	[smem:$0x3FB5] =	sst s0;
	s0 =	simm.s32 @!p2 $0x0  }
0x16: {  	s3 =	sld [smem:$0x3FDB];
	s0 =	simm.s32 @p2 $0x1  }
0x17: {  	s4 =	simm.s32 $0x1BF5;
	[smem:$0x3FB7] =	sst s0  }
0x18: {  	s0 =	sld [smem:$0x3F9A];
	_ =	swait.ge [sflag:s4], $0x0  }
0x19: {  	s7 =	sld [smem:$0x3F9B]  }
0x1a: {  	s8 =	sadd.s32 $0xFFFFE003, lr  }
0x1b: {  	s9 =	sadd.s32 $0xFFFFFEF7, lr;
	s5 =	simm.s32 $0xFFFFFFFF;
	p2 =	slt.u32 s8, $0xFFFFF086  }
0x1c: {  	p1 =	slt.u32 s9, $0xF7A;
	s5 =	simm.s32 @!p2 $0x0  }
0x1d: {  	s5 =	simm.s32 @p1 $0x1;
	p0 =	seq.s32 s7, s2  }
0x1e: {  	s7 =	smul.u32 @!p0 $0xF7A, s2;
	p2 =	seq.s32 @!p0 s5, $0x0  }
0x1f: {  	s9 =	smul.u32 $0xF7A, s1;
	s8 =	simm.s32 @!p0 $0x1BF5;
	p2 =	por !p2, p0  }
0x20: {  	[sflag:s8] =	ssyncset.s32 @!p0 $0xFFFFF086;
	s6 =	sadd.s32 @!p0 s3, s7;
	s7 =	simm.s32 @!p0 $0x108  }
0x21: {  	s3 =	sadd.s32 s3, s9;
	s6 =	sadd.s32 @!p0 $0x88, s6;
	s7 =	simm.s32 @p2 $0x1082  }
0x22: {  	[simem:s7], [sflag:s8] =	dma.local @!p0 [hbm:s6], $0xF7A  }
0x23: {  	s9 =	sor.u32 $0xD0000000, s2;
	s6 =	simm.s32 $0x108;
	_ =	swait.ge @!p0 [sflag:s8], $0x0  }
0x24: {  	s3 =	sadd.s32 $0x88, s3;
	s6 =	simm.s32 @!p1 $0x1082;
	[sflag:s4] =	ssyncset.s32 $0xFFFFF086  }
0x25: {  	[simem:s6], [sflag:s4] =	dma.local [hbm:s3], $0xF7A  }
0x26: {  	[smem:$0x3F9B] =	sst s1;
	(tag) =	ssettag s2;
	_ =	strace s9  }
0x27: {  	s1 =	sld [smem:$0x3FAB]  }
0x28: {  	s2 =	sld [smem:$0x3FAC]  }
0x29: {  	s4 =	sld [smem:$0x3FAE]  }
0x2a: {  	p0 =	seq.s32 s5, $0x0;
	s5 =	sld [smem:$0x3FAF]  }
0x2b: {  	s6 =	sld [smem:$0x3FB0]  }
0x2c: {  	s7 =	sld [smem:$0x3FB1]  }
0x2d: {  	s3 =	simm.s32 $0x108;
	s8 =	sld [smem:$0x3FB2]  }
0x2e: {  	s3 =	simm.s32 @!p0 $0x1082;
	s9 =	sld [smem:$0x3FB3]  }
0x2f: {  	lr =	sadd.s32 s0, s3;
	s0 =	sld [smem:$0x3FAA]  }
0x30: {  	s3 =	sld [smem:$0x3FAD]  }
0x31: {  	[smem:$0x3FB6] =	sst s10  }
0x32: {  	s10 =	sld [smem:$0x3FB4];
	_ =	sdelay $0x3  }
0x33: {  	p0 =	seq.s32 s10, $0x1;
	s10 =	sld [smem:$0x3FB6];
	_ =	sdelay $0x3  }
0x34: {  	[smem:$0x3FB6] =	sst s10  }
0x35: {  	s10 =	sld [smem:$0x3FB5];
	_ =	sdelay $0x3  }
0x36: {  	p1 =	seq.s32 s10, $0x1;
	s10 =	sld [smem:$0x3FB6];
	_ =	sdelay $0x3  }
0x37: {  	[smem:$0x3FB6] =	sst s10  }
0x38: {  	s10 =	sld [smem:$0x3FB7]  }
0x39: {  	_ = 	snop;
	(pc) =	sbr.ind lr, $3  }
0x3a: {  	_ = 	snop  }
0x3b: {  	_ = 	snop  }
0x3c: {  	p2 =	seq.s32 s10, $0x1;
	s10 =	sld [smem:$0x3FB6]  }
0x3d: {  	_ =	shalt  }
0x3e: {  	_ =	shalt  }
0x3f: {  	_ =	shalt  }
0x40: {  	_ =	shalt  }
0x41: {  	_ =	shalt  }
0x42: {  	_ =	shalt  }
0x43: {  	_ =	shalt  }
0x44: {  	_ =	shalt  }
0x45: {  	_ =	shalt  }
0x46: {  	_ =	shalt  }
0x47: {  	_ =	shalt  }
0x48: {  	_ =	shalt  }
0x49: {  	_ =	shalt  }
0x4a: {  	_ =	shalt  }
0x4b: {  	_ =	shalt  }
0x4c: {  	_ =	shalt  }
0x4d: {  	_ =	shalt  }
0x4e: {  	_ =	shalt  }
0x4f: {  	_ =	shalt  }
0x50: {  	_ =	shalt  }
0x51: {  	_ =	shalt  }
0x52: {  	_ =	shalt  }
0x53: {  	_ =	shalt  }
0x54: {  	_ =	shalt  }
0x55: {  	_ =	shalt  }
0x56: {  	_ =	shalt  }
0x57: {  	_ =	shalt  }
0x58: {  	_ =	shalt  }
0x59: {  	_ =	shalt  }
0x5a: {  	_ =	shalt  }
0x5b: {  	_ =	shalt  }
0x5c: {  	_ =	shalt  }
0x5d: {  	_ =	shalt  }
0x5e: {  	_ =	shalt  }
0x5f: {  	_ =	shalt  }
0x60: {  	_ =	shalt  }
0x61: {  	_ =	shalt  }
0x62: {  	_ =	shalt  }
0x63: {  	_ =	shalt  }
0x64: {  	_ =	shalt  }
0x65: {  	_ =	shalt  }
0x66: {  	_ =	shalt  }
0x67: {  	_ =	shalt  }
0x68: {  	_ =	shalt  }
0x69: {  	_ =	shalt  }
0x6a: {  	_ =	shalt  }
0x6b: {  	_ =	shalt  }
0x6c: {  	_ =	shalt  }
0x6d: {  	_ =	shalt  }
0x6e: {  	_ =	shalt  }
0x6f: {  	_ =	shalt  }
0x70: {  	_ =	shalt  }
0x71: {  	_ =	shalt  }
0x72: {  	_ =	shalt  }
0x73: {  	_ =	shalt  }
0x74: {  	_ =	shalt  }
0x75: {  	_ =	shalt  }
0x76: {  	_ =	shalt  }
0x77: {  	_ =	shalt  }
0x78: {  	_ =	shalt  }
0x79: {  	_ =	shalt  }
0x7a: {  	_ =	shalt  }
0x7b: {  	_ =	shalt  }
0x7c: {  	_ =	shalt  }
0x7d: {  	_ =	shalt  }
0x7e: {  	_ =	shalt  }
0x7f: {  	_ =	shalt  }
0x80: {  	_ =	shalt  }
0x81: {  	_ =	shalt  }
0x82: {  	_ =	shalt  }
0x83: {  	_ =	shalt  }
0x84: {  	_ =	shalt  }
0x85: {  	_ =	shalt  }
0x86: {  	_ =	shalt  }
0x87: {  	_ =	shalt  }
.Lfunc_end0:
.L_simem_size_0:
called_computation.2_lowered:
.L_overlay_start_0:
0x88: {  	s2 =	sld [smem:$0x3FD9]  }
0x89: {  	s3 =	sld [smem:$0x3FFE];
	_ =	sdelay $0x1  }
0x8a: {  	s1 =	srdreg.scid  }
0x8b: {  	s0 =	sand.u32 $0x1, s1  }
0x8c: {  	s17 =	sshll.u32 s0, $0xA;
	s2 =	sadd.s32 s3, s2  }
0x8d: {  	s2 =	sadd.s32 s2, s17  }
0x8e: {  	[smem:$0x3FC2] =	sst s2  }
0x8f: {  	_ = 	snop  }
0x90: {  	s2 =	sld [smem:$0x3FD0];
	(tm) =	ssettm $0x1  }
0x91: {  	s18 =	sld [smem:$0x3FFB];
	_ =	sdelay $0x3  }
0x92: {  	_ =	strace s18  }
0x93: {  	s3 =	sld [smem:$0x3FFC];
	_ =	sdelay $0x3  }
0x94: {  	_ =	strace s3  }
0x95: {  	s3 =	sld [smem:$0x3FFD];
	_ =	sdelay $0x3  }
0x96: {  	_ =	strace s3  }
0x97: {  	_ =	strace $0x8FFFFFFF  }
0x98: {  	s19 =	sld [smem:$0x3FDB];
	_ =	sdelay $0x1  }
0x99: {  	s4 =	simm.s32 $_scs_section_size  }
0x9a: {  	s5 =	simm.s32 $_size__tile_overlayer_lowered;
	s6 =	simm.s32 $_tile_overlayer_lowered  }
0x9b: {  	s22 =	simm.s32 $0x1BFF;
	s21 =	sshll.u32 s6, $0x1;
	s3 =	sadd.s32 s4, s19  }
0x9c: {  	s7 =	simm.s32 $0x0;
	s20 =	sshll.u32 s5, $0x1;
	s5 =	sadd.s32 s21, s3  }
0x9d: {  	[timem:s7], [sflag:s22] =	dma.local [hbm:s5], s20  }
0x9e: {  	_ =	swait.ge [sflag:s22], s20  }
0x9f: {  	s4 =	ssub.s32 $0x0, s20;
	[sflag:s22] =	ssyncset.done $0x0  }
0xa0: {  	[sflag:s22] =	ssyncadd.s32 s4;
	_ =	sdelay $0x1  }
0xa1: {  	s23 =	simm.s32 $0x1B8B  }
0xa2: {  	_ =	swait.ge [sflag:s23], $0x1  }
0xa3: {  	[sflag:s23] =	ssyncset.done $0x0  }
0xa4: {  	s25 =	simm.s32 $0x1B8E;
	s24 =	sld [smem:$0x3FFE];
	[sflag:s23] =	ssyncadd.s32 $0xFFFFFFFF  }
0xa5: {  	s26 =	simm.s32 $execute0_lowered;
	[smem:$0x3FD2] =	sst s25  }
0xa6: {  	s5 =	sshll.u32 s26, $0x1;
	_ =	strace $0x80000049;
	[dreg:$0x1] =	wrdreg $0xFFFFFFFF  }
0xa7: {  	s28 =	simm.s32 $_size_execute0_lowered;
	s3 =	sadd.s32 s3, s5;
	[dreg:$0x0] =	wrdreg $0x0  }
0xa8: {  	s5 =	sshll.u32 s28, $0x1;
	[dreg:$0x2] =	wrdreg s3  }
0xa9: {  	[dreg:$0x3] =	wrdreg s5  }
0xaa: {  	[dreg:$0x4] =	wrdreg $0xC0  }
0xab: {  	_ =	task [dreg:s7], $0x5FFFF  }
0xac: {  	[dreg:$0x1] =	wrdreg $0xFFFFFFFF  }
0xad: {  	[dreg:$0x0] =	wrdreg $0x60  }
0xae: {  	[dreg:$0x2] =	wrdreg s2  }
0xaf: {  	[dreg:$0x3] =	wrdreg s24  }
0xb0: {  	[dreg:$0x4] =	wrdreg $0x9  }
0xb1: {  	_ =	task.clear_ibuf [dreg:s7], $0x5FFFF;
	_ =	strace $0x90000049  }
0xb2: {  	s29 =	simm.s32 $0x9;
	_ =	strace $0x8000004B  }
0xb3: {  	_ =	swait.ge [sflag:s29], $0x1  }
0xb4: {  	[sflag:s29] =	ssyncadd.s32 $0xFFFFFFFF  }
0xb5: {  	_ =	strace $0x9000004B  }
0xb6: {  	_ =	sfence  }
0xb7: {  	s30 =	sld [smem:$0x0];
	_ =	sdelay $0x2  }
0xb8: {  	s31 =	sshll.u32 s1, $0xD;
	s1 =	sshrl.u32 s1, $0x2  }
0xb9: {  	s3 =	sand.u32 $0x4000, s31;
	s1 =	sadd.s32 s1, s30  }
0xba: {  	s0 =	sor.u32 s3, s0;
	s1 =	sshll.u32 s1, $0x11  }
0xbb: {  	s0 =	sor.u32 s1, s0  }
0xbc: {  	s0 =	sadd.s32 $0x8F2B, s0  }
0xbd: {  	[sflag:s0] =	ssyncadd.remote.s32 $0x1  }
0xbe: {  	_ =	sfence.sel $0xFFFF  }
0xbf: {  	[dreg:$0x0] =	wrdreg $0xFFFFFFFF;
	(pc) =	sbr.abs _section_cstart, $3  }
0xc0: {  	[dreg:$0x1] =	wrdreg $0xFFFFFFFF  }
0xc1: {  	_ =	task.clear_ibuf [dreg:s7], $0x2FFFF;
	_ =	strace $0x9FFFFFFF  }
0xc2: {  	(tm) =	ssettm $0x7FFFFFFF  }
0xc3: {  	_ =	shalt  }
tec
execute0_lowered:
.L_overlay_start_1:
0x0: {  	(tag) =	ssettag $0x1  }
0x1: {  	s0 =	srdreg.scid;
	s2 =	rddreg [dreg:$0x0]  }
0x2: {  	s1 =	stileid.u32;
	s5 =	rddreg [dreg:$0x1];
	s4 =	simm.s32 $0x0  }
0x3: {  	s18 =	simm.s32 $0x1800;
	s0 =	sand.u32 $0x1, s0;
	s1 =	sshll.u32 s1, $0x1  }
0x4: {  	s19 =	simm.s32 $0x1E00;
	s20 =	simm.s32 $0x2400;
	s1 =	sor.u32 s0, s1  }
0x5: {  	s21 =	simm.s32 $0x2A00;
	s0 =	ssub.s32 $0x2, s0;
	s3 =	smul.u32 $0x600, s1  }
0x6: {  	s11 =	simm.s32 $0x17000;
	s12 =	simm.s32 $0x17800;
	s23 =	sshrl.u32 s0, $0x1  }
0x7: {  	s13 =	simm.s32 $0x18000;
	s0 =	ssub.s32 s0, s23;
	s1 =	sshrl.u32 s3, $0x3  }
0x8: {  	[smem:$0x7FF] =	sst s4;
	s0 =	smax.u32 s0, $0x1;
	s1 =	sadd.s32 s1, s5  }
0x9: {  	_ =	strace $0x8000004A;
	[dreg:$0xb] =	wrdreg s0;
	s6 =	sadd.s32 $0x102E00, s1  }
0xa: {  	s14 =	simm.s32 $0x18800;
	s22 =	sadd.s32 $0x104600, s1;
	[dreg:$0x3] =	wrdreg s6  }
0xb: {  	s28 =	simm.s32 $0x1B000;
	s7 =	sadd.s32 $0x105E00, s1;
	[dreg:$0x4] =	wrdreg s22  }
0xc: {  	s29 =	simm.s32 $0x2;
	s24 =	sadd.s32 $0x107600, s1;
	[dreg:$0x5] =	wrdreg s7  }
0xd: {  	s30 =	simm.s32 $0x3;
	s25 =	sadd.s32 $0x108E00, s1;
	[dreg:$0x6] =	wrdreg s24  }
.Ltmp0:
0xe: {  	v2 =	vlaneseq.u32;
	s26 =	sadd.s32 $0x10A600, s1;
	[dreg:$0x7] =	wrdreg s25;
	(pc) =	sbr.rel .LBB2_1-.Ltmp0, $4  }
0xf: {  	v0 =	vand.u32 $0x7, v2;
	v1 =	vshrl.u32 v2, $0x3;
	s23 =	simm.s32 $0x19000;
	s31 =	sadd.s32 $0x10BE00, s1;
	[dreg:$0x8] =	wrdreg s26  }
0x10: {  	v63 =	vor.u32 $0x8, v2;
	[tilespmem:$0x1FFD0] =	vst v0;
	v62 =	vmul.u32 $0x8, v1;
	s5 =	sadd.s32 $0x10EE00, s5;
	s1 =	sadd.s32 $0x10D600, s1;
	[dreg:$0x9] =	wrdreg s31  }
0x11: {  	[tilespmem:$0x1FFF0] =	vst v63;
	[dreg:$0xa] =	wrdreg s1;
	s22 =	simm.s32 $0x1;
	s24 =	simm.s32 $0x19800  }
0x12: {  	vm0 =	vmmov $0xffff;
	[tilespmem:$0x1FFE0] =	vst v62;
	s25 =	simm.s32 $0x1A000;
	s26 =	simm.s32 $0x1A800;
	s1 =	simm.s32 $0x0  }
.LBB2_10:
0x13: {  	_ =	swait.ge [sflag:s30], $0x3000  }
0x14: {  	s1 =	rddreg [dreg:$0xc]  }
0x15: {  	s0 =	rddreg [dreg:$0xb];
	s1 =	sadd.s32 $0x1, s1  }
0x16: {  	p0 =	sne.s32 s1, s0  }
.Ltmp1:
0x17: {  	_ = 	snop;
	(pc) =	sbr.rel @!p0 .LBB2_11-.Ltmp1, $3  }
0x18: {  	_ =	sdelay $0x1  }
0x19: {  	[sflag:s30] =	ssyncset.done $0x0  }
0x1a: {  	[sflag:s30] =	ssyncadd.s32 $0xFFFFD000  }
.LBB2_1:
0x1b: {  	[dreg:$0xc] =	wrdreg s1  }
0x1c: {  	s0 =	rddreg [dreg:$0x3]  }
0x1d: {  	[tilespmem:s4], [sflag:$0x1] =	stream.linear.gather [hbm4b:s0+s4], $0x600, $0x38;
	[tilespmem:$0x1E000] =	vst v63  }
0x1e: {  	s8 =	rddreg [dreg:$0x4];
	s9 =	simm.s32 $0x600  }
0x1f: {  	[tilespmem:s9], [sflag:$0x1] =	stream.linear.gather [hbm4b:s8+s4], $0x600, $0x38;
	[tilespmem:$0x1E000] =	vst v63  }
0x20: {  	s10 =	rddreg [dreg:$0x5];
	s15 =	simm.s32 $0xC00  }
0x21: {  	[tilespmem:s15], [sflag:$0x1] =	stream.linear.gather [hbm4b:s10+s4], $0x600, $0x38;
	[tilespmem:$0x1E000] =	vst v63  }
0x22: {  	s16 =	rddreg [dreg:$0x6];
	s17 =	simm.s32 $0x1200  }
0x23: {  	[tilespmem:s17], [sflag:$0x1] =	stream.linear.gather [hbm4b:s16+s4], $0x600, $0x38;
	[tilespmem:$0x1E000] =	vst v63  }
0x24: {  	s6 =	rddreg [dreg:$0x7]  }
0x25: {  	[tilespmem:s18], [sflag:$0x1] =	stream.linear.gather [hbm4b:s6+s4], $0x600, $0x38;
	[tilespmem:$0x1E000] =	vst v63  }
0x26: {  	s7 =	rddreg [dreg:$0x8]  }
0x27: {  	[tilespmem:s19], [sflag:$0x1] =	stream.linear.gather [hbm4b:s7+s4], $0x600, $0x38;
	[tilespmem:$0x1E000] =	vst v63  }
0x28: {  	s8 =	rddreg [dreg:$0x9]  }
0x29: {  	[tilespmem:s20], [sflag:$0x1] =	stream.linear.gather [hbm4b:s8+s4], $0x600, $0x38;
	[tilespmem:$0x1E000] =	vst v63  }
0x2a: {  	s9 =	rddreg [dreg:$0xa]  }
0x2b: {  	[tilespmem:s21], [sflag:$0x1] =	stream.linear.gather [hbm4b:s9+s4], $0x600, $0x38;
	[tilespmem:$0x1E000] =	vst v63  }
0x2c: {  	_ =	swait.ge [sflag:s22], $0x600  }
0x2d: {  	[sflag:s22] =	ssyncset.done $0x0  }
0x2e: {  	[sflag:s22] =	ssyncadd.s32 $0xFFFFFA00  }
0x2f: {  	_ =	swait.ge [sflag:s22], $0x600  }
0x30: {  	[sflag:s22] =	ssyncset.done $0x0  }
0x31: {  	[sflag:s22] =	ssyncadd.s32 $0xFFFFFA00  }
0x32: {  	_ =	swait.ge [sflag:s22], $0x600  }
0x33: {  	[sflag:s22] =	ssyncset.done $0x0  }
0x34: {  	[sflag:s22] =	ssyncadd.s32 $0xFFFFFA00  }
0x35: {  	_ =	swait.ge [sflag:s22], $0x600  }
0x36: {  	[sflag:s22] =	ssyncset.done $0x0  }
0x37: {  	[sflag:s22] =	ssyncadd.s32 $0xFFFFFA00  }
0x38: {  	_ =	swait.ge [sflag:s22], $0x600  }
0x39: {  	[sflag:s22] =	ssyncset.done $0x0  }
0x3a: {  	[sflag:s22] =	ssyncadd.s32 $0xFFFFFA00  }
0x3b: {  	_ =	swait.ge [sflag:s22], $0x600  }
0x3c: {  	[sflag:s22] =	ssyncset.done $0x0  }
0x3d: {  	[sflag:s22] =	ssyncadd.s32 $0xFFFFFA00  }
0x3e: {  	_ =	swait.ge [sflag:s22], $0x600  }
0x3f: {  	[sflag:s22] =	ssyncset.done $0x0  }
0x40: {  	[sflag:s22] =	ssyncadd.s32 $0xFFFFFA00  }
0x41: {  	_ =	swait.ge [sflag:s22], $0x600  }
0x42: {  	[sflag:s22] =	ssyncset.done $0x0  }
0x43: {  	[sflag:s22] =	ssyncadd.s32 $0xFFFFFA00  }
0x44: {  	v3 =	vld [tilespmem:$0x0];
	_ =	sdelay $0x2  }
0x45: {  	v0 =	vld [tilespmem:$0x1FFD0]  }
0x46: {  	v1 =	vld [tilespmem:$0x1FFE0]  }
0x47: {  	v2 =	vld [tilespmem:$0x1FFF0];
	v4 =	vshll.u32 v3, $0x1  }
0x48: {  	v3 =	vand.u32 $0x7, v3;
	v4 =	vand.u32 $0xFFFFFFF0, v4  }
0x49: {  	v3 =	vor.u32 v3, v4  }
0x4a: {  	v4 =	vperm.xlane v3, v0;
	_ =	sdelay $0x1  }
0x4b: {  	v3 =	vperm.xlane v3, v2;
	v4 =	vadd.s32 v1, v4;
	_ =	sdelay $0x1  }
0x4c: {  	v3 =	vadd.s32 v1, v3;
	_ =	sdelay $0x1  }
0x4d: {  	s10 =	simm.s32 $0x3000  }
0x4e: {  	[tilespmem:s10], [sflag:$0x1] =	stream.indirect_vreg.gather [hbm4b:s2+s4], $0x80, v4, vm0, $0xb8;
	[tilespmem:$0x1E000] =	vst v63  }
0x4f: {  	s15 =	simm.s32 $0x3800  }
0x50: {  	[tilespmem:s15], [sflag:$0x1] =	stream.indirect_vreg.gather [hbm4b:s2+s4], $0x80, v3, vm0, $0xb8;
	[tilespmem:$0x1E000] =	vst v63  }
0x51: {  	v3 =	vld [tilespmem:$0x10];
	_ =	sdelay $0x4  }
0x52: {  	v41 =	vshll.u32 v3, $0x1  }
0x53: {  	v3 =	vand.u32 $0x7, v3;
	v4 =	vand.u32 $0xFFFFFFF0, v41  }
0x54: {  	v3 =	vor.u32 v3, v4  }
0x55: {  	v4 =	vperm.xlane v3, v0;
	_ =	sdelay $0x1  }
0x56: {  	v3 =	vperm.xlane v3, v2;
	v4 =	vadd.s32 v1, v4;
	_ =	sdelay $0x1  }
0x57: {  	v3 =	vadd.s32 v1, v3;
	_ =	sdelay $0x1  }
0x58: {  	s16 =	simm.s32 $0x4000  }
0x59: {  	[tilespmem:s16], [sflag:$0x1] =	stream.indirect_vreg.gather [hbm4b:s2+s4], $0x80, v4, vm0, $0xb8;
	[tilespmem:$0x1E000] =	vst v63  }
0x5a: {  	s17 =	simm.s32 $0x4800  }
0x5b: {  	[tilespmem:s17], [sflag:$0x1] =	stream.indirect_vreg.gather [hbm4b:s2+s4], $0x80, v3, vm0, $0xb8;
	[tilespmem:$0x1E000] =	vst v63  }
0x5c: {  	v3 =	vld [tilespmem:$0x20];
	_ =	sdelay $0x4  }
0x5d: {  	v42 =	vshll.u32 v3, $0x1  }
0x5e: {  	v3 =	vand.u32 $0x7, v3;
	v4 =	vand.u32 $0xFFFFFFF0, v42  }
0x5f: {  	v3 =	vor.u32 v3, v4  }
0x60: {  	v4 =	vperm.xlane v3, v0;
	_ =	sdelay $0x1  }
0x61: {  	v3 =	vperm.xlane v3, v2;
	v4 =	vadd.s32 v1, v4;
	_ =	sdelay $0x1  }
0x62: {  	v3 =	vadd.s32 v1, v3;
	_ =	sdelay $0x1  }
0x63: {  	s1 =	simm.s32 $0x5000  }
0x64: {  	[tilespmem:s1], [sflag:$0x1] =	stream.indirect_vreg.gather [hbm4b:s2+s4], $0x80, v4, vm0, $0xb8;
	[tilespmem:$0x1E000] =	vst v63  }
0x65: {  	s6 =	simm.s32 $0x5800  }
0x66: {  	[tilespmem:s6], [sflag:$0x1] =	stream.indirect_vreg.gather [hbm4b:s2+s4], $0x80, v3, vm0, $0xb8;
	[tilespmem:$0x1E000] =	vst v63  }
0x67: {  	v3 =	vld [tilespmem:$0x600];
	_ =	sdelay $0x4  }
0x68: {  	v43 =	vshll.u32 v3, $0x1  }
0x69: {  	v3 =	vand.u32 $0x7, v3;
	v4 =	vand.u32 $0xFFFFFFF0, v43  }
0x6a: {  	v3 =	vor.u32 v3, v4  }
0x6b: {  	v4 =	vperm.xlane v3, v0;
	_ =	sdelay $0x1  }
0x6c: {  	v3 =	vperm.xlane v3, v2;
	v4 =	vadd.s32 v1, v4;
	_ =	sdelay $0x1  }
0x6d: {  	v3 =	vadd.s32 v1, v3;
	_ =	sdelay $0x1  }
0x6e: {  	s7 =	simm.s32 $0x6000  }
0x6f: {  	[tilespmem:s7], [sflag:$0x1] =	stream.indirect_vreg.gather [hbm4b:s2+s4], $0x80, v4, vm0, $0xb8;
	[tilespmem:$0x1E000] =	vst v63  }
0x70: {  	s8 =	simm.s32 $0x6800  }
0x71: {  	[tilespmem:s8], [sflag:$0x1] =	stream.indirect_vreg.gather [hbm4b:s2+s4], $0x80, v3, vm0, $0xb8;
	[tilespmem:$0x1E000] =	vst v63  }
0x72: {  	v3 =	vld [tilespmem:$0x610];
	_ =	sdelay $0x4  }
0x73: {  	v44 =	vshll.u32 v3, $0x1  }
0x74: {  	v3 =	vand.u32 $0x7, v3;
	v4 =	vand.u32 $0xFFFFFFF0, v44  }
0x75: {  	v3 =	vor.u32 v3, v4  }
0x76: {  	v4 =	vperm.xlane v3, v0;
	_ =	sdelay $0x1  }
0x77: {  	v3 =	vperm.xlane v3, v2;
	v4 =	vadd.s32 v1, v4;
	_ =	sdelay $0x1  }
0x78: {  	v3 =	vadd.s32 v1, v3;
	_ =	sdelay $0x1  }
0x79: {  	s9 =	simm.s32 $0x7000  }
0x7a: {  	[tilespmem:s9], [sflag:$0x1] =	stream.indirect_vreg.gather [hbm4b:s2+s4], $0x80, v4, vm0, $0xb8;
	[tilespmem:$0x1E000] =	vst v63  }
0x7b: {  	s10 =	simm.s32 $0x7800  }
0x7c: {  	[tilespmem:s10], [sflag:$0x1] =	stream.indirect_vreg.gather [hbm4b:s2+s4], $0x80, v3, vm0, $0xb8;
	[tilespmem:$0x1E000] =	vst v63  }
0x7d: {  	v3 =	vld [tilespmem:$0x620];
	_ =	sdelay $0x4  }
0x7e: {  	v45 =	vshll.u32 v3, $0x1  }
0x7f: {  	v3 =	vand.u32 $0x7, v3;
	v4 =	vand.u32 $0xFFFFFFF0, v45  }
0x80: {  	v3 =	vor.u32 v3, v4  }
0x81: {  	v4 =	vperm.xlane v3, v0;
	_ =	sdelay $0x1  }
0x82: {  	v3 =	vperm.xlane v3, v2;
	v4 =	vadd.s32 v1, v4;
	_ =	sdelay $0x1  }
0x83: {  	v3 =	vadd.s32 v1, v3;
	_ =	sdelay $0x1  }
0x84: {  	s15 =	simm.s32 $0x8000  }
0x85: {  	[tilespmem:s15], [sflag:$0x1] =	stream.indirect_vreg.gather [hbm4b:s2+s4], $0x80, v4, vm0, $0xb8;
	[tilespmem:$0x1E000] =	vst v63  }
0x86: {  	s16 =	simm.s32 $0x8800  }
0x87: {  	[tilespmem:s16], [sflag:$0x1] =	stream.indirect_vreg.gather [hbm4b:s2+s4], $0x80, v3, vm0, $0xb8;
	[tilespmem:$0x1E000] =	vst v63  }
0x88: {  	v3 =	vld [tilespmem:$0xC00];
	_ =	sdelay $0x4  }
0x89: {  	v46 =	vshll.u32 v3, $0x1  }
0x8a: {  	v3 =	vand.u32 $0x7, v3;
	v4 =	vand.u32 $0xFFFFFFF0, v46  }
0x8b: {  	v3 =	vor.u32 v3, v4  }
0x8c: {  	v4 =	vperm.xlane v3, v0;
	_ =	sdelay $0x1  }
0x8d: {  	v3 =	vperm.xlane v3, v2;
	v4 =	vadd.s32 v1, v4;
	_ =	sdelay $0x1  }
0x8e: {  	v3 =	vadd.s32 v1, v3;
	_ =	sdelay $0x1  }
0x8f: {  	s17 =	simm.s32 $0x9000  }
0x90: {  	[tilespmem:s17], [sflag:$0x1] =	stream.indirect_vreg.gather [hbm4b:s2+s4], $0x80, v4, vm0, $0xb8;
	[tilespmem:$0x1E000] =	vst v63  }
0x91: {  	s1 =	simm.s32 $0x9800  }
0x92: {  	[tilespmem:s1], [sflag:$0x1] =	stream.indirect_vreg.gather [hbm4b:s2+s4], $0x80, v3, vm0, $0xb8;
	[tilespmem:$0x1E000] =	vst v63  }
0x93: {  	v3 =	vld [tilespmem:$0xC10];
	_ =	sdelay $0x4  }
0x94: {  	v47 =	vshll.u32 v3, $0x1  }
0x95: {  	v3 =	vand.u32 $0x7, v3;
	v4 =	vand.u32 $0xFFFFFFF0, v47  }
0x96: {  	v3 =	vor.u32 v3, v4  }
0x97: {  	v4 =	vperm.xlane v3, v0;
	_ =	sdelay $0x1  }
0x98: {  	v3 =	vperm.xlane v3, v2;
	v4 =	vadd.s32 v1, v4;
	_ =	sdelay $0x1  }
0x99: {  	v3 =	vadd.s32 v1, v3;
	_ =	sdelay $0x1  }
0x9a: {  	s6 =	simm.s32 $0xA000  }
0x9b: {  	[tilespmem:s6], [sflag:$0x1] =	stream.indirect_vreg.gather [hbm4b:s2+s4], $0x80, v4, vm0, $0xb8;
	[tilespmem:$0x1E000] =	vst v63  }
0x9c: {  	s7 =	simm.s32 $0xA800  }
0x9d: {  	[tilespmem:s7], [sflag:$0x1] =	stream.indirect_vreg.gather [hbm4b:s2+s4], $0x80, v3, vm0, $0xb8;
	[tilespmem:$0x1E000] =	vst v63  }
0x9e: {  	v3 =	vld [tilespmem:$0xC20];
	_ =	sdelay $0x4  }
0x9f: {  	v48 =	vshll.u32 v3, $0x1  }
0xa0: {  	v3 =	vand.u32 $0x7, v3;
	v4 =	vand.u32 $0xFFFFFFF0, v48  }
0xa1: {  	v3 =	vor.u32 v3, v4  }
0xa2: {  	v4 =	vperm.xlane v3, v0;
	_ =	sdelay $0x1  }
0xa3: {  	v3 =	vperm.xlane v3, v2;
	v4 =	vadd.s32 v1, v4;
	_ =	sdelay $0x1  }
0xa4: {  	v3 =	vadd.s32 v1, v3;
	_ =	sdelay $0x1  }
0xa5: {  	s8 =	simm.s32 $0xB000  }
0xa6: {  	[tilespmem:s8], [sflag:$0x1] =	stream.indirect_vreg.gather [hbm4b:s2+s4], $0x80, v4, vm0, $0xb8;
	[tilespmem:$0x1E000] =	vst v63  }
0xa7: {  	s9 =	simm.s32 $0xB800  }
0xa8: {  	[tilespmem:s9], [sflag:$0x1] =	stream.indirect_vreg.gather [hbm4b:s2+s4], $0x80, v3, vm0, $0xb8;
	[tilespmem:$0x1E000] =	vst v63  }
0xa9: {  	v3 =	vld [tilespmem:$0x1200];
	_ =	sdelay $0x4  }
0xaa: {  	v49 =	vshll.u32 v3, $0x1  }
0xab: {  	v3 =	vand.u32 $0x7, v3;
	v4 =	vand.u32 $0xFFFFFFF0, v49  }
0xac: {  	v3 =	vor.u32 v3, v4  }
0xad: {  	v4 =	vperm.xlane v3, v0;
	_ =	sdelay $0x1  }
0xae: {  	v3 =	vperm.xlane v3, v2;
	v4 =	vadd.s32 v1, v4;
	_ =	sdelay $0x1  }
0xaf: {  	v3 =	vadd.s32 v1, v3;
	_ =	sdelay $0x1  }
0xb0: {  	s10 =	simm.s32 $0xC000  }
0xb1: {  	[tilespmem:s10], [sflag:$0x1] =	stream.indirect_vreg.gather [hbm4b:s2+s4], $0x80, v4, vm0, $0xb8;
	[tilespmem:$0x1E000] =	vst v63  }
0xb2: {  	s15 =	simm.s32 $0xC800  }
0xb3: {  	[tilespmem:s15], [sflag:$0x1] =	stream.indirect_vreg.gather [hbm4b:s2+s4], $0x80, v3, vm0, $0xb8;
	[tilespmem:$0x1E000] =	vst v63  }
0xb4: {  	v3 =	vld [tilespmem:$0x1210];
	_ =	sdelay $0x4  }
0xb5: {  	v50 =	vshll.u32 v3, $0x1  }
0xb6: {  	v3 =	vand.u32 $0x7, v3;
	v4 =	vand.u32 $0xFFFFFFF0, v50  }
0xb7: {  	v3 =	vor.u32 v3, v4  }
0xb8: {  	v4 =	vperm.xlane v3, v0;
	_ =	sdelay $0x1  }
0xb9: {  	v3 =	vperm.xlane v3, v2;
	v4 =	vadd.s32 v1, v4;
	_ =	sdelay $0x1  }
0xba: {  	v3 =	vadd.s32 v1, v3;
	_ =	sdelay $0x1  }
0xbb: {  	s16 =	simm.s32 $0xD000  }
0xbc: {  	[tilespmem:s16], [sflag:$0x1] =	stream.indirect_vreg.gather [hbm4b:s2+s4], $0x80, v4, vm0, $0xb8;
	[tilespmem:$0x1E000] =	vst v63  }
0xbd: {  	s17 =	simm.s32 $0xD800  }
0xbe: {  	[tilespmem:s17], [sflag:$0x1] =	stream.indirect_vreg.gather [hbm4b:s2+s4], $0x80, v3, vm0, $0xb8;
	[tilespmem:$0x1E000] =	vst v63  }
0xbf: {  	v3 =	vld [tilespmem:$0x1220];
	_ =	sdelay $0x4  }
0xc0: {  	v51 =	vshll.u32 v3, $0x1  }
0xc1: {  	v3 =	vand.u32 $0x7, v3;
	v4 =	vand.u32 $0xFFFFFFF0, v51  }
0xc2: {  	v3 =	vor.u32 v3, v4  }
0xc3: {  	v4 =	vperm.xlane v3, v0;
	_ =	sdelay $0x1  }
0xc4: {  	v3 =	vperm.xlane v3, v2;
	v4 =	vadd.s32 v1, v4;
	_ =	sdelay $0x1  }
0xc5: {  	v3 =	vadd.s32 v1, v3;
	_ =	sdelay $0x1  }
0xc6: {  	s1 =	simm.s32 $0xE000  }
0xc7: {  	[tilespmem:s1], [sflag:$0x1] =	stream.indirect_vreg.gather [hbm4b:s2+s4], $0x80, v4, vm0, $0xb8;
	[tilespmem:$0x1E000] =	vst v63  }
0xc8: {  	s6 =	simm.s32 $0xE800  }
0xc9: {  	[tilespmem:s6], [sflag:$0x1] =	stream.indirect_vreg.gather [hbm4b:s2+s4], $0x80, v3, vm0, $0xb8;
	[tilespmem:$0x1E000] =	vst v63  }
0xca: {  	v3 =	vld [tilespmem:$0x30];
	_ =	sdelay $0x4  }
0xcb: {  	v52 =	vshll.u32 v3, $0x1  }
0xcc: {  	v3 =	vand.u32 $0x7, v3;
	v4 =	vand.u32 $0xFFFFFFF0, v52  }
0xcd: {  	v3 =	vor.u32 v3, v4  }
0xce: {  	v4 =	vperm.xlane v3, v0;
	_ =	sdelay $0x1  }
0xcf: {  	v3 =	vperm.xlane v3, v2;
	v4 =	vadd.s32 v1, v4;
	_ =	sdelay $0x1  }
0xd0: {  	v3 =	vadd.s32 v1, v3;
	_ =	sdelay $0x1  }
0xd1: {  	s7 =	simm.s32 $0xF000  }
0xd2: {  	[tilespmem:s7], [sflag:$0x2] =	stream.indirect_vreg.gather [hbm4b:s2+s4], $0x80, v4, vm0, $0xb8;
	[tilespmem:$0x1E000] =	vst v63  }
0xd3: {  	s8 =	simm.s32 $0xF800  }
0xd4: {  	[tilespmem:s8], [sflag:$0x2] =	stream.indirect_vreg.gather [hbm4b:s2+s4], $0x80, v3, vm0, $0xb8;
	[tilespmem:$0x1E000] =	vst v63  }
0xd5: {  	v3 =	vld [tilespmem:$0x40];
	_ =	sdelay $0x4  }
0xd6: {  	v53 =	vshll.u32 v3, $0x1  }
0xd7: {  	v3 =	vand.u32 $0x7, v3;
	v4 =	vand.u32 $0xFFFFFFF0, v53  }
0xd8: {  	v3 =	vor.u32 v3, v4  }
0xd9: {  	v4 =	vperm.xlane v3, v0;
	_ =	sdelay $0x1  }
0xda: {  	v3 =	vperm.xlane v3, v2;
	v4 =	vadd.s32 v1, v4;
	_ =	sdelay $0x1  }
0xdb: {  	v3 =	vadd.s32 v1, v3;
	_ =	sdelay $0x1  }
0xdc: {  	s9 =	simm.s32 $0x10000  }
0xdd: {  	[tilespmem:s9], [sflag:$0x2] =	stream.indirect_vreg.gather [hbm4b:s2+s4], $0x80, v4, vm0, $0xb8;
	[tilespmem:$0x1E000] =	vst v63  }
0xde: {  	s10 =	simm.s32 $0x10800  }
0xdf: {  	[tilespmem:s10], [sflag:$0x2] =	stream.indirect_vreg.gather [hbm4b:s2+s4], $0x80, v3, vm0, $0xb8;
	[tilespmem:$0x1E000] =	vst v63  }
0xe0: {  	v3 =	vld [tilespmem:$0x50];
	_ =	sdelay $0x4  }
0xe1: {  	v54 =	vshll.u32 v3, $0x1  }
0xe2: {  	v3 =	vand.u32 $0x7, v3;
	v4 =	vand.u32 $0xFFFFFFF0, v54  }
0xe3: {  	v3 =	vor.u32 v3, v4  }
0xe4: {  	v4 =	vperm.xlane v3, v0;
	_ =	sdelay $0x1  }
0xe5: {  	v3 =	vperm.xlane v3, v2;
	v4 =	vadd.s32 v1, v4;
	_ =	sdelay $0x1  }
0xe6: {  	v3 =	vadd.s32 v1, v3;
	_ =	sdelay $0x1  }
0xe7: {  	s15 =	simm.s32 $0x11000  }
0xe8: {  	[tilespmem:s15], [sflag:$0x2] =	stream.indirect_vreg.gather [hbm4b:s2+s4], $0x80, v4, vm0, $0xb8;
	[tilespmem:$0x1E000] =	vst v63  }
0xe9: {  	s16 =	simm.s32 $0x11800  }
0xea: {  	[tilespmem:s16], [sflag:$0x2] =	stream.indirect_vreg.gather [hbm4b:s2+s4], $0x80, v3, vm0, $0xb8;
	[tilespmem:$0x1E000] =	vst v63  }
0xeb: {  	v3 =	vld [tilespmem:$0x630];
	_ =	sdelay $0x4  }
0xec: {  	v55 =	vshll.u32 v3, $0x1  }
0xed: {  	v3 =	vand.u32 $0x7, v3;
	v4 =	vand.u32 $0xFFFFFFF0, v55  }
0xee: {  	v3 =	vor.u32 v3, v4  }
0xef: {  	v4 =	vperm.xlane v3, v0;
	_ =	sdelay $0x1  }
0xf0: {  	v3 =	vperm.xlane v3, v2;
	v4 =	vadd.s32 v1, v4;
	_ =	sdelay $0x1  }
0xf1: {  	v3 =	vadd.s32 v1, v3;
	_ =	sdelay $0x1  }
0xf2: {  	s17 =	simm.s32 $0x12000  }
0xf3: {  	[tilespmem:s17], [sflag:$0x2] =	stream.indirect_vreg.gather [hbm4b:s2+s4], $0x80, v4, vm0, $0xb8;
	[tilespmem:$0x1E000] =	vst v63  }
0xf4: {  	s1 =	simm.s32 $0x12800  }
0xf5: {  	[tilespmem:s1], [sflag:$0x2] =	stream.indirect_vreg.gather [hbm4b:s2+s4], $0x80, v3, vm0, $0xb8;
	[tilespmem:$0x1E000] =	vst v63  }
0xf6: {  	v3 =	vld [tilespmem:$0x640];
	_ =	sdelay $0x4  }
0xf7: {  	v56 =	vshll.u32 v3, $0x1  }
0xf8: {  	v3 =	vand.u32 $0x7, v3;
	v4 =	vand.u32 $0xFFFFFFF0, v56  }
0xf9: {  	v3 =	vor.u32 v3, v4  }
0xfa: {  	v4 =	vperm.xlane v3, v0;
	_ =	sdelay $0x1  }
0xfb: {  	v3 =	vperm.xlane v3, v2;
	v4 =	vadd.s32 v1, v4;
	_ =	sdelay $0x1  }
0xfc: {  	v3 =	vadd.s32 v1, v3;
	_ =	sdelay $0x1  }
0xfd: {  	s6 =	simm.s32 $0x13000  }
0xfe: {  	[tilespmem:s6], [sflag:$0x2] =	stream.indirect_vreg.gather [hbm4b:s2+s4], $0x80, v4, vm0, $0xb8;
	[tilespmem:$0x1E000] =	vst v63  }
0xff: {  	s7 =	simm.s32 $0x13800  }
0x100: {  	[tilespmem:s7], [sflag:$0x2] =	stream.indirect_vreg.gather [hbm4b:s2+s4], $0x80, v3, vm0, $0xb8;
	[tilespmem:$0x1E000] =	vst v63  }
0x101: {  	v3 =	vld [tilespmem:$0x650];
	_ =	sdelay $0x4  }
0x102: {  	v57 =	vshll.u32 v3, $0x1  }
0x103: {  	v3 =	vand.u32 $0x7, v3;
	v4 =	vand.u32 $0xFFFFFFF0, v57  }
0x104: {  	v3 =	vor.u32 v3, v4  }
0x105: {  	v4 =	vperm.xlane v3, v0;
	_ =	sdelay $0x1  }
0x106: {  	v3 =	vperm.xlane v3, v2;
	v4 =	vadd.s32 v1, v4;
	_ =	sdelay $0x1  }
0x107: {  	v3 =	vadd.s32 v1, v3;
	_ =	sdelay $0x1  }
0x108: {  	s8 =	simm.s32 $0x14000  }
0x109: {  	[tilespmem:s8], [sflag:$0x2] =	stream.indirect_vreg.gather [hbm4b:s2+s4], $0x80, v4, vm0, $0xb8;
	[tilespmem:$0x1E000] =	vst v63  }
0x10a: {  	s9 =	simm.s32 $0x14800  }
0x10b: {  	[tilespmem:s9], [sflag:$0x2] =	stream.indirect_vreg.gather [hbm4b:s2+s4], $0x80, v3, vm0, $0xb8;
	[tilespmem:$0x1E000] =	vst v63  }
0x10c: {  	v3 =	vld [tilespmem:$0xC30];
	_ =	sdelay $0x4  }
0x10d: {  	v58 =	vshll.u32 v3, $0x1  }
0x10e: {  	v3 =	vand.u32 $0x7, v3;
	v4 =	vand.u32 $0xFFFFFFF0, v58  }
0x10f: {  	v3 =	vor.u32 v3, v4  }
0x110: {  	v4 =	vperm.xlane v3, v0;
	_ =	sdelay $0x1  }
0x111: {  	v3 =	vperm.xlane v3, v2;
	v4 =	vadd.s32 v1, v4;
	_ =	sdelay $0x1  }
0x112: {  	v3 =	vadd.s32 v1, v3;
	_ =	sdelay $0x1  }
0x113: {  	s10 =	simm.s32 $0x15000  }
0x114: {  	[tilespmem:s10], [sflag:$0x2] =	stream.indirect_vreg.gather [hbm4b:s2+s4], $0x80, v4, vm0, $0xb8;
	[tilespmem:$0x1E000] =	vst v63  }
0x115: {  	s15 =	simm.s32 $0x15800  }
0x116: {  	[tilespmem:s15], [sflag:$0x2] =	stream.indirect_vreg.gather [hbm4b:s2+s4], $0x80, v3, vm0, $0xb8;
	[tilespmem:$0x1E000] =	vst v63  }
0x117: {  	v3 =	vld [tilespmem:$0xC40];
	_ =	sdelay $0x4  }
0x118: {  	v59 =	vshll.u32 v3, $0x1  }
0x119: {  	v3 =	vand.u32 $0x7, v3;
	v4 =	vand.u32 $0xFFFFFFF0, v59  }
0x11a: {  	v3 =	vor.u32 v3, v4  }
0x11b: {  	v4 =	vperm.xlane v3, v0;
	_ =	sdelay $0x1  }
0x11c: {  	v3 =	vperm.xlane v3, v2;
	v4 =	vadd.s32 v1, v4;
	_ =	sdelay $0x1  }
0x11d: {  	v3 =	vadd.s32 v1, v3;
	_ =	sdelay $0x1  }
0x11e: {  	s16 =	simm.s32 $0x16000  }
0x11f: {  	[tilespmem:s16], [sflag:$0x2] =	stream.indirect_vreg.gather [hbm4b:s2+s4], $0x80, v4, vm0, $0xb8;
	[tilespmem:$0x1E000] =	vst v63  }
0x120: {  	s17 =	simm.s32 $0x16800  }
0x121: {  	[tilespmem:s17], [sflag:$0x2] =	stream.indirect_vreg.gather [hbm4b:s2+s4], $0x80, v3, vm0, $0xb8;
	[tilespmem:$0x1E000] =	vst v63  }
0x122: {  	v3 =	vld [tilespmem:$0xC50];
	_ =	sdelay $0x4  }
0x123: {  	v60 =	vshll.u32 v3, $0x1  }
0x124: {  	v3 =	vand.u32 $0x7, v3;
	v4 =	vand.u32 $0xFFFFFFF0, v60  }
0x125: {  	v3 =	vor.u32 v3, v4  }
0x126: {  	v4 =	vperm.xlane v3, v0;
	_ =	sdelay $0x1  }
0x127: {  	v3 =	vperm.xlane v3, v2;
	v4 =	vadd.s32 v1, v4;
	_ =	sdelay $0x1  }
0x128: {  	v3 =	vadd.s32 v1, v3;
	_ =	sdelay $0x2  }
0x129: {  	[tilespmem:s11], [sflag:$0x2] =	stream.indirect_vreg.gather [hbm4b:s2+s4], $0x80, v4, vm0, $0xb8;
	[tilespmem:$0x1E000] =	vst v63  }
0x12a: {  	_ = 	snop  }
0x12b: {  	[tilespmem:s12], [sflag:$0x2] =	stream.indirect_vreg.gather [hbm4b:s2+s4], $0x80, v3, vm0, $0xb8;
	[tilespmem:$0x1E000] =	vst v63  }
0x12c: {  	v3 =	vld [tilespmem:$0x1230];
	_ =	sdelay $0x4  }
0x12d: {  	v61 =	vshll.u32 v3, $0x1  }
0x12e: {  	v3 =	vand.u32 $0x7, v3;
	v4 =	vand.u32 $0xFFFFFFF0, v61  }
0x12f: {  	v3 =	vor.u32 v3, v4  }
0x130: {  	v4 =	vperm.xlane v3, v0;
	_ =	sdelay $0x1  }
0x131: {  	v3 =	vperm.xlane v3, v2;
	v4 =	vadd.s32 v1, v4;
	_ =	sdelay $0x1  }
0x132: {  	v3 =	vadd.s32 v1, v3;
	_ =	sdelay $0x2  }
0x133: {  	[tilespmem:s13], [sflag:$0x2] =	stream.indirect_vreg.gather [hbm4b:s2+s4], $0x80, v4, vm0, $0xb8;
	[tilespmem:$0x1E000] =	vst v63  }
0x134: {  	_ = 	snop  }
0x135: {  	[tilespmem:s14], [sflag:$0x2] =	stream.indirect_vreg.gather [hbm4b:s2+s4], $0x80, v3, vm0, $0xb8;
	[tilespmem:$0x1E000] =	vst v63  }
0x136: {  	v3 =	vld [tilespmem:$0x1240];
	_ =	sdelay $0x4  }
0x137: {  	v62 =	vshll.u32 v3, $0x1  }
0x138: {  	v3 =	vand.u32 $0x7, v3;
	v4 =	vand.u32 $0xFFFFFFF0, v62  }
0x139: {  	v3 =	vor.u32 v3, v4  }
0x13a: {  	v4 =	vperm.xlane v3, v0;
	_ =	sdelay $0x1  }
0x13b: {  	v3 =	vperm.xlane v3, v2;
	v4 =	vadd.s32 v1, v4;
	_ =	sdelay $0x1  }
0x13c: {  	v3 =	vadd.s32 v1, v3;
	_ =	sdelay $0x2  }
0x13d: {  	[tilespmem:s23], [sflag:$0x2] =	stream.indirect_vreg.gather [hbm4b:s2+s4], $0x80, v4, vm0, $0xb8;
	[tilespmem:$0x1E000] =	vst v63  }
0x13e: {  	_ = 	snop  }
0x13f: {  	[tilespmem:s24], [sflag:$0x2] =	stream.indirect_vreg.gather [hbm4b:s2+s4], $0x80, v3, vm0, $0xb8;
	[tilespmem:$0x1E000] =	vst v63  }
0x140: {  	v3 =	vld [tilespmem:$0x1250];
	_ =	sdelay $0x4  }
0x141: {  	v63 =	vshll.u32 v3, $0x1  }
0x142: {  	v3 =	vand.u32 $0x7, v3;
	v4 =	vand.u32 $0xFFFFFFF0, v63  }
0x143: {  	v3 =	vor.u32 v3, v4  }
0x144: {  	v4 =	vperm.xlane v3, v0;
	_ =	sdelay $0x1  }
0x145: {  	v3 =	vperm.xlane v3, v2;
	v4 =	vadd.s32 v1, v4;
	_ =	sdelay $0x1  }
0x146: {  	v3 =	vadd.s32 v1, v3;
	_ =	sdelay $0x2  }
0x147: {  	[tilespmem:s25], [sflag:$0x2] =	stream.indirect_vreg.gather [hbm4b:s2+s4], $0x80, v4, vm0, $0xb8;
	[tilespmem:$0x1E000] =	vst v63  }
0x148: {  	s31 =	simm.s32 $0x0;
	s1 =	simm.s32 $0x0  }
0x149: {  	[tilespmem:s26], [sflag:$0x2] =	stream.indirect_vreg.gather [hbm4b:s2+s4], $0x80, v3, vm0, $0xb8;
	[tilespmem:$0x1E000] =	vst v63  }
.LBB2_2:
0x14a: {  	_ =	swait.ge [sflag:s22], $0x3000  }
0x14b: {  	[sflag:s22] =	ssyncset.done $0x0  }
0x14c: {  	[sflag:s22] =	ssyncadd.s32 $0xFFFFD000  }
0x14d: {  	_ =	swait.ge [sflag:s22], $0x3000  }
0x14e: {  	[sflag:s22] =	ssyncset.done $0x0  }
0x14f: {  	[sflag:s22] =	ssyncadd.s32 $0xFFFFD000  }
0x150: {  	_ =	swait.ge [sflag:s22], $0x3000  }
0x151: {  	s0 =	sadd.s32 $0xFFFFFFFE, s31;
	[sflag:s22] =	ssyncset.done $0x0  }
0x152: {  	s6 =	sadd.s32 $0x2, s0;
	[sflag:s22] =	ssyncadd.s32 $0xFFFFD000  }
0x153: {  	s0 =	sadd.s32 $0x3, s0;
	v3 =	vmov s6;
	_ =	swait.ge [sflag:s22], $0x3000  }
0x154: {  	p0 =	seq.s32 s1, $0x0;
	v4 =	vmov s0;
	v3 =	vand.u32 $0xFFFFFFFE, v3;
	[sflag:s22] =	ssyncset.done $0x0  }
0x155: {  	s0 =	simm.s32 @!p0 $0x3;
	v3 =	vbroadcast v3, $0x0;
	[sflag:s22] =	ssyncadd.s32 $0xFFFFD000  }
0x156: {  	_ =	swait.ge @!p0 [sflag:s0], $0x3000  }
0x157: {  	[sflag:s0] =	ssyncset.done @!p0 $0x0  }
0x158: {  	[sflag:s0] =	ssyncadd.s32 @!p0 $0xFFFFD000  }
0x159: {  	v7 =	vld.idx.msk [tilespmem:v4+s18+$0x0], $0xffff  }
0x15a: {  	v6 =	vld.idx.msk [tilespmem:v4+s19+$0x0], $0xffff  }
0x15b: {  	v9 =	vld.idx.msk [tilespmem:v3+s18+$0x0], $0xffff  }
0x15c: {  	s16 =	simm.s32 $0x0;
	s17 =	simm.s32 $0x80;
	v10 =	vld.idx.msk [tilespmem:v3+s19+$0x0], $0xffff  }
0x15d: {  	s10 =	sand.u32 $0x3800, s16;
	s15 =	sand.u32 $0x380, s17;
	v5 =	vld.idx.msk [tilespmem:v3+s20+$0x0], $0xffff  }
0x15e: {  	s15 =	sor.u32 s10, s15;
	v3 =	vld.idx.msk [tilespmem:v3+s21+$0x0], $0xffff  }
0x15f: {  	v44 =	vld [tilespmem:s15+$0x3000]  }
0x160: {  	v45 =	vld [tilespmem:s15+$0x6000]  }
0x161: {  	v46 =	vld [tilespmem:s15+$0x3010]  }
0x162: {  	v47 =	vld [tilespmem:s15+$0x6010]  }
0x163: {  	v48 =	vld [tilespmem:s15+$0x3020]  }
0x164: {  	v49 =	vld [tilespmem:s15+$0x6020]  }
0x165: {  	v50 =	vld [tilespmem:s15+$0x3030]  }
0x166: {  	v51 =	vld [tilespmem:s15+$0x6030]  }
0x167: {  	v52 =	vld [tilespmem:s15+$0x3040]  }
0x168: {  	v53 =	vld [tilespmem:s15+$0x6040]  }
0x169: {  	v54 =	vld [tilespmem:s15+$0x3050]  }
0x16a: {  	v55 =	vld [tilespmem:s15+$0x6050]  }
0x16b: {  	v56 =	vld [tilespmem:s15+$0x3060]  }
0x16c: {  	v57 =	vld [tilespmem:s15+$0x6060]  }
0x16d: {  	v58 =	vld [tilespmem:s15+$0x3070]  }
0x16e: {  	v59 =	vld [tilespmem:s15+$0x6070]  }
0x16f: {  	v60 =	vld [tilespmem:s15+$0x3400]  }
0x170: {  	v61 =	vld [tilespmem:s15+$0x6400]  }
0x171: {  	s9 =	simm.s32 $0x0;
	v62 =	vld [tilespmem:s15+$0x3410]  }
0x172: {  	s0 =	sand.u32 $0x300, s9;
	v63 =	vld [tilespmem:s15+$0x6410]  }
0x173: {  	s7 =	sor.u32 s0, s10;
	v0 =	vld [tilespmem:s15+$0x3420]  }
0x174: {  	v8 =	vld [tilespmem:s7+$0x3470]  }
0x175: {  	v11 =	vld [tilespmem:s7+$0x6470]  }
0x176: {  	v12 =	vld [tilespmem:s7+$0x9470]  }
0x177: {  	v13 =	vld [tilespmem:s7+$0xC470]  }
0x178: {  	v14 =	vld [tilespmem:s7+$0x3000]  }
0x179: {  	v15 =	vld [tilespmem:s7+$0x6000]  }
0x17a: {  	v16 =	vld [tilespmem:s7+$0x3010]  }
0x17b: {  	v17 =	vld [tilespmem:s7+$0x6010]  }
0x17c: {  	v18 =	vld [tilespmem:s7+$0x3020]  }
0x17d: {  	v19 =	vld [tilespmem:s7+$0x6020]  }
0x17e: {  	v20 =	vld [tilespmem:s7+$0x3030]  }
0x17f: {  	v21 =	vld [tilespmem:s7+$0x6030]  }
0x180: {  	v22 =	vld [tilespmem:s7+$0x3040]  }
0x181: {  	v23 =	vld [tilespmem:s7+$0x6040]  }
0x182: {  	v24 =	vld [tilespmem:s7+$0x3050]  }
0x183: {  	v25 =	vld [tilespmem:s7+$0x6050]  }
0x184: {  	v26 =	vld [tilespmem:s7+$0x3060]  }
0x185: {  	v27 =	vld [tilespmem:s7+$0x6060]  }
0x186: {  	v28 =	vld [tilespmem:s7+$0x3070]  }
0x187: {  	v29 =	vld [tilespmem:s7+$0x6070]  }
0x188: {  	v30 =	vld [tilespmem:s7+$0x3400]  }
0x189: {  	v31 =	vld [tilespmem:s7+$0x6400]  }
0x18a: {  	v32 =	vld [tilespmem:s7+$0x3410]  }
0x18b: {  	v33 =	vld [tilespmem:s7+$0x6410]  }
0x18c: {  	v34 =	vld [tilespmem:s7+$0x3420]  }
0x18d: {  	v35 =	vld [tilespmem:s7+$0x6420]  }
0x18e: {  	v36 =	vld [tilespmem:s7+$0x3430]  }
0x18f: {  	v37 =	vld [tilespmem:s7+$0x6430]  }
0x190: {  	v38 =	vld [tilespmem:s7+$0x3440]  }
0x191: {  	v39 =	vld [tilespmem:s7+$0x6440]  }
0x192: {  	v40 =	vld [tilespmem:s7+$0x3450]  }
0x193: {  	v41 =	vld [tilespmem:s7+$0x6450]  }
0x194: {  	v42 =	vld [tilespmem:s7+$0x3460]  }
0x195: {  	v43 =	vld [tilespmem:s7+$0x6460];
	[tilespmem:$0x1FFC0] =	vst v0;
	v8 =	vmul.f32 v8, v9  }
0x196: {  	v11 =	vmul.f32 v11, v10;
	v2 =	vld [tilespmem:s15+$0x6420];
	v13 =	vmul.f32 v13, v3  }
0x197: {  	v1 =	vld [tilespmem:s15+$0x6430];
	v16 =	vmul.f32 v16, v9;
	v17 =	vmul.f32 v17, v10  }
0x198: {  	v0 =	vld [tilespmem:s15+$0x6440];
	v30 =	vmul.f32 v30, v9;
	v31 =	vmul.f32 v31, v10;
	v8 =	vadd.f32 v11, v8  }
0x199: {  	v11 =	vmul.f32 v12, v5;
	v12 =	vld [tilespmem:s15+$0x3430];
	v16 =	vadd.f32 v17, v16;
	v17 =	vmul.f32 v22, v9  }
0x19a: {  	v22 =	vmul.f32 v23, v10;
	v23 =	vld [tilespmem:s15+$0x3460];
	v30 =	vadd.f32 v31, v30;
	v31 =	vmul.f32 v36, v9  }
0x19b: {  	v36 =	vmul.f32 v37, v10;
	v37 =	vld [tilespmem:s7+$0x9020];
	v8 =	vadd.f32 v11, v8;
	v11 =	vmul.f32 v14, v9  }
0x19c: {  	v14 =	vmul.f32 v15, v10;
	v15 =	vld [tilespmem:s15+$0x3440];
	v17 =	vadd.f32 v22, v17;
	v22 =	vmul.f32 v28, v9  }
0x19d: {  	v28 =	vmul.f32 v29, v10;
	v29 =	vld [tilespmem:s15+$0x6470];
	v31 =	vadd.f32 v36, v31;
	v36 =	vmul.f32 v41, v10  }
0x19e: {  	v41 =	vld [tilespmem:s7+$0x9050];
	v1 =	vmul.f32 v1, v6;
	v8 =	vadd.f32 v13, v8;
	v13 =	vmul.f32 v18, v9  }
0x19f: {  	v18 =	vmul.f32 v19, v10;
	v19 =	vld [tilespmem:s15+$0x3450];
	v11 =	vadd.f32 v14, v11;
	v14 =	vmul.f32 v20, v9  }
0x1a0: {  	v20 =	vmul.f32 v21, v10;
	v21 =	vld [tilespmem:s15+$0x6450];
	v22 =	vadd.f32 v28, v22;
	v28 =	vmul.f32 v34, v9  }
0x1a1: {  	v34 =	vmul.f32 v35, v10;
	v35 =	vld [tilespmem:s7+$0x9010];
	v12 =	vmul.f32 v12, v7  }
0x1a2: {  	v13 =	vadd.f32 v18, v13;
	v18 =	vmul.f32 v24, v9;
	v24 =	vmul.f32 v25, v10;
	v25 =	vld [tilespmem:s15+$0x6460]  }
0x1a3: {  	v14 =	vadd.f32 v20, v14;
	v20 =	vmul.f32 v26, v9;
	v26 =	vmul.f32 v27, v10;
	v27 =	vld [tilespmem:s15+$0x3470]  }
0x1a4: {  	v28 =	vadd.f32 v34, v28;
	v34 =	vmul.f32 v40, v9;
	v40 =	vld [tilespmem:s7+$0x9040]  }
0x1a5: {  	v1 =	vadd.f32 v1, v12;
	v12 =	vmul.f32 v23, v7;
	v23 =	vld [tilespmem:s15+$0x9050]  }
0x1a6: {  	v0 =	vmul.f32 v0, v6;
	v15 =	vmul.f32 v15, v7;
	v24 =	vadd.f32 v24, v18;
	v18 =	vld.idx.msk [tilespmem:v4+s20+$0x0], $0xffff  }
0x1a7: {  	v26 =	vadd.f32 v26, v20;
	v20 =	vmul.f32 v32, v9;
	v32 =	vmul.f32 v33, v10;
	v33 =	vld [tilespmem:s7+$0x9000]  }
0x1a8: {  	v34 =	vadd.f32 v36, v34;
	v36 =	vmul.f32 v46, v7;
	v46 =	vmul.f32 v49, v6;
	v49 =	vld [tilespmem:s7+$0x9410]  }
0x1a9: {  	v32 =	vadd.f32 v32, v20;
	v20 =	vmul.f32 v38, v9;
	v38 =	vmul.f32 v39, v10;
	v39 =	vld [tilespmem:s7+$0x9030]  }
0x1aa: {  	v10 =	vmul.f32 v43, v10;
	v43 =	vld [tilespmem:s7+$0x9060]  }
0x1ab: {  	v0 =	vadd.f32 v0, v15;
	v9 =	vmul.f32 v42, v9;
	v42 =	vmul.f32 v45, v6;
	v45 =	vld [tilespmem:s7+$0x9070]  }
0x1ac: {  	v15 =	vmul.f32 v25, v6;
	v25 =	vld [tilespmem:s15+$0x9060];
	v38 =	vadd.f32 v38, v20;
	v20 =	vmul.f32 v44, v7  }
0x1ad: {  	v44 =	vmul.f32 v47, v6;
	v9 =	vadd.f32 v10, v9;
	v10 =	vmul.f32 v48, v7;
	v47 =	vld [tilespmem:s7+$0x9400]  }
0x1ae: {  	v48 =	vmul.f32 v51, v6;
	v51 =	vld [tilespmem:s7+$0x9420];
	v42 =	vadd.f32 v42, v20;
	v20 =	vmul.f32 v50, v7  }
0x1af: {  	v36 =	vadd.f32 v44, v36;
	v44 =	vmul.f32 v52, v7;
	v50 =	vmul.f32 v53, v6;
	v53 =	vld [tilespmem:s7+$0x9430]  }
0x1b0: {  	v10 =	vadd.f32 v46, v10;
	v46 =	vmul.f32 v54, v7;
	v52 =	vmul.f32 v55, v6;
	v55 =	vld [tilespmem:s7+$0x9440]  }
0x1b1: {  	v54 =	vmul.f32 v57, v6;
	v57 =	vld [tilespmem:s7+$0x9450];
	v48 =	vadd.f32 v48, v20;
	v20 =	vmul.f32 v56, v7  }
0x1b2: {  	v44 =	vadd.f32 v50, v44;
	v50 =	vmul.f32 v58, v7;
	v56 =	vmul.f32 v59, v6;
	v59 =	vld [tilespmem:s7+$0x9460]  }
0x1b3: {  	v46 =	vadd.f32 v52, v46;
	v52 =	vmul.f32 v60, v7;
	v60 =	vmul.f32 v63, v6;
	v63 =	vld [tilespmem:$0x1FFC0]  }
0x1b4: {  	v58 =	vmul.f32 v61, v6;
	v61 =	vld [tilespmem:s15+$0x9000];
	v54 =	vadd.f32 v54, v20;
	v20 =	vmul.f32 v62, v7  }
0x1b5: {  	v2 =	vmul.f32 v2, v6;
	v19 =	vmul.f32 v19, v7;
	v62 =	vld [tilespmem:s15+$0x9010]  }
0x1b6: {  	v52 =	vadd.f32 v58, v52;
	v58 =	vld [tilespmem:s15+$0x9020];
	v60 =	vadd.f32 v60, v20;
	v20 =	vmul.f32 v21, v6  }
0x1b7: {  	v21 =	vld [tilespmem:s15+$0x9040];
	v6 =	vmul.f32 v29, v6;
	v29 =	vmul.f32 v33, v5  }
0x1b8: {  	v50 =	vadd.f32 v56, v50;
	v56 =	vmul.f32 v63, v7;
	v63 =	vld [tilespmem:s15+$0x9030];
	v7 =	vmul.f32 v27, v7  }
0x1b9: {  	v33 =	vmul.f32 v35, v5;
	v27 =	vadd.f32 v20, v19;
	v20 =	vadd.f32 v15, v12;
	v12 =	vld [tilespmem:s15+$0x9400]  }
0x1ba: {  	v11 =	vadd.f32 v29, v11;
	v29 =	vld [tilespmem:s15+$0x9410];
	v19 =	vadd.f32 v6, v7;
	v6 =	vmul.f32 v37, v5  }
0x1bb: {  	v16 =	vadd.f32 v33, v16;
	v15 =	vmul.f32 v45, v5;
	v45 =	vld [tilespmem:s15+$0x9470];
	v7 =	vmul.f32 v39, v5  }
0x1bc: {  	v2 =	vadd.f32 v2, v56;
	v56 =	vld [tilespmem:s15+$0x9070];
	v33 =	vadd.f32 v6, v13;
	v6 =	vmul.f32 v40, v5  }
0x1bd: {  	v37 =	vld [tilespmem:s15+$0x9420];
	v22 =	vadd.f32 v15, v22;
	v14 =	vadd.f32 v7, v14;
	v7 =	vmul.f32 v43, v5  }
0x1be: {  	v39 =	vld [tilespmem:s15+$0x9430];
	v15 =	vmul.f32 v57, v5;
	v17 =	vadd.f32 v6, v17;
	v6 =	vmul.f32 v47, v5  }
0x1bf: {  	v57 =	vld [tilespmem:s7+$0xC410];
	v13 =	vmul.f32 v41, v5;
	v26 =	vadd.f32 v7, v26;
	v7 =	vmul.f32 v49, v5  }
0x1c0: {  	v40 =	vld [tilespmem:s15+$0x9440];
	v21 =	vmul.f32 v21, v18;
	v30 =	vadd.f32 v6, v30;
	v6 =	vmul.f32 v51, v5  }
0x1c1: {  	v41 =	vld [tilespmem:s15+$0x9450];
	v24 =	vadd.f32 v13, v24;
	v32 =	vadd.f32 v7, v32;
	v7 =	vmul.f32 v55, v5  }
0x1c2: {  	v13 =	vmul.f32 v53, v5;
	v28 =	vadd.f32 v6, v28;
	v6 =	vmul.f32 v59, v5;
	v5 =	vld.idx.msk [tilespmem:v4+s21+$0x0], $0xffff  }
0x1c3: {  	v34 =	vadd.f32 v15, v34;
	v4 =	vadd.f32 v7, v38;
	v7 =	vmul.f32 v61, v18;
	v61 =	vld [tilespmem:s7+$0xC000]  }
0x1c4: {  	v12 =	vmul.f32 v12, v18;
	v47 =	vadd.f32 v6, v9;
	v6 =	vmul.f32 v62, v18;
	v62 =	vld [tilespmem:s7+$0xC010]  }
0x1c5: {  	v9 =	vmul.f32 v58, v18;
	v42 =	vadd.f32 v7, v42;
	v7 =	vmul.f32 v63, v18;
	v63 =	vld [tilespmem:s7+$0xC020]  }
0x1c6: {  	v31 =	vadd.f32 v13, v31;
	v36 =	vadd.f32 v6, v36;
	v6 =	vmul.f32 v23, v18;
	v23 =	vld [tilespmem:s7+$0xC030]  }
0x1c7: {  	v15 =	vadd.f32 v9, v10;
	v9 =	vadd.f32 v21, v44;
	v10 =	vmul.f32 v25, v18;
	v21 =	vld [tilespmem:s7+$0xC040]  }
0x1c8: {  	v53 =	vld [tilespmem:s7+$0xC050];
	v13 =	vadd.f32 v7, v48;
	v25 =	vmul.f32 v56, v18;
	v48 =	vmul.f32 v61, v3  }
0x1c9: {  	v55 =	vld [tilespmem:s7+$0xC060];
	v7 =	vadd.f32 v6, v46;
	v6 =	vadd.f32 v10, v54;
	v54 =	vmul.f32 v62, v3  }
0x1ca: {  	v56 =	vld [tilespmem:s7+$0xC070];
	v10 =	vadd.f32 v25, v50;
	v11 =	vadd.f32 v48, v11;
	v25 =	vmul.f32 v63, v3  }
0x1cb: {  	[tilespmem:s7+$0x1B470] =	vst v8;
	v8 =	vadd.f32 v12, v52;
	v12 =	vadd.f32 v54, v16;
	v16 =	vmul.f32 v23, v3;
	v23 =	vld [tilespmem:s7+$0xC400]  }
0x1cc: {  	v43 =	vld [tilespmem:s15+$0x9460];
	[tilespmem:s7+$0x1B000] =	vst v11;
	v11 =	vmul.f32 v29, v18;
	v25 =	vadd.f32 v25, v33;
	v21 =	vmul.f32 v21, v3  }
0x1cd: {  	v59 =	vld [tilespmem:s7+$0xC420];
	v58 =	vmul.f32 v37, v18;
	[tilespmem:s7+$0x1B010] =	vst v12;
	v14 =	vadd.f32 v16, v14;
	v16 =	vmul.f32 v53, v3  }
0x1ce: {  	v12 =	vadd.f32 v11, v60;
	[tilespmem:s7+$0x1B020] =	vst v25;
	v17 =	vadd.f32 v21, v17;
	v21 =	vmul.f32 v55, v3;
	v25 =	vld [tilespmem:s7+$0xC430]  }
0x1cf: {  	v11 =	vadd.f32 v58, v2;
	[tilespmem:s7+$0x1B030] =	vst v14;
	v2 =	vadd.f32 v16, v24;
	v14 =	vmul.f32 v56, v3;
	v24 =	vld [tilespmem:s7+$0xC440]  }
0x1d0: {  	v16 =	vmul.f32 v39, v18;
	[tilespmem:s7+$0x1B040] =	vst v17;
	v17 =	vadd.f32 v21, v26;
	v21 =	vmul.f32 v23, v3;
	v23 =	vld [tilespmem:s7+$0xC450]  }
0x1d1: {  	v61 =	vld [tilespmem:s7+$0xC460];
	v26 =	vmul.f32 v40, v18;
	[tilespmem:s7+$0x1B050] =	vst v2;
	v2 =	vadd.f32 v14, v22;
	v22 =	vmul.f32 v57, v3  }
0x1d2: {  	v14 =	vadd.f32 v16, v1;
	[tilespmem:s7+$0x1B060] =	vst v17;
	v17 =	vmul.f32 v59, v3;
	v1 =	vadd.f32 v21, v30;
	v21 =	vld [tilespmem:s15+$0xC000]  }
0x1d3: {  	v62 =	vmul.f32 v41, v18;
	[tilespmem:s7+$0x1B070] =	vst v2;
	v2 =	vadd.f32 v22, v32;
	v22 =	vmul.f32 v25, v3;
	v25 =	vld [tilespmem:s15+$0xC010]  }
0x1d4: {  	v16 =	vadd.f32 v26, v0;
	v26 =	vld [tilespmem:s15+$0xC020];
	v0 =	vadd.f32 v17, v28;
	[tilespmem:s7+$0x1B400] =	vst v1;
	v1 =	vmul.f32 v24, v3  }
0x1d5: {  	v63 =	vld [tilespmem:s15+$0xC030];
	[tilespmem:s7+$0x1B410] =	vst v2;
	v2 =	vadd.f32 v22, v31;
	v22 =	vmul.f32 v23, v3  }
0x1d6: {  	v17 =	vadd.f32 v62, v27;
	[tilespmem:s7+$0x1B420] =	vst v0;
	v23 =	vld [tilespmem:s15+$0xC040];
	v0 =	vadd.f32 v1, v4;
	v1 =	vmul.f32 v61, v3  }
0x1d7: {  	v24 =	vmul.f32 v43, v18;
	v4 =	vld [tilespmem:s15+$0xC050];
	[tilespmem:s7+$0x1B430] =	vst v2;
	v2 =	vadd.f32 v22, v34;
	v21 =	vmul.f32 v21, v5  }
0x1d8: {  	v27 =	vmul.f32 v45, v18;
	v3 =	vld [tilespmem:s15+$0xC060];
	[tilespmem:s7+$0x1B440] =	vst v0;
	v0 =	vadd.f32 v1, v47;
	v1 =	vmul.f32 v25, v5  }
0x1d9: {  	v18 =	vadd.f32 v24, v20;
	v26 =	vmul.f32 v26, v5;
	[tilespmem:s7+$0x1B450] =	vst v2;
	v24 =	vadd.f32 v21, v42;
	v21 =	vld [tilespmem:s15+$0xC070]  }
0x1da: {  	s6 =	simm.s32 $0x0;
	s0 =	smul.u32 $0x60, s1;
	v19 =	vadd.f32 v27, v19;
	v20 =	vld [tilespmem:s15+$0xC400];
	v22 =	vmul.f32 v63, v5;
	[tilespmem:s7+$0x1B460] =	vst v0;
	v25 =	vadd.f32 v1, v36  }
.LBB2_3:
0x1db: {  	s7 =	sadd.s32 s6, s31;
	[tilespmem:s15+$0x1B000] =	vst v24;
	v0 =	vadd.f32 v26, v15;
	v1 =	vmul.f32 v23, v5;
	v2 =	vld [tilespmem:s15+$0xC410]  }
0x1dc: {  	s6 =	sadd.s32 $0x2, s6;
	s8 =	sadd.s32 $0x2, s7;
	s7 =	sadd.s32 $0x3, s7;
	[tilespmem:s15+$0x1B010] =	vst v25;
	v13 =	vadd.f32 v22, v13;
	v15 =	vmul.f32 v4, v5;
	v22 =	vld [tilespmem:s15+$0xC420]  }
0x1dd: {  	p0 =	slt.u32 s6, $0x2E;
	v23 =	vmov s8;
	v4 =	vmov s7;
	[tilespmem:s15+$0x1B020] =	vst v0;
	v0 =	vmul.f32 v3, v5;
	v3 =	vld [tilespmem:s15+$0xC430]  }
0x1de: {  	v1 =	vadd.f32 v1, v9;
	v23 =	vand.u32 $0xFFFFFFFE, v23;
	[tilespmem:s15+$0x1B030] =	vst v13;
	v9 =	vmul.f32 v21, v5;
	v13 =	vld [tilespmem:s15+$0xC440]  }
0x1df: {  	v7 =	vadd.f32 v15, v7;
	v23 =	vbroadcast v23, $0x0;
	v15 =	vmul.f32 v20, v5;
	v20 =	vld [tilespmem:s15+$0xC450]  }
0x1e0: {  	s17 =	sadd.s32 $0x100, s17;
	v0 =	vadd.f32 v0, v6;
	[tilespmem:s15+$0x1B040] =	vst v1;
	v1 =	vadd.f32 v9, v10;
	v2 =	vmul.f32 v2, v5;
	v9 =	vld [tilespmem:s15+$0xC460]  }
0x1e1: {  	s16 =	sadd.s32 $0x200, s16;
	s7 =	sadd.s32 $0xFFFFFF80, s17;
	s8 =	sand.u32 $0x380, s17;
	[tilespmem:s15+$0x1B050] =	vst v7;
	v8 =	vadd.f32 v15, v8;
	v10 =	vmul.f32 v22, v5;
	v15 =	vld [tilespmem:s15+$0xC470]  }
0x1e2: {  	s9 =	sand.u32 $0x3800, s16;
	s7 =	sand.u32 $0x300, s7;
	v6 =	vld.idx.msk [tilespmem:v4+s18+$0x0], $0xffff;
	[tilespmem:s15+$0x1B060] =	vst v0;
	v0 =	vadd.f32 v2, v12;
	v2 =	vmul.f32 v3, v5  }
0x1e3: {  	s8 =	sor.u32 s9, s8;
	s7 =	sor.u32 s7, s9;
	v7 =	vld.idx.msk [tilespmem:v4+s19+$0x0], $0xffff;
	[tilespmem:s15+$0x1B070] =	vst v1;
	v1 =	vadd.f32 v10, v11;
	v3 =	vmul.f32 v13, v5  }
0x1e4: {  	v10 =	vld [tilespmem:s7+$0x3470];
	[tilespmem:s15+$0x1B400] =	vst v8;
	v2 =	vadd.f32 v2, v14;
	v8 =	vmul.f32 v20, v5  }
0x1e5: {  	v21 =	vld.idx.msk [tilespmem:v23+s18+$0x0], $0xffff;
	[tilespmem:s15+$0x1B410] =	vst v0;
	v0 =	vadd.f32 v3, v16;
	v3 =	vmul.f32 v9, v5  }
0x1e6: {  	v22 =	vld.idx.msk [tilespmem:v23+s19+$0x0], $0xffff;
	[tilespmem:s15+$0x1B420] =	vst v1;
	v1 =	vadd.f32 v8, v17;
	v8 =	vmul.f32 v15, v5  }
0x1e7: {  	v9 =	vld [tilespmem:s7+$0x6470];
	[tilespmem:s15+$0x1B430] =	vst v2;
	v2 =	vadd.f32 v3, v18  }
0x1e8: {  	v5 =	vld.idx.msk [tilespmem:v23+s20+$0x0], $0xffff;
	[tilespmem:s15+$0x1B440] =	vst v0;
	v0 =	vadd.f32 v8, v19  }
0x1e9: {  	v8 =	vld [tilespmem:s7+$0x9470];
	[tilespmem:s15+$0x1B450] =	vst v1  }
0x1ea: {  	v3 =	vld.idx.msk [tilespmem:v23+s21+$0x0], $0xffff;
	[tilespmem:s15+$0x1B460] =	vst v2  }
0x1eb: {  	v1 =	vld [tilespmem:s7+$0xC470];
	[tilespmem:s15+$0x1B470] =	vst v0;
	s15 =	smov.u32 s8  }
0x1ec: {  	v2 =	vmul.f32 v10, v21;
	v0 =	vld [tilespmem:s7+$0x3000];
	v9 =	vmul.f32 v9, v22  }
0x1ed: {  	v10 =	vld [tilespmem:s7+$0x6000]  }
0x1ee: {  	v11 =	vld [tilespmem:s7+$0x3010];
	v2 =	vadd.f32 v9, v2;
	v8 =	vmul.f32 v8, v5  }
0x1ef: {  	v9 =	vld [tilespmem:s7+$0x6010]  }
0x1f0: {  	v12 =	vld [tilespmem:s7+$0x3020];
	v2 =	vadd.f32 v8, v2;
	v1 =	vmul.f32 v1, v3  }
0x1f1: {  	v0 =	vmul.f32 v0, v21;
	v13 =	vld [tilespmem:s7+$0x6020]  }
0x1f2: {  	v8 =	vmul.f32 v10, v22;
	v10 =	vld [tilespmem:s7+$0x3030];
	v1 =	vadd.f32 v1, v2  }
0x1f3: {  	v2 =	vmul.f32 v11, v21;
	v11 =	vld [tilespmem:s7+$0x6030]  }
0x1f4: {  	v8 =	vadd.f32 v8, v0;
	v0 =	vmul.f32 v9, v22;
	v14 =	vld [tilespmem:s7+$0x3040];
	[tilespmem:s7+$0x1B470] =	vst v1  }
0x1f5: {  	v1 =	vmul.f32 v12, v21;
	v12 =	vld [tilespmem:s7+$0x6040]  }
0x1f6: {  	v9 =	vadd.f32 v0, v2;
	v0 =	vmul.f32 v13, v22;
	v2 =	vld [tilespmem:s7+$0x3050]  }
0x1f7: {  	v13 =	vmul.f32 v10, v21;
	v15 =	vld [tilespmem:s7+$0x6050]  }
0x1f8: {  	v10 =	vadd.f32 v0, v1;
	v0 =	vmul.f32 v11, v22;
	v1 =	vld [tilespmem:s7+$0x3060]  }
0x1f9: {  	v14 =	vmul.f32 v14, v21;
	v16 =	vld [tilespmem:s7+$0x6060]  }
0x1fa: {  	v11 =	vadd.f32 v0, v13;
	v0 =	vmul.f32 v12, v22;
	v17 =	vld [tilespmem:s7+$0x3070]  }
0x1fb: {  	v2 =	vmul.f32 v2, v21;
	v18 =	vld [tilespmem:s7+$0x6070]  }
0x1fc: {  	v12 =	vadd.f32 v0, v14;
	v0 =	vmul.f32 v15, v22;
	v15 =	vld [tilespmem:s7+$0x3400]  }
0x1fd: {  	v1 =	vmul.f32 v1, v21;
	v19 =	vld [tilespmem:s7+$0x6400]  }
0x1fe: {  	v13 =	vadd.f32 v0, v2;
	v0 =	vmul.f32 v16, v22;
	v2 =	vld [tilespmem:s7+$0x3410]  }
0x1ff: {  	v16 =	vmul.f32 v17, v21;
	v17 =	vld [tilespmem:s7+$0x6410]  }
0x200: {  	v14 =	vadd.f32 v0, v1;
	v0 =	vmul.f32 v18, v22;
	v1 =	vld [tilespmem:s7+$0x3420]  }
0x201: {  	v18 =	vmul.f32 v15, v21;
	v20 =	vld [tilespmem:s7+$0x6420]  }
0x202: {  	v15 =	vadd.f32 v0, v16;
	v0 =	vmul.f32 v19, v22;
	v19 =	vld [tilespmem:s7+$0x3430]  }
0x203: {  	v2 =	vmul.f32 v2, v21;
	v23 =	vld [tilespmem:s7+$0x6430]  }
0x204: {  	v16 =	vadd.f32 v0, v18;
	v0 =	vmul.f32 v17, v22;
	v24 =	vld [tilespmem:s7+$0x3440]  }
0x205: {  	v1 =	vmul.f32 v1, v21;
	v25 =	vld [tilespmem:s7+$0x6440]  }
0x206: {  	v17 =	vadd.f32 v0, v2;
	v0 =	vmul.f32 v20, v22;
	v2 =	vld [tilespmem:s7+$0x3450]  }
0x207: {  	v19 =	vmul.f32 v19, v21;
	v26 =	vld [tilespmem:s7+$0x6450]  }
0x208: {  	v18 =	vadd.f32 v0, v1;
	v0 =	vmul.f32 v23, v22;
	v1 =	vld [tilespmem:s7+$0x3460]  }
0x209: {  	v20 =	vmul.f32 v24, v21;
	v23 =	vld [tilespmem:s7+$0x6460]  }
0x20a: {  	v19 =	vadd.f32 v0, v19;
	v0 =	vmul.f32 v25, v22;
	v24 =	vld [tilespmem:s15+$0x3000]  }
0x20b: {  	v2 =	vmul.f32 v2, v21;
	v25 =	vld [tilespmem:s15+$0x6000]  }
0x20c: {  	v20 =	vadd.f32 v0, v20;
	v0 =	vmul.f32 v26, v22;
	v26 =	vld [tilespmem:s15+$0x3010]  }
0x20d: {  	v1 =	vmul.f32 v1, v21;
	v27 =	vld [tilespmem:s15+$0x6010]  }
0x20e: {  	v21 =	vadd.f32 v0, v2;
	v0 =	vmul.f32 v23, v22;
	v2 =	vld [tilespmem:s15+$0x3020]  }
0x20f: {  	v23 =	vmul.f32 v24, v6;
	v28 =	vld [tilespmem:s15+$0x6020]  }
0x210: {  	v22 =	vadd.f32 v0, v1;
	v0 =	vmul.f32 v25, v7;
	v1 =	vld [tilespmem:s15+$0x3030]  }
0x211: {  	v24 =	vmul.f32 v26, v6;
	v26 =	vld [tilespmem:s15+$0x6030]  }
0x212: {  	v23 =	vadd.f32 v0, v23;
	v0 =	vmul.f32 v27, v7;
	v27 =	vld [tilespmem:s15+$0x3040]  }
0x213: {  	v2 =	vmul.f32 v2, v6;
	v29 =	vld [tilespmem:s15+$0x6040]  }
0x214: {  	v24 =	vadd.f32 v0, v24;
	v0 =	vmul.f32 v28, v7;
	v28 =	vld [tilespmem:s15+$0x3050]  }
0x215: {  	v1 =	vmul.f32 v1, v6;
	v30 =	vld [tilespmem:s15+$0x6050]  }
0x216: {  	v25 =	vadd.f32 v0, v2;
	v0 =	vmul.f32 v26, v7;
	v2 =	vld [tilespmem:s15+$0x3060]  }
0x217: {  	v27 =	vmul.f32 v27, v6;
	v31 =	vld [tilespmem:s15+$0x6060]  }
0x218: {  	v26 =	vadd.f32 v0, v1;
	v0 =	vmul.f32 v29, v7;
	v1 =	vld [tilespmem:s15+$0x3070]  }
0x219: {  	v28 =	vmul.f32 v28, v6;
	v32 =	vld [tilespmem:s15+$0x6070]  }
0x21a: {  	v27 =	vadd.f32 v0, v27;
	v0 =	vmul.f32 v30, v7;
	v30 =	vld [tilespmem:s15+$0x3400]  }
0x21b: {  	v2 =	vmul.f32 v2, v6;
	v33 =	vld [tilespmem:s15+$0x6400]  }
0x21c: {  	v28 =	vadd.f32 v0, v28;
	v0 =	vmul.f32 v31, v7;
	v31 =	vld [tilespmem:s15+$0x3410]  }
0x21d: {  	v1 =	vmul.f32 v1, v6;
	v34 =	vld [tilespmem:s15+$0x6410]  }
0x21e: {  	v29 =	vadd.f32 v0, v2;
	v0 =	vmul.f32 v32, v7;
	v2 =	vld [tilespmem:s15+$0x3420]  }
0x21f: {  	v32 =	vmul.f32 v30, v6;
	v35 =	vld [tilespmem:s15+$0x6420]  }
0x220: {  	v30 =	vadd.f32 v0, v1;
	v0 =	vmul.f32 v33, v7;
	v1 =	vld [tilespmem:s15+$0x3430]  }
0x221: {  	v33 =	vmul.f32 v31, v6;
	v36 =	vld [tilespmem:s15+$0x6430]  }
0x222: {  	v31 =	vadd.f32 v0, v32;
	v0 =	vmul.f32 v34, v7;
	v34 =	vld [tilespmem:s15+$0x3440]  }
0x223: {  	v2 =	vmul.f32 v2, v6;
	v37 =	vld [tilespmem:s15+$0x6440]  }
0x224: {  	v32 =	vadd.f32 v0, v33;
	v0 =	vmul.f32 v35, v7;
	v38 =	vld [tilespmem:s15+$0x3450]  }
0x225: {  	v1 =	vmul.f32 v1, v6;
	v39 =	vld [tilespmem:s15+$0x6450]  }
0x226: {  	v33 =	vadd.f32 v0, v2;
	v0 =	vmul.f32 v36, v7;
	v2 =	vld [tilespmem:s15+$0x3460]  }
0x227: {  	v36 =	vmul.f32 v34, v6;
	v41 =	vld [tilespmem:s15+$0x6460]  }
0x228: {  	v35 =	vadd.f32 v0, v1;
	v0 =	vmul.f32 v37, v7;
	v1 =	vld [tilespmem:s15+$0x3470]  }
0x229: {  	v37 =	vmul.f32 v38, v6;
	v38 =	vld [tilespmem:s15+$0x6470]  }
0x22a: {  	v34 =	vld.idx.msk [tilespmem:v4+s20+$0x0], $0xffff;
	v40 =	vadd.f32 v0, v36;
	v0 =	vmul.f32 v39, v7  }
0x22b: {  	v36 =	vld [tilespmem:s7+$0x9000];
	v2 =	vmul.f32 v2, v6  }
0x22c: {  	v39 =	vld [tilespmem:s7+$0x9010];
	v44 =	vadd.f32 v0, v37;
	v0 =	vmul.f32 v41, v7  }
0x22d: {  	v37 =	vld [tilespmem:s7+$0x9020];
	v1 =	vmul.f32 v1, v6  }
0x22e: {  	v6 =	vld [tilespmem:s7+$0x9030];
	v48 =	vadd.f32 v0, v2;
	v0 =	vmul.f32 v38, v7  }
0x22f: {  	v2 =	vld [tilespmem:s7+$0x9040]  }
0x230: {  	v7 =	vmul.f32 v36, v5;
	v36 =	vld [tilespmem:s7+$0x9050];
	v0 =	vadd.f32 v0, v1  }
0x231: {  	v1 =	vmul.f32 v39, v5;
	v38 =	vld [tilespmem:s7+$0x9060]  }
0x232: {  	v49 =	vadd.f32 v7, v8;
	v7 =	vmul.f32 v37, v5;
	v8 =	vld [tilespmem:s7+$0x9070]  }
0x233: {  	v1 =	vadd.f32 v1, v9;
	v6 =	vmul.f32 v6, v5;
	v9 =	vld [tilespmem:s7+$0x9400]  }
0x234: {  	v50 =	vadd.f32 v7, v10;
	v2 =	vmul.f32 v2, v5;
	v7 =	vld [tilespmem:s7+$0x9410]  }
0x235: {  	v51 =	vadd.f32 v6, v11;
	v6 =	vmul.f32 v36, v5;
	v10 =	vld [tilespmem:s7+$0x9420]  }
0x236: {  	v47 =	vadd.f32 v2, v12;
	v2 =	vmul.f32 v38, v5;
	v11 =	vld [tilespmem:s7+$0x9430]  }
0x237: {  	v46 =	vadd.f32 v6, v13;
	v6 =	vmul.f32 v8, v5;
	v8 =	vld [tilespmem:s7+$0x9440]  }
0x238: {  	v45 =	vadd.f32 v2, v14;
	v2 =	vmul.f32 v9, v5;
	v9 =	vld [tilespmem:s7+$0x9450]  }
0x239: {  	v43 =	vadd.f32 v6, v15;
	v6 =	vmul.f32 v7, v5;
	v7 =	vld [tilespmem:s7+$0x9460]  }
0x23a: {  	v42 =	vadd.f32 v2, v16;
	v2 =	vmul.f32 v10, v5;
	v10 =	vld [tilespmem:s15+$0x9000]  }
0x23b: {  	v41 =	vadd.f32 v6, v17;
	v6 =	vmul.f32 v11, v5;
	v11 =	vld [tilespmem:s15+$0x9010]  }
0x23c: {  	v39 =	vadd.f32 v2, v18;
	v2 =	vmul.f32 v8, v5;
	v8 =	vld [tilespmem:s15+$0x9020]  }
0x23d: {  	v38 =	vadd.f32 v6, v19;
	v6 =	vmul.f32 v9, v5;
	v9 =	vld [tilespmem:s15+$0x9030]  }
0x23e: {  	v37 =	vadd.f32 v2, v20;
	v2 =	vmul.f32 v7, v5;
	v5 =	vld [tilespmem:s15+$0x9040]  }
0x23f: {  	v36 =	vadd.f32 v6, v21;
	v6 =	vmul.f32 v10, v34;
	v7 =	vld [tilespmem:s15+$0x9050]  }
0x240: {  	v22 =	vadd.f32 v2, v22;
	v2 =	vmul.f32 v11, v34;
	v10 =	vld [tilespmem:s15+$0x9060]  }
0x241: {  	v21 =	vadd.f32 v6, v23;
	v6 =	vmul.f32 v8, v34;
	v8 =	vld [tilespmem:s15+$0x9070]  }
0x242: {  	v20 =	vadd.f32 v2, v24;
	v2 =	vmul.f32 v9, v34;
	v11 =	vld [tilespmem:s15+$0x9400]  }
0x243: {  	v15 =	vadd.f32 v6, v25;
	v5 =	vmul.f32 v5, v34;
	v12 =	vld [tilespmem:s15+$0x9410]  }
0x244: {  	v13 =	vadd.f32 v2, v26;
	v2 =	vmul.f32 v7, v34;
	v14 =	vld [tilespmem:s15+$0x9420]  }
0x245: {  	v9 =	vadd.f32 v5, v27;
	v5 =	vmul.f32 v10, v34;
	v16 =	vld [tilespmem:s15+$0x9430]  }
0x246: {  	v7 =	vadd.f32 v2, v28;
	v2 =	vmul.f32 v8, v34;
	v17 =	vld [tilespmem:s15+$0x9440]  }
0x247: {  	v6 =	vadd.f32 v5, v29;
	v5 =	vmul.f32 v11, v34;
	v18 =	vld [tilespmem:s15+$0x9450]  }
0x248: {  	v10 =	vadd.f32 v2, v30;
	v2 =	vmul.f32 v12, v34;
	v19 =	vld [tilespmem:s15+$0x9460]  }
0x249: {  	v8 =	vadd.f32 v5, v31;
	v11 =	vmul.f32 v14, v34;
	v23 =	vld [tilespmem:s15+$0x9470]  }
0x24a: {  	v5 =	vld.idx.msk [tilespmem:v4+s21+$0x0], $0xffff;
	v12 =	vadd.f32 v2, v32;
	v2 =	vmul.f32 v16, v34  }
0x24b: {  	v4 =	vld [tilespmem:s7+$0xC000];
	v11 =	vadd.f32 v11, v33;
	v16 =	vmul.f32 v17, v34  }
0x24c: {  	v24 =	vld [tilespmem:s7+$0xC010];
	v14 =	vadd.f32 v2, v35;
	v2 =	vmul.f32 v18, v34  }
0x24d: {  	v25 =	vld [tilespmem:s7+$0xC020];
	v16 =	vadd.f32 v16, v40;
	v18 =	vmul.f32 v19, v34  }
0x24e: {  	v26 =	vld [tilespmem:s7+$0xC030];
	v17 =	vadd.f32 v2, v44;
	v2 =	vmul.f32 v23, v34  }
0x24f: {  	v23 =	vld [tilespmem:s7+$0xC040];
	v18 =	vadd.f32 v18, v48  }
0x250: {  	v4 =	vmul.f32 v4, v3;
	v27 =	vld [tilespmem:s7+$0xC050];
	v19 =	vadd.f32 v2, v0  }
0x251: {  	v0 =	vmul.f32 v24, v3;
	v2 =	vld [tilespmem:s7+$0xC060]  }
0x252: {  	v4 =	vadd.f32 v4, v49;
	v24 =	vmul.f32 v25, v3;
	v25 =	vld [tilespmem:s7+$0xC070]  }
0x253: {  	v0 =	vadd.f32 v0, v1;
	v1 =	vmul.f32 v26, v3;
	v26 =	vld [tilespmem:s7+$0xC400]  }
0x254: {  	[tilespmem:s7+$0x1B000] =	vst v4;
	v4 =	vadd.f32 v24, v50;
	v23 =	vmul.f32 v23, v3;
	v24 =	vld [tilespmem:s7+$0xC410]  }
0x255: {  	[tilespmem:s7+$0x1B010] =	vst v0;
	v0 =	vadd.f32 v1, v51;
	v1 =	vmul.f32 v27, v3;
	v27 =	vld [tilespmem:s7+$0xC420]  }
0x256: {  	[tilespmem:s7+$0x1B020] =	vst v4;
	v4 =	vadd.f32 v23, v47;
	v2 =	vmul.f32 v2, v3;
	v23 =	vld [tilespmem:s7+$0xC430]  }
0x257: {  	[tilespmem:s7+$0x1B030] =	vst v0;
	v0 =	vadd.f32 v1, v46;
	v1 =	vmul.f32 v25, v3;
	v25 =	vld [tilespmem:s7+$0xC440]  }
0x258: {  	[tilespmem:s7+$0x1B040] =	vst v4;
	v2 =	vadd.f32 v2, v45;
	v4 =	vmul.f32 v26, v3;
	v26 =	vld [tilespmem:s7+$0xC450]  }
0x259: {  	[tilespmem:s7+$0x1B050] =	vst v0;
	v0 =	vadd.f32 v1, v43;
	v1 =	vmul.f32 v24, v3;
	v24 =	vld [tilespmem:s7+$0xC460]  }
0x25a: {  	[tilespmem:s7+$0x1B060] =	vst v2;
	v2 =	vadd.f32 v4, v42;
	v4 =	vmul.f32 v27, v3;
	v27 =	vld [tilespmem:s15+$0xC000]  }
0x25b: {  	[tilespmem:s7+$0x1B070] =	vst v0;
	v0 =	vadd.f32 v1, v41;
	v1 =	vmul.f32 v23, v3;
	v28 =	vld [tilespmem:s15+$0xC010]  }
0x25c: {  	[tilespmem:s7+$0x1B400] =	vst v2;
	v2 =	vadd.f32 v4, v39;
	v4 =	vmul.f32 v25, v3;
	v25 =	vld [tilespmem:s15+$0xC020]  }
0x25d: {  	[tilespmem:s7+$0x1B410] =	vst v0;
	v0 =	vadd.f32 v1, v38;
	v1 =	vmul.f32 v26, v3;
	v29 =	vld [tilespmem:s15+$0xC030]  }
.Ltmp2:
0x25e: {  	[tilespmem:s7+$0x1B420] =	vst v2;
	v2 =	vadd.f32 v4, v37;
	v3 =	vmul.f32 v24, v3;
	v23 =	vld [tilespmem:s15+$0xC040];
	(pc) =	sbr.rel @p0 .LBB2_3-.Ltmp2, $4  }
0x25f: {  	[tilespmem:s7+$0x1B430] =	vst v0;
	v0 =	vadd.f32 v1, v36;
	v1 =	vmul.f32 v27, v5;
	v4 =	vld [tilespmem:s15+$0xC050]  }
0x260: {  	[tilespmem:s7+$0x1B440] =	vst v2;
	v2 =	vadd.f32 v3, v22;
	v22 =	vmul.f32 v28, v5;
	v3 =	vld [tilespmem:s15+$0xC060]  }
0x261: {  	[tilespmem:s7+$0x1B450] =	vst v0;
	v24 =	vadd.f32 v1, v21;
	v26 =	vmul.f32 v25, v5;
	v21 =	vld [tilespmem:s15+$0xC070]  }
0x262: {  	[tilespmem:s7+$0x1B460] =	vst v2;
	v25 =	vadd.f32 v22, v20;
	v22 =	vmul.f32 v29, v5;
	v20 =	vld [tilespmem:s15+$0xC400]  }
0x263: {  	[tilespmem:s15+$0x1B000] =	vst v24;
	v0 =	vld [tilespmem:s15+$0xC410];
	v1 =	vadd.f32 v26, v15;
	v48 =	vmul.f32 v23, v5  }
0x264: {  	v2 =	vld [tilespmem:s15+$0xC420];
	[tilespmem:s15+$0x1B010] =	vst v25;
	v13 =	vadd.f32 v22, v13;
	v4 =	vmul.f32 v4, v5  }
0x265: {  	v49 =	vld [tilespmem:s15+$0xC430];
	[tilespmem:s15+$0x1B020] =	vst v1;
	v1 =	vadd.f32 v48, v9;
	v3 =	vmul.f32 v3, v5  }
0x266: {  	v50 =	vld [tilespmem:s15+$0xC440];
	[tilespmem:s15+$0x1B030] =	vst v13;
	v4 =	vadd.f32 v4, v7;
	v52 =	vmul.f32 v21, v5  }
0x267: {  	v51 =	vld [tilespmem:s15+$0xC450];
	[tilespmem:s15+$0x1B040] =	vst v1;
	v20 =	vmul.f32 v20, v5;
	v3 =	vadd.f32 v3, v6  }
0x268: {  	v53 =	vld [tilespmem:s15+$0xC460];
	[tilespmem:s15+$0x1B050] =	vst v4;
	v1 =	vadd.f32 v52, v10;
	v0 =	vmul.f32 v0, v5  }
0x269: {  	v54 =	vld [tilespmem:s15+$0xC470];
	v2 =	vmul.f32 v2, v5;
	v55 =	vadd.f32 v20, v8;
	[tilespmem:s15+$0x1B060] =	vst v3  }
0x26a: {  	v56 =	vmul.f32 v49, v5;
	v0 =	vadd.f32 v0, v12;
	[tilespmem:s15+$0x1B070] =	vst v1  }
0x26b: {  	v58 =	vmul.f32 v50, v5;
	v57 =	vadd.f32 v2, v11;
	[tilespmem:s15+$0x1B400] =	vst v55  }
0x26c: {  	v59 =	vmul.f32 v51, v5;
	v3 =	vadd.f32 v56, v14;
	[tilespmem:s15+$0x1B410] =	vst v0  }
0x26d: {  	v61 =	vmul.f32 v53, v5;
	v60 =	vadd.f32 v58, v16;
	[tilespmem:s15+$0x1B420] =	vst v57  }
0x26e: {  	p0 =	seq.s32 s1, $0xF;
	v4 =	vmul.f32 v54, v5;
	v62 =	vadd.f32 v59, v17;
	[tilespmem:s15+$0x1B430] =	vst v3  }
.Ltmp3:
0x26f: {  	v2 =	vadd.f32 v61, v18;
	[tilespmem:s15+$0x1B440] =	vst v60;
	(pc) =	sbr.rel @p0 .LBB2_6-.Ltmp3, $4  }
0x270: {  	s6 =	sadd.s32 s3, s0;
	v63 =	vadd.f32 v4, v19;
	[tilespmem:s15+$0x1B450] =	vst v62  }
0x271: {  	s6 =	sshll.u32 s6, $0x5;
	[tilespmem:s15+$0x1B460] =	vst v2  }
0x272: {  	s6 =	sadd.s32 s5, s6;
	[tilespmem:s15+$0x1B470] =	vst v63  }
0x273: {  	[hbm4b:s6+s4] =	stream.linear.scatter [tilespmem:s28], [sflag:$0x3], $0x3000, $0x38;
	[tilespmem:$0x1E000] =	vst v63  }
0x274: {  	v0 =	vld [tilespmem:s0+$0x60];
	_ =	sdelay $0x2  }
0x275: {  	v2 =	vld [tilespmem:$0x1FFD0]  }
0x276: {  	v3 =	vld [tilespmem:$0x1FFE0]  }
0x277: {  	v4 =	vld [tilespmem:$0x1FFF0];
	v1 =	vshll.u32 v0, $0x1  }
0x278: {  	v0 =	vand.u32 $0x7, v0;
	v1 =	vand.u32 $0xFFFFFFF0, v1  }
0x279: {  	v0 =	vor.u32 v0, v1  }
0x27a: {  	v1 =	vperm.xlane v0, v2;
	_ =	sdelay $0x1  }
0x27b: {  	v0 =	vperm.xlane v0, v4;
	v1 =	vadd.s32 v3, v1;
	_ =	sdelay $0x1  }
0x27c: {  	v0 =	vadd.s32 v3, v0;
	_ =	sdelay $0x1  }
0x27d: {  	s6 =	simm.s32 $0x3000  }
0x27e: {  	[tilespmem:s6], [sflag:$0x1] =	stream.indirect_vreg.gather [hbm4b:s2+s4], $0x80, v1, vm0, $0xb8;
	[tilespmem:$0x1E000] =	vst v63  }
0x27f: {  	s16 =	simm.s32 $0x3800  }
0x280: {  	[tilespmem:s16], [sflag:$0x1] =	stream.indirect_vreg.gather [hbm4b:s2+s4], $0x80, v0, vm0, $0xb8;
	[tilespmem:$0x1E000] =	vst v63  }
0x281: {  	v0 =	vld [tilespmem:s0+$0x70];
	_ =	sdelay $0x4  }
0x282: {  	v53 =	vshll.u32 v0, $0x1  }
0x283: {  	v0 =	vand.u32 $0x7, v0;
	v1 =	vand.u32 $0xFFFFFFF0, v53  }
0x284: {  	v0 =	vor.u32 v0, v1  }
0x285: {  	v1 =	vperm.xlane v0, v2;
	_ =	sdelay $0x1  }
0x286: {  	v0 =	vperm.xlane v0, v4;
	v1 =	vadd.s32 v3, v1;
	_ =	sdelay $0x1  }
0x287: {  	v0 =	vadd.s32 v3, v0;
	_ =	sdelay $0x1  }
0x288: {  	s17 =	simm.s32 $0x4000  }
0x289: {  	[tilespmem:s17], [sflag:$0x1] =	stream.indirect_vreg.gather [hbm4b:s2+s4], $0x80, v1, vm0, $0xb8;
	[tilespmem:$0x1E000] =	vst v63  }
0x28a: {  	s7 =	simm.s32 $0x4800  }
0x28b: {  	[tilespmem:s7], [sflag:$0x1] =	stream.indirect_vreg.gather [hbm4b:s2+s4], $0x80, v0, vm0, $0xb8;
	[tilespmem:$0x1E000] =	vst v63  }
0x28c: {  	v0 =	vld [tilespmem:s0+$0x80];
	_ =	sdelay $0x4  }
0x28d: {  	v54 =	vshll.u32 v0, $0x1  }
0x28e: {  	v0 =	vand.u32 $0x7, v0;
	v1 =	vand.u32 $0xFFFFFFF0, v54  }
0x28f: {  	v0 =	vor.u32 v0, v1  }
0x290: {  	v1 =	vperm.xlane v0, v2;
	_ =	sdelay $0x1  }
0x291: {  	v0 =	vperm.xlane v0, v4;
	v1 =	vadd.s32 v3, v1;
	_ =	sdelay $0x1  }
0x292: {  	v0 =	vadd.s32 v3, v0;
	_ =	sdelay $0x1  }
0x293: {  	s8 =	simm.s32 $0x5000  }
0x294: {  	[tilespmem:s8], [sflag:$0x1] =	stream.indirect_vreg.gather [hbm4b:s2+s4], $0x80, v1, vm0, $0xb8;
	[tilespmem:$0x1E000] =	vst v63  }
0x295: {  	s9 =	simm.s32 $0x5800  }
0x296: {  	[tilespmem:s9], [sflag:$0x1] =	stream.indirect_vreg.gather [hbm4b:s2+s4], $0x80, v0, vm0, $0xb8;
	[tilespmem:$0x1E000] =	vst v63  }
0x297: {  	v0 =	vld [tilespmem:s0+$0x660];
	_ =	sdelay $0x4  }
0x298: {  	v55 =	vshll.u32 v0, $0x1  }
0x299: {  	v0 =	vand.u32 $0x7, v0;
	v1 =	vand.u32 $0xFFFFFFF0, v55  }
0x29a: {  	v0 =	vor.u32 v0, v1  }
0x29b: {  	v1 =	vperm.xlane v0, v2;
	_ =	sdelay $0x1  }
0x29c: {  	v0 =	vperm.xlane v0, v4;
	v1 =	vadd.s32 v3, v1;
	_ =	sdelay $0x1  }
0x29d: {  	v0 =	vadd.s32 v3, v0;
	_ =	sdelay $0x1  }
0x29e: {  	s10 =	simm.s32 $0x6000  }
0x29f: {  	[tilespmem:s10], [sflag:$0x1] =	stream.indirect_vreg.gather [hbm4b:s2+s4], $0x80, v1, vm0, $0xb8;
	[tilespmem:$0x1E000] =	vst v63  }
0x2a0: {  	s15 =	simm.s32 $0x6800  }
0x2a1: {  	[tilespmem:s15], [sflag:$0x1] =	stream.indirect_vreg.gather [hbm4b:s2+s4], $0x80, v0, vm0, $0xb8;
	[tilespmem:$0x1E000] =	vst v63  }
0x2a2: {  	v0 =	vld [tilespmem:s0+$0x670];
	_ =	sdelay $0x4  }
0x2a3: {  	v56 =	vshll.u32 v0, $0x1  }
0x2a4: {  	v0 =	vand.u32 $0x7, v0;
	v1 =	vand.u32 $0xFFFFFFF0, v56  }
0x2a5: {  	v0 =	vor.u32 v0, v1  }
0x2a6: {  	v1 =	vperm.xlane v0, v2;
	_ =	sdelay $0x1  }
0x2a7: {  	v0 =	vperm.xlane v0, v4;
	v1 =	vadd.s32 v3, v1;
	_ =	sdelay $0x1  }
0x2a8: {  	v0 =	vadd.s32 v3, v0;
	_ =	sdelay $0x1  }
0x2a9: {  	s16 =	simm.s32 $0x7000  }
0x2aa: {  	[tilespmem:s16], [sflag:$0x1] =	stream.indirect_vreg.gather [hbm4b:s2+s4], $0x80, v1, vm0, $0xb8;
	[tilespmem:$0x1E000] =	vst v63  }
0x2ab: {  	s17 =	simm.s32 $0x7800  }
0x2ac: {  	[tilespmem:s17], [sflag:$0x1] =	stream.indirect_vreg.gather [hbm4b:s2+s4], $0x80, v0, vm0, $0xb8;
	[tilespmem:$0x1E000] =	vst v63  }
0x2ad: {  	v0 =	vld [tilespmem:s0+$0x680];
	_ =	sdelay $0x4  }
0x2ae: {  	v57 =	vshll.u32 v0, $0x1  }
0x2af: {  	v0 =	vand.u32 $0x7, v0;
	v1 =	vand.u32 $0xFFFFFFF0, v57  }
0x2b0: {  	v0 =	vor.u32 v0, v1  }
0x2b1: {  	v1 =	vperm.xlane v0, v2;
	_ =	sdelay $0x1  }
0x2b2: {  	v0 =	vperm.xlane v0, v4;
	v1 =	vadd.s32 v3, v1;
	_ =	sdelay $0x1  }
0x2b3: {  	v0 =	vadd.s32 v3, v0;
	_ =	sdelay $0x1  }
0x2b4: {  	s7 =	simm.s32 $0x8000  }
0x2b5: {  	[tilespmem:s7], [sflag:$0x1] =	stream.indirect_vreg.gather [hbm4b:s2+s4], $0x80, v1, vm0, $0xb8;
	[tilespmem:$0x1E000] =	vst v63  }
0x2b6: {  	s8 =	simm.s32 $0x8800  }
0x2b7: {  	[tilespmem:s8], [sflag:$0x1] =	stream.indirect_vreg.gather [hbm4b:s2+s4], $0x80, v0, vm0, $0xb8;
	[tilespmem:$0x1E000] =	vst v63  }
0x2b8: {  	v0 =	vld [tilespmem:s0+$0xC60];
	_ =	sdelay $0x4  }
0x2b9: {  	v58 =	vshll.u32 v0, $0x1  }
0x2ba: {  	v0 =	vand.u32 $0x7, v0;
	v1 =	vand.u32 $0xFFFFFFF0, v58  }
0x2bb: {  	v0 =	vor.u32 v0, v1  }
0x2bc: {  	v1 =	vperm.xlane v0, v2;
	_ =	sdelay $0x1  }
0x2bd: {  	v0 =	vperm.xlane v0, v4;
	v1 =	vadd.s32 v3, v1;
	_ =	sdelay $0x1  }
0x2be: {  	v0 =	vadd.s32 v3, v0;
	_ =	sdelay $0x1  }
0x2bf: {  	s9 =	simm.s32 $0x9000  }
0x2c0: {  	[tilespmem:s9], [sflag:$0x1] =	stream.indirect_vreg.gather [hbm4b:s2+s4], $0x80, v1, vm0, $0xb8;
	[tilespmem:$0x1E000] =	vst v63  }
0x2c1: {  	s10 =	simm.s32 $0x9800  }
0x2c2: {  	[tilespmem:s10], [sflag:$0x1] =	stream.indirect_vreg.gather [hbm4b:s2+s4], $0x80, v0, vm0, $0xb8;
	[tilespmem:$0x1E000] =	vst v63  }
0x2c3: {  	v0 =	vld [tilespmem:s0+$0xC70];
	_ =	sdelay $0x4  }
0x2c4: {  	v59 =	vshll.u32 v0, $0x1  }
0x2c5: {  	v0 =	vand.u32 $0x7, v0;
	v1 =	vand.u32 $0xFFFFFFF0, v59  }
0x2c6: {  	v0 =	vor.u32 v0, v1  }
0x2c7: {  	v1 =	vperm.xlane v0, v2;
	_ =	sdelay $0x1  }
0x2c8: {  	v0 =	vperm.xlane v0, v4;
	v1 =	vadd.s32 v3, v1;
	_ =	sdelay $0x1  }
0x2c9: {  	v0 =	vadd.s32 v3, v0;
	_ =	sdelay $0x1  }
0x2ca: {  	s15 =	simm.s32 $0xA000  }
0x2cb: {  	[tilespmem:s15], [sflag:$0x1] =	stream.indirect_vreg.gather [hbm4b:s2+s4], $0x80, v1, vm0, $0xb8;
	[tilespmem:$0x1E000] =	vst v63  }
0x2cc: {  	s16 =	simm.s32 $0xA800  }
0x2cd: {  	[tilespmem:s16], [sflag:$0x1] =	stream.indirect_vreg.gather [hbm4b:s2+s4], $0x80, v0, vm0, $0xb8;
	[tilespmem:$0x1E000] =	vst v63  }
0x2ce: {  	v0 =	vld [tilespmem:s0+$0xC80];
	_ =	sdelay $0x4  }
0x2cf: {  	v60 =	vshll.u32 v0, $0x1  }
0x2d0: {  	v0 =	vand.u32 $0x7, v0;
	v1 =	vand.u32 $0xFFFFFFF0, v60  }
0x2d1: {  	v0 =	vor.u32 v0, v1  }
0x2d2: {  	v1 =	vperm.xlane v0, v2;
	_ =	sdelay $0x1  }
0x2d3: {  	v0 =	vperm.xlane v0, v4;
	v1 =	vadd.s32 v3, v1;
	_ =	sdelay $0x1  }
0x2d4: {  	v0 =	vadd.s32 v3, v0;
	_ =	sdelay $0x1  }
0x2d5: {  	s17 =	simm.s32 $0xB000  }
0x2d6: {  	[tilespmem:s17], [sflag:$0x1] =	stream.indirect_vreg.gather [hbm4b:s2+s4], $0x80, v1, vm0, $0xb8;
	[tilespmem:$0x1E000] =	vst v63  }
0x2d7: {  	s7 =	simm.s32 $0xB800  }
0x2d8: {  	[tilespmem:s7], [sflag:$0x1] =	stream.indirect_vreg.gather [hbm4b:s2+s4], $0x80, v0, vm0, $0xb8;
	[tilespmem:$0x1E000] =	vst v63  }
0x2d9: {  	v0 =	vld [tilespmem:s0+$0x1260];
	_ =	sdelay $0x4  }
0x2da: {  	v61 =	vshll.u32 v0, $0x1  }
0x2db: {  	v0 =	vand.u32 $0x7, v0;
	v1 =	vand.u32 $0xFFFFFFF0, v61  }
0x2dc: {  	v0 =	vor.u32 v0, v1  }
0x2dd: {  	v1 =	vperm.xlane v0, v2;
	_ =	sdelay $0x1  }
0x2de: {  	v0 =	vperm.xlane v0, v4;
	v1 =	vadd.s32 v3, v1;
	_ =	sdelay $0x1  }
0x2df: {  	v0 =	vadd.s32 v3, v0;
	_ =	sdelay $0x1  }
0x2e0: {  	s8 =	simm.s32 $0xC000  }
0x2e1: {  	[tilespmem:s8], [sflag:$0x1] =	stream.indirect_vreg.gather [hbm4b:s2+s4], $0x80, v1, vm0, $0xb8;
	[tilespmem:$0x1E000] =	vst v63  }
0x2e2: {  	s9 =	simm.s32 $0xC800  }
0x2e3: {  	[tilespmem:s9], [sflag:$0x1] =	stream.indirect_vreg.gather [hbm4b:s2+s4], $0x80, v0, vm0, $0xb8;
	[tilespmem:$0x1E000] =	vst v63  }
0x2e4: {  	v0 =	vld [tilespmem:s0+$0x1270];
	_ =	sdelay $0x4  }
0x2e5: {  	v62 =	vshll.u32 v0, $0x1  }
0x2e6: {  	v0 =	vand.u32 $0x7, v0;
	v1 =	vand.u32 $0xFFFFFFF0, v62  }
0x2e7: {  	v0 =	vor.u32 v0, v1  }
0x2e8: {  	v1 =	vperm.xlane v0, v2;
	_ =	sdelay $0x1  }
0x2e9: {  	v0 =	vperm.xlane v0, v4;
	v1 =	vadd.s32 v3, v1;
	_ =	sdelay $0x1  }
0x2ea: {  	v0 =	vadd.s32 v3, v0;
	_ =	sdelay $0x1  }
0x2eb: {  	s10 =	simm.s32 $0xD000  }
0x2ec: {  	[tilespmem:s10], [sflag:$0x1] =	stream.indirect_vreg.gather [hbm4b:s2+s4], $0x80, v1, vm0, $0xb8;
	[tilespmem:$0x1E000] =	vst v63  }
0x2ed: {  	s15 =	simm.s32 $0xD800  }
0x2ee: {  	[tilespmem:s15], [sflag:$0x1] =	stream.indirect_vreg.gather [hbm4b:s2+s4], $0x80, v0, vm0, $0xb8;
	[tilespmem:$0x1E000] =	vst v63  }
0x2ef: {  	v0 =	vld [tilespmem:s0+$0x1280];
	_ =	sdelay $0x4  }
0x2f0: {  	v63 =	vshll.u32 v0, $0x1  }
0x2f1: {  	v0 =	vand.u32 $0x7, v0;
	v1 =	vand.u32 $0xFFFFFFF0, v63  }
0x2f2: {  	v0 =	vor.u32 v0, v1  }
0x2f3: {  	v1 =	vperm.xlane v0, v2;
	_ =	sdelay $0x1  }
0x2f4: {  	v0 =	vperm.xlane v0, v4;
	v1 =	vadd.s32 v3, v1;
	_ =	sdelay $0x1  }
0x2f5: {  	v0 =	vadd.s32 v3, v0;
	_ =	sdelay $0x1  }
0x2f6: {  	s16 =	simm.s32 $0xE000  }
0x2f7: {  	[tilespmem:s16], [sflag:$0x1] =	stream.indirect_vreg.gather [hbm4b:s2+s4], $0x80, v1, vm0, $0xb8;
	[tilespmem:$0x1E000] =	vst v63  }
0x2f8: {  	s17 =	simm.s32 $0xE800  }
0x2f9: {  	[tilespmem:s17], [sflag:$0x1] =	stream.indirect_vreg.gather [hbm4b:s2+s4], $0x80, v0, vm0, $0xb8;
	[tilespmem:$0x1E000] =	vst v63  }
.LBB2_6:
0x2fa: {  	_ =	swait.ge [sflag:s29], $0x3000  }
0x2fb: {  	[sflag:s29] =	ssyncset.done $0x0  }
0x2fc: {  	[sflag:s29] =	ssyncadd.s32 $0xFFFFD000  }
0x2fd: {  	_ =	swait.ge [sflag:s29], $0x3000  }
0x2fe: {  	[sflag:s29] =	ssyncset.done $0x0  }
0x2ff: {  	[sflag:s29] =	ssyncadd.s32 $0xFFFFD000  }
0x300: {  	_ =	swait.ge [sflag:s29], $0x3000  }
0x301: {  	[sflag:s29] =	ssyncset.done $0x0  }
0x302: {  	s6 =	sadd.s32 $0xFFFFFFFE, s31;
	[sflag:s29] =	ssyncadd.s32 $0xFFFFD000  }
0x303: {  	s7 =	sadd.s32 $0x32, s6;
	s6 =	sadd.s32 $0x33, s6;
	_ =	swait.ge [sflag:s29], $0x3000  }
0x304: {  	v0 =	vmov s7;
	v4 =	vmov s6;
	[sflag:s29] =	ssyncset.done $0x0  }
0x305: {  	v0 =	vand.u32 $0xFFFFFFFE, v0;
	[sflag:s29] =	ssyncadd.s32 $0xFFFFD000  }
0x306: {  	v0 =	vbroadcast v0, $0x0;
	_ =	swait.ge [sflag:s30], $0x3000  }
0x307: {  	[sflag:s30] =	ssyncset.done $0x0  }
0x308: {  	s16 =	simm.s32 $0x0;
	s9 =	simm.s32 $0x0;
	[sflag:s30] =	ssyncadd.s32 $0xFFFFD000  }
0x309: {  	s10 =	sand.u32 $0x3800, s16;
	s6 =	sand.u32 $0x300, s9;
	v7 =	vld.idx.msk [tilespmem:v4+s18+$0x0], $0xffff  }
0x30a: {  	s8 =	sor.u32 s6, s10;
	v6 =	vld.idx.msk [tilespmem:v4+s19+$0x0], $0xffff  }
0x30b: {  	v1 =	vld [tilespmem:s8+$0xF470]  }
0x30c: {  	v2 =	vld.idx.msk [tilespmem:v0+s18+$0x0], $0xffff  }
0x30d: {  	v9 =	vld.idx.msk [tilespmem:v0+s19+$0x0], $0xffff  }
0x30e: {  	v8 =	vld [tilespmem:s8+$0x12470]  }
0x30f: {  	v5 =	vld.idx.msk [tilespmem:v0+s20+$0x0], $0xffff  }
0x310: {  	v10 =	vld [tilespmem:s8+$0x15470]  }
0x311: {  	v3 =	vld.idx.msk [tilespmem:v0+s21+$0x0], $0xffff  }
0x312: {  	v0 =	vld [tilespmem:s8+$0x18470]  }
0x313: {  	v11 =	vld [tilespmem:s8+$0xF000]  }
0x314: {  	v12 =	vld [tilespmem:s8+$0x12000]  }
0x315: {  	v13 =	vld [tilespmem:s8+$0xF010]  }
0x316: {  	v14 =	vld [tilespmem:s8+$0x12010]  }
0x317: {  	v15 =	vld [tilespmem:s8+$0xF020]  }
0x318: {  	v16 =	vld [tilespmem:s8+$0x12020]  }
0x319: {  	v17 =	vld [tilespmem:s8+$0xF030]  }
0x31a: {  	v18 =	vld [tilespmem:s8+$0x12030]  }
0x31b: {  	v19 =	vld [tilespmem:s8+$0xF040]  }
0x31c: {  	v20 =	vld [tilespmem:s8+$0x12040]  }
0x31d: {  	v21 =	vld [tilespmem:s8+$0xF050]  }
0x31e: {  	v22 =	vld [tilespmem:s8+$0x12050]  }
0x31f: {  	v23 =	vld [tilespmem:s8+$0xF060]  }
0x320: {  	v24 =	vld [tilespmem:s8+$0x12060]  }
0x321: {  	v25 =	vld [tilespmem:s8+$0xF070]  }
0x322: {  	v26 =	vld [tilespmem:s8+$0x12070]  }
0x323: {  	v27 =	vld [tilespmem:s8+$0xF400]  }
0x324: {  	v28 =	vld [tilespmem:s8+$0x12400]  }
0x325: {  	v29 =	vld [tilespmem:s8+$0xF410]  }
0x326: {  	v30 =	vld [tilespmem:s8+$0x12410]  }
0x327: {  	v31 =	vld [tilespmem:s8+$0xF420]  }
0x328: {  	v32 =	vld [tilespmem:s8+$0x12420]  }
0x329: {  	v33 =	vld [tilespmem:s8+$0xF430]  }
0x32a: {  	v34 =	vld [tilespmem:s8+$0x12430]  }
0x32b: {  	v35 =	vld [tilespmem:s8+$0xF440]  }
0x32c: {  	v36 =	vld [tilespmem:s8+$0x12440]  }
0x32d: {  	v37 =	vld [tilespmem:s8+$0xF450]  }
0x32e: {  	s17 =	simm.s32 $0x80;
	v38 =	vld [tilespmem:s8+$0x12450]  }
0x32f: {  	s15 =	sand.u32 $0x380, s17;
	v39 =	vld [tilespmem:s8+$0xF460]  }
0x330: {  	s15 =	sor.u32 s10, s15;
	v40 =	vld [tilespmem:s8+$0x12460]  }
0x331: {  	v41 =	vld [tilespmem:s15+$0xF000]  }
0x332: {  	v42 =	vld [tilespmem:s15+$0x12000]  }
0x333: {  	v43 =	vld [tilespmem:s15+$0xF010]  }
0x334: {  	v44 =	vld [tilespmem:s15+$0x12010]  }
0x335: {  	v45 =	vld [tilespmem:s15+$0xF020]  }
0x336: {  	v46 =	vld [tilespmem:s15+$0x12020]  }
0x337: {  	v47 =	vld [tilespmem:s15+$0xF030]  }
0x338: {  	v48 =	vld [tilespmem:s15+$0x12030]  }
0x339: {  	v49 =	vld [tilespmem:s15+$0xF040]  }
0x33a: {  	v50 =	vld [tilespmem:s15+$0x12040]  }
0x33b: {  	v51 =	vld [tilespmem:s15+$0xF050]  }
0x33c: {  	v52 =	vld [tilespmem:s15+$0x12050]  }
0x33d: {  	v53 =	vld [tilespmem:s15+$0xF060]  }
0x33e: {  	v54 =	vld [tilespmem:s15+$0x12060]  }
0x33f: {  	v55 =	vld [tilespmem:s15+$0xF070]  }
0x340: {  	v56 =	vld [tilespmem:s15+$0x12070];
	v1 =	vmul.f32 v1, v2;
	v8 =	vmul.f32 v8, v9  }
0x341: {  	v57 =	vld [tilespmem:s15+$0xF400]  }
0x342: {  	v1 =	vadd.f32 v8, v1;
	v8 =	vmul.f32 v10, v5;
	v10 =	vld [tilespmem:s15+$0xF430]  }
0x343: {  	v58 =	vld [tilespmem:s15+$0x12400]  }
0x344: {  	v59 =	vld [tilespmem:s15+$0xF410]  }
0x345: {  	v60 =	vld [tilespmem:s15+$0x12410];
	v11 =	vmul.f32 v11, v2;
	v12 =	vmul.f32 v12, v9  }
0x346: {  	v61 =	vld [tilespmem:s15+$0xF420];
	v0 =	vmul.f32 v0, v3;
	v13 =	vmul.f32 v13, v2;
	v1 =	vadd.f32 v8, v1  }
0x347: {  	v62 =	vld [tilespmem:s15+$0x12420];
	v14 =	vmul.f32 v14, v9;
	v11 =	vadd.f32 v12, v11;
	v12 =	vmul.f32 v17, v2;
	[tilespmem:$0x1FFA0] =	vst v10  }
0x348: {  	v17 =	vmul.f32 v18, v9;
	v18 =	vmul.f32 v20, v9;
	v0 =	vadd.f32 v0, v1;
	v63 =	vld [tilespmem:s15+$0x12430]  }
0x349: {  	v20 =	vmul.f32 v22, v9;
	v22 =	vmul.f32 v24, v9;
	v10 =	vld [tilespmem:s15+$0xF440]  }
0x34a: {  	v24 =	vmul.f32 v25, v2;
	v25 =	vmul.f32 v26, v9;
	v8 =	vld [tilespmem:s15+$0x12440];
	[tilespmem:$0x1FFB0] =	vst v0  }
0x34b: {  	v13 =	vadd.f32 v14, v13;
	v1 =	vmul.f32 v15, v2;
	v15 =	vmul.f32 v16, v9;
	v16 =	vld [tilespmem:s15+$0xF450]  }
0x34c: {  	v14 =	vmul.f32 v19, v2;
	v12 =	vadd.f32 v17, v12;
	v17 =	vmul.f32 v23, v2;
	v0 =	vld [tilespmem:s15+$0x12450]  }
0x34d: {  	v24 =	vadd.f32 v25, v24;
	v1 =	vadd.f32 v15, v1;
	v15 =	vmul.f32 v21, v2;
	v19 =	vld [tilespmem:s15+$0xF460]  }
0x34e: {  	v25 =	vmul.f32 v31, v2;
	v17 =	vadd.f32 v22, v17;
	v22 =	vmul.f32 v29, v2;
	v21 =	vld [tilespmem:s15+$0x12460]  }
0x34f: {  	v23 =	vld [tilespmem:s15+$0xF470];
	v15 =	vadd.f32 v20, v15;
	v20 =	vmul.f32 v27, v2;
	v27 =	vmul.f32 v28, v9  }
0x350: {  	v26 =	vld [tilespmem:s15+$0x12470];
	v28 =	vmul.f32 v30, v9;
	v30 =	vmul.f32 v32, v9  }
0x351: {  	v14 =	vadd.f32 v18, v14;
	v18 =	vld.idx.msk [tilespmem:v4+s20+$0x0], $0xffff;
	v32 =	vmul.f32 v34, v9;
	v34 =	vmul.f32 v36, v9  }
0x352: {  	v29 =	vld [tilespmem:s8+$0x15000];
	v27 =	vadd.f32 v27, v20;
	v20 =	vmul.f32 v33, v2;
	v22 =	vadd.f32 v28, v22  }
0x353: {  	v31 =	vld [tilespmem:s8+$0x15010];
	v28 =	vmul.f32 v35, v2;
	v25 =	vadd.f32 v30, v25;
	v30 =	vmul.f32 v37, v2  }
0x354: {  	v36 =	vld [tilespmem:s8+$0x15040];
	v2 =	vmul.f32 v39, v2;
	v32 =	vadd.f32 v32, v20;
	v20 =	vmul.f32 v38, v9  }
0x355: {  	v33 =	vld [tilespmem:s8+$0x15020];
	v9 =	vmul.f32 v40, v9;
	v28 =	vadd.f32 v34, v28;
	v34 =	vmul.f32 v41, v7  }
0x356: {  	v35 =	vld [tilespmem:s8+$0x15030];
	v38 =	vmul.f32 v42, v6;
	v40 =	vmul.f32 v44, v6  }
0x357: {  	v37 =	vld [tilespmem:s8+$0x15050];
	v42 =	vmul.f32 v46, v6;
	v44 =	vmul.f32 v48, v6  }
0x358: {  	v39 =	vld [tilespmem:s8+$0x15060];
	v46 =	vmul.f32 v50, v6;
	v48 =	vmul.f32 v52, v6  }
0x359: {  	v41 =	vld [tilespmem:s8+$0x15070];
	v50 =	vmul.f32 v54, v6;
	v52 =	vmul.f32 v56, v6  }
0x35a: {  	v54 =	vmul.f32 v58, v6;
	v58 =	vmul.f32 v62, v6;
	v62 =	vld [tilespmem:$0x1FFA0]  }
0x35b: {  	v56 =	vmul.f32 v60, v6;
	v60 =	vmul.f32 v63, v6;
	v63 =	vld [tilespmem:s8+$0x18060]  }
0x35c: {  	v16 =	vmul.f32 v16, v7;
	v30 =	vadd.f32 v20, v30;
	v20 =	vmul.f32 v43, v7;
	v43 =	vld [tilespmem:s8+$0x15400]  }
0x35d: {  	v0 =	vmul.f32 v0, v6;
	v2 =	vadd.f32 v9, v2;
	v9 =	vmul.f32 v45, v7;
	v45 =	vld [tilespmem:s8+$0x15410]  }
0x35e: {  	v34 =	vadd.f32 v38, v34;
	v38 =	vmul.f32 v47, v7;
	v47 =	vld [tilespmem:s8+$0x15420]  }
0x35f: {  	v0 =	vadd.f32 v0, v16;
	v16 =	vmul.f32 v29, v5;
	v29 =	vld [tilespmem:s15+$0x15420]  }
0x360: {  	v40 =	vadd.f32 v40, v20;
	v20 =	vmul.f32 v49, v7;
	v49 =	vld [tilespmem:s8+$0x15430]  }
0x361: {  	v9 =	vadd.f32 v42, v9;
	v42 =	vmul.f32 v51, v7;
	v51 =	vld [tilespmem:s8+$0x15440]  }
0x362: {  	v38 =	vadd.f32 v44, v38;
	v44 =	vmul.f32 v53, v7;
	v53 =	vld [tilespmem:s8+$0x15450]  }
0x363: {  	v46 =	vadd.f32 v46, v20;
	v20 =	vmul.f32 v55, v7;
	v55 =	vld [tilespmem:s8+$0x15460]  }
0x364: {  	v42 =	vadd.f32 v48, v42;
	v48 =	vmul.f32 v57, v7;
	v57 =	vld [tilespmem:s15+$0x15000]  }
0x365: {  	v44 =	vadd.f32 v50, v44;
	v50 =	vmul.f32 v59, v7;
	v59 =	vld [tilespmem:s15+$0x15010];
	v52 =	vadd.f32 v52, v20  }
0x366: {  	v20 =	vmul.f32 v61, v7;
	v48 =	vadd.f32 v54, v48;
	v54 =	vmul.f32 v62, v7;
	v61 =	vld [tilespmem:s15+$0x15020]  }
0x367: {  	v10 =	vmul.f32 v10, v7;
	v8 =	vmul.f32 v8, v6;
	v50 =	vadd.f32 v56, v50;
	v56 =	vld [tilespmem:s15+$0x15030]  }
0x368: {  	v19 =	vmul.f32 v19, v7;
	v62 =	vld [tilespmem:s15+$0x15040];
	v7 =	vmul.f32 v23, v7;
	v54 =	vadd.f32 v60, v54  }
0x369: {  	v23 =	vld [tilespmem:s15+$0x15050];
	v60 =	vadd.f32 v8, v10;
	v8 =	vmul.f32 v21, v6;
	v6 =	vmul.f32 v26, v6  }
0x36a: {  	v58 =	vadd.f32 v58, v20;
	v10 =	vld [tilespmem:s15+$0x15060]  }
0x36b: {  	v26 =	vld [tilespmem:s15+$0x15070];
	v20 =	vadd.f32 v8, v19;
	v19 =	vadd.f32 v6, v7;
	v6 =	vmul.f32 v33, v5  }
0x36c: {  	v11 =	vadd.f32 v16, v11;
	v21 =	vmul.f32 v31, v5;
	v31 =	vld [tilespmem:s15+$0x15450];
	v7 =	vmul.f32 v35, v5  }
0x36d: {  	v41 =	vmul.f32 v41, v5;
	v8 =	vld [tilespmem:s15+$0x15400];
	v1 =	vadd.f32 v6, v1;
	v6 =	vmul.f32 v36, v5  }
0x36e: {  	v16 =	vadd.f32 v21, v13;
	v21 =	vld [tilespmem:s15+$0x15410];
	v12 =	vadd.f32 v7, v12;
	v7 =	vmul.f32 v39, v5  }
0x36f: {  	v13 =	vmul.f32 v37, v5;
	v33 =	vld [tilespmem:s15+$0x15430];
	v14 =	vadd.f32 v6, v14;
	v6 =	vmul.f32 v43, v5  }
0x370: {  	v24 =	vadd.f32 v41, v24;
	v37 =	vld [tilespmem:s15+$0x15460];
	v17 =	vadd.f32 v7, v17;
	v7 =	vmul.f32 v45, v5  }
0x371: {  	v35 =	vadd.f32 v13, v15;
	v36 =	vld [tilespmem:s15+$0x15440];
	v27 =	vadd.f32 v6, v27;
	v6 =	vmul.f32 v47, v5  }
0x372: {  	v13 =	vmul.f32 v49, v5;
	v15 =	vmul.f32 v53, v5;
	v53 =	vld [tilespmem:s8+$0x18000];
	v22 =	vadd.f32 v7, v22  }
0x373: {  	v7 =	vmul.f32 v51, v5;
	v51 =	vld [tilespmem:$0x1FFB0];
	v25 =	vadd.f32 v6, v25;
	v6 =	vmul.f32 v55, v5  }
0x374: {  	v10 =	vmul.f32 v10, v18;
	v26 =	vmul.f32 v26, v18;
	v32 =	vadd.f32 v13, v32;
	v5 =	vld.idx.msk [tilespmem:v4+s21+$0x0], $0xffff  }
0x375: {  	v13 =	vmul.f32 v61, v18;
	v55 =	vld [tilespmem:s8+$0x18010];
	v2 =	vadd.f32 v6, v2;
	v6 =	vmul.f32 v59, v18  }
0x376: {  	v4 =	vadd.f32 v7, v28;
	v28 =	vadd.f32 v15, v30;
	v7 =	vmul.f32 v57, v18;
	v59 =	vld [tilespmem:s8+$0x18020]  }
0x377: {  	v30 =	vmul.f32 v53, v3;
	v40 =	vadd.f32 v6, v40;
	v6 =	vmul.f32 v23, v18;
	v23 =	vld [tilespmem:s8+$0x18030]  }
0x378: {  	v61 =	vld [tilespmem:s8+$0x18040];
	v8 =	vmul.f32 v8, v18;
	v34 =	vadd.f32 v7, v34;
	v7 =	vmul.f32 v56, v18  }
0x379: {  	v57 =	vmul.f32 v62, v18;
	v15 =	vadd.f32 v13, v9;
	v62 =	vld [tilespmem:s8+$0x18050];
	v11 =	vadd.f32 v30, v11  }
0x37a: {  	v39 =	vld [tilespmem:s15+$0x15470];
	v13 =	vadd.f32 v7, v38;
	v41 =	vmul.f32 v55, v3;
	v7 =	vadd.f32 v6, v42  }
0x37b: {  	v49 =	vld [tilespmem:s8+$0x18070];
	v6 =	vadd.f32 v10, v44;
	v10 =	vadd.f32 v26, v52;
	v26 =	vmul.f32 v59, v3  }
0x37c: {  	v8 =	vadd.f32 v8, v48;
	[tilespmem:s8+$0x1B470] =	vst v51;
	v52 =	vld [tilespmem:s8+$0x18400];
	v16 =	vadd.f32 v41, v16;
	v23 =	vmul.f32 v23, v3  }
0x37d: {  	[tilespmem:s8+$0x1B000] =	vst v11;
	v11 =	vmul.f32 v21, v18;
	v21 =	vmul.f32 v61, v3;
	v1 =	vadd.f32 v26, v1;
	v26 =	vld [tilespmem:s8+$0x18410]  }
0x37e: {  	v53 =	vmul.f32 v62, v3;
	v55 =	vld [tilespmem:s8+$0x18420];
	[tilespmem:s8+$0x1B010] =	vst v16;
	v16 =	vmul.f32 v29, v18;
	v23 =	vadd.f32 v23, v12  }
0x37f: {  	v12 =	vadd.f32 v11, v50;
	[tilespmem:s8+$0x1B020] =	vst v1;
	v1 =	vadd.f32 v21, v14;
	v14 =	vmul.f32 v63, v3;
	v21 =	vld [tilespmem:s8+$0x18430]  }
0x380: {  	v56 =	vld [tilespmem:s8+$0x18440];
	v11 =	vadd.f32 v16, v58;
	v16 =	vadd.f32 v53, v35;
	[tilespmem:s8+$0x1B030] =	vst v23;
	v23 =	vmul.f32 v49, v3  }
0x381: {  	v9 =	vadd.f32 v57, v46;
	v58 =	vld [tilespmem:s8+$0x18450];
	[tilespmem:s8+$0x1B040] =	vst v1;
	v1 =	vadd.f32 v14, v17;
	v17 =	vmul.f32 v52, v3  }
0x382: {  	v57 =	vmul.f32 v33, v18;
	[tilespmem:s8+$0x1B050] =	vst v16;
	v16 =	vadd.f32 v23, v24;
	v23 =	vmul.f32 v26, v3;
	v24 =	vld [tilespmem:s8+$0x18460]  }
0x383: {  	v62 =	vmul.f32 v37, v18;
	[tilespmem:s8+$0x1B060] =	vst v1;
	v1 =	vadd.f32 v17, v27;
	v17 =	vmul.f32 v55, v3;
	v26 =	vld [tilespmem:s15+$0x18000]  }
0x384: {  	v61 =	vld [tilespmem:s15+$0x18010];
	v59 =	vmul.f32 v36, v18;
	v21 =	vmul.f32 v21, v3;
	[tilespmem:s8+$0x1B070] =	vst v16;
	v22 =	vadd.f32 v23, v22  }
0x385: {  	v27 =	vmul.f32 v31, v18;
	[tilespmem:s8+$0x1B400] =	vst v1;
	v1 =	vadd.f32 v17, v25;
	v23 =	vmul.f32 v56, v3;
	v25 =	vld [tilespmem:s15+$0x18020]  }
0x386: {  	v63 =	vld [tilespmem:s15+$0x18030];
	v14 =	vadd.f32 v57, v54;
	v21 =	vadd.f32 v21, v32;
	[tilespmem:s8+$0x1B410] =	vst v22;
	v22 =	vmul.f32 v58, v3  }
0x387: {  	v17 =	vadd.f32 v27, v0;
	[tilespmem:s8+$0x1B420] =	vst v1;
	v0 =	vadd.f32 v23, v4;
	v23 =	vld [tilespmem:s15+$0x18040];
	v1 =	vmul.f32 v24, v3  }
0x388: {  	v4 =	vld [tilespmem:s15+$0x18050];
	v24 =	vmul.f32 v39, v18;
	[tilespmem:s8+$0x1B430] =	vst v21;
	v21 =	vadd.f32 v22, v28;
	v22 =	vmul.f32 v26, v5  }
0x389: {  	v16 =	vadd.f32 v59, v60;
	v3 =	vld [tilespmem:s15+$0x18060];
	[tilespmem:s8+$0x1B440] =	vst v0;
	v0 =	vadd.f32 v1, v2;
	v1 =	vmul.f32 v61, v5  }
0x38a: {  	v19 =	vadd.f32 v24, v19;
	v26 =	vmul.f32 v25, v5;
	[tilespmem:s8+$0x1B450] =	vst v21;
	v24 =	vadd.f32 v22, v34;
	v21 =	vld [tilespmem:s15+$0x18070]  }
0x38b: {  	s7 =	simm.s32 $0x0;
	s6 =	sadd.s32 $0x30, s0;
	v18 =	vadd.f32 v62, v20;
	v20 =	vld [tilespmem:s15+$0x18400];
	v22 =	vmul.f32 v63, v5;
	[tilespmem:s8+$0x1B460] =	vst v0;
	v25 =	vadd.f32 v1, v40  }
.LBB2_7:
0x38c: {  	s8 =	sadd.s32 s7, s31;
	[tilespmem:s15+$0x1B000] =	vst v24;
	v0 =	vadd.f32 v26, v15;
	v1 =	vmul.f32 v23, v5;
	v2 =	vld [tilespmem:s15+$0x18410]  }
0x38d: {  	s7 =	sadd.s32 $0x2, s7;
	s9 =	sadd.s32 $0x32, s8;
	s8 =	sadd.s32 $0x33, s8;
	[tilespmem:s15+$0x1B010] =	vst v25;
	v13 =	vadd.f32 v22, v13;
	v15 =	vmul.f32 v4, v5;
	v22 =	vld [tilespmem:s15+$0x18420]  }
0x38e: {  	p1 =	slt.u32 s7, $0x2E;
	v23 =	vmov s9;
	v4 =	vmov s8;
	[tilespmem:s15+$0x1B020] =	vst v0;
	v0 =	vmul.f32 v3, v5;
	v3 =	vld [tilespmem:s15+$0x18430]  }
0x38f: {  	v1 =	vadd.f32 v1, v9;
	v23 =	vand.u32 $0xFFFFFFFE, v23;
	[tilespmem:s15+$0x1B030] =	vst v13;
	v9 =	vmul.f32 v21, v5;
	v13 =	vld [tilespmem:s15+$0x18440]  }
0x390: {  	v7 =	vadd.f32 v15, v7;
	v23 =	vbroadcast v23, $0x0;
	v15 =	vmul.f32 v20, v5;
	v20 =	vld [tilespmem:s15+$0x18450]  }
0x391: {  	s17 =	sadd.s32 $0x100, s17;
	v0 =	vadd.f32 v0, v6;
	[tilespmem:s15+$0x1B040] =	vst v1;
	v1 =	vadd.f32 v9, v10;
	v2 =	vmul.f32 v2, v5;
	v9 =	vld [tilespmem:s15+$0x18460]  }
0x392: {  	s16 =	sadd.s32 $0x200, s16;
	s8 =	sadd.s32 $0xFFFFFF80, s17;
	s9 =	sand.u32 $0x380, s17;
	[tilespmem:s15+$0x1B050] =	vst v7;
	v8 =	vadd.f32 v15, v8;
	v10 =	vmul.f32 v22, v5;
	v15 =	vld [tilespmem:s15+$0x18470]  }
0x393: {  	s10 =	sand.u32 $0x3800, s16;
	s8 =	sand.u32 $0x300, s8;
	v6 =	vld.idx.msk [tilespmem:v4+s18+$0x0], $0xffff;
	[tilespmem:s15+$0x1B060] =	vst v0;
	v0 =	vadd.f32 v2, v12;
	v2 =	vmul.f32 v3, v5  }
0x394: {  	s9 =	sor.u32 s10, s9;
	s8 =	sor.u32 s8, s10;
	v7 =	vld.idx.msk [tilespmem:v4+s19+$0x0], $0xffff;
	[tilespmem:s15+$0x1B070] =	vst v1;
	v1 =	vadd.f32 v10, v11;
	v3 =	vmul.f32 v13, v5  }
0x395: {  	v10 =	vld [tilespmem:s8+$0xF470];
	[tilespmem:s15+$0x1B400] =	vst v8;
	v2 =	vadd.f32 v2, v14;
	v8 =	vmul.f32 v20, v5  }
0x396: {  	v21 =	vld.idx.msk [tilespmem:v23+s18+$0x0], $0xffff;
	[tilespmem:s15+$0x1B410] =	vst v0;
	v0 =	vadd.f32 v3, v16;
	v3 =	vmul.f32 v9, v5  }
0x397: {  	v22 =	vld.idx.msk [tilespmem:v23+s19+$0x0], $0xffff;
	[tilespmem:s15+$0x1B420] =	vst v1;
	v1 =	vadd.f32 v8, v17;
	v8 =	vmul.f32 v15, v5  }
0x398: {  	v9 =	vld [tilespmem:s8+$0x12470];
	[tilespmem:s15+$0x1B430] =	vst v2;
	v2 =	vadd.f32 v3, v18  }
0x399: {  	v5 =	vld.idx.msk [tilespmem:v23+s20+$0x0], $0xffff;
	[tilespmem:s15+$0x1B440] =	vst v0;
	v0 =	vadd.f32 v8, v19  }
0x39a: {  	v8 =	vld [tilespmem:s8+$0x15470];
	[tilespmem:s15+$0x1B450] =	vst v1  }
0x39b: {  	v3 =	vld.idx.msk [tilespmem:v23+s21+$0x0], $0xffff;
	[tilespmem:s15+$0x1B460] =	vst v2  }
0x39c: {  	v1 =	vld [tilespmem:s8+$0x18470];
	[tilespmem:s15+$0x1B470] =	vst v0;
	s15 =	smov.u32 s9  }
0x39d: {  	v2 =	vmul.f32 v10, v21;
	v0 =	vld [tilespmem:s8+$0xF000];
	v9 =	vmul.f32 v9, v22  }
0x39e: {  	v10 =	vld [tilespmem:s8+$0x12000]  }
0x39f: {  	v11 =	vld [tilespmem:s8+$0xF010];
	v2 =	vadd.f32 v9, v2;
	v8 =	vmul.f32 v8, v5  }
0x3a0: {  	v9 =	vld [tilespmem:s8+$0x12010]  }
0x3a1: {  	v12 =	vld [tilespmem:s8+$0xF020];
	v2 =	vadd.f32 v8, v2;
	v1 =	vmul.f32 v1, v3  }
0x3a2: {  	v0 =	vmul.f32 v0, v21;
	v13 =	vld [tilespmem:s8+$0x12020]  }
0x3a3: {  	v8 =	vmul.f32 v10, v22;
	v10 =	vld [tilespmem:s8+$0xF030];
	v1 =	vadd.f32 v1, v2  }
0x3a4: {  	v2 =	vmul.f32 v11, v21;
	v11 =	vld [tilespmem:s8+$0x12030]  }
0x3a5: {  	v8 =	vadd.f32 v8, v0;
	v0 =	vmul.f32 v9, v22;
	v14 =	vld [tilespmem:s8+$0xF040];
	[tilespmem:s8+$0x1B470] =	vst v1  }
0x3a6: {  	v1 =	vmul.f32 v12, v21;
	v12 =	vld [tilespmem:s8+$0x12040]  }
0x3a7: {  	v9 =	vadd.f32 v0, v2;
	v0 =	vmul.f32 v13, v22;
	v2 =	vld [tilespmem:s8+$0xF050]  }
0x3a8: {  	v13 =	vmul.f32 v10, v21;
	v15 =	vld [tilespmem:s8+$0x12050]  }
0x3a9: {  	v10 =	vadd.f32 v0, v1;
	v0 =	vmul.f32 v11, v22;
	v1 =	vld [tilespmem:s8+$0xF060]  }
0x3aa: {  	v14 =	vmul.f32 v14, v21;
	v16 =	vld [tilespmem:s8+$0x12060]  }
0x3ab: {  	v11 =	vadd.f32 v0, v13;
	v0 =	vmul.f32 v12, v22;
	v17 =	vld [tilespmem:s8+$0xF070]  }
0x3ac: {  	v2 =	vmul.f32 v2, v21;
	v18 =	vld [tilespmem:s8+$0x12070]  }
0x3ad: {  	v12 =	vadd.f32 v0, v14;
	v0 =	vmul.f32 v15, v22;
	v15 =	vld [tilespmem:s8+$0xF400]  }
0x3ae: {  	v1 =	vmul.f32 v1, v21;
	v19 =	vld [tilespmem:s8+$0x12400]  }
0x3af: {  	v13 =	vadd.f32 v0, v2;
	v0 =	vmul.f32 v16, v22;
	v2 =	vld [tilespmem:s8+$0xF410]  }
0x3b0: {  	v16 =	vmul.f32 v17, v21;
	v17 =	vld [tilespmem:s8+$0x12410]  }
0x3b1: {  	v14 =	vadd.f32 v0, v1;
	v0 =	vmul.f32 v18, v22;
	v1 =	vld [tilespmem:s8+$0xF420]  }
0x3b2: {  	v18 =	vmul.f32 v15, v21;
	v20 =	vld [tilespmem:s8+$0x12420]  }
0x3b3: {  	v15 =	vadd.f32 v0, v16;
	v0 =	vmul.f32 v19, v22;
	v19 =	vld [tilespmem:s8+$0xF430]  }
0x3b4: {  	v2 =	vmul.f32 v2, v21;
	v23 =	vld [tilespmem:s8+$0x12430]  }
0x3b5: {  	v16 =	vadd.f32 v0, v18;
	v0 =	vmul.f32 v17, v22;
	v24 =	vld [tilespmem:s8+$0xF440]  }
0x3b6: {  	v1 =	vmul.f32 v1, v21;
	v25 =	vld [tilespmem:s8+$0x12440]  }
0x3b7: {  	v17 =	vadd.f32 v0, v2;
	v0 =	vmul.f32 v20, v22;
	v2 =	vld [tilespmem:s8+$0xF450]  }
0x3b8: {  	v19 =	vmul.f32 v19, v21;
	v26 =	vld [tilespmem:s8+$0x12450]  }
0x3b9: {  	v18 =	vadd.f32 v0, v1;
	v0 =	vmul.f32 v23, v22;
	v1 =	vld [tilespmem:s8+$0xF460]  }
0x3ba: {  	v20 =	vmul.f32 v24, v21;
	v23 =	vld [tilespmem:s8+$0x12460]  }
0x3bb: {  	v19 =	vadd.f32 v0, v19;
	v0 =	vmul.f32 v25, v22;
	v24 =	vld [tilespmem:s15+$0xF000]  }
0x3bc: {  	v2 =	vmul.f32 v2, v21;
	v25 =	vld [tilespmem:s15+$0x12000]  }
0x3bd: {  	v20 =	vadd.f32 v0, v20;
	v0 =	vmul.f32 v26, v22;
	v26 =	vld [tilespmem:s15+$0xF010]  }
0x3be: {  	v1 =	vmul.f32 v1, v21;
	v27 =	vld [tilespmem:s15+$0x12010]  }
0x3bf: {  	v21 =	vadd.f32 v0, v2;
	v0 =	vmul.f32 v23, v22;
	v2 =	vld [tilespmem:s15+$0xF020]  }
0x3c0: {  	v23 =	vmul.f32 v24, v6;
	v28 =	vld [tilespmem:s15+$0x12020]  }
0x3c1: {  	v22 =	vadd.f32 v0, v1;
	v0 =	vmul.f32 v25, v7;
	v1 =	vld [tilespmem:s15+$0xF030]  }
0x3c2: {  	v24 =	vmul.f32 v26, v6;
	v26 =	vld [tilespmem:s15+$0x12030]  }
0x3c3: {  	v23 =	vadd.f32 v0, v23;
	v0 =	vmul.f32 v27, v7;
	v27 =	vld [tilespmem:s15+$0xF040]  }
0x3c4: {  	v2 =	vmul.f32 v2, v6;
	v29 =	vld [tilespmem:s15+$0x12040]  }
0x3c5: {  	v24 =	vadd.f32 v0, v24;
	v0 =	vmul.f32 v28, v7;
	v28 =	vld [tilespmem:s15+$0xF050]  }
0x3c6: {  	v1 =	vmul.f32 v1, v6;
	v30 =	vld [tilespmem:s15+$0x12050]  }
0x3c7: {  	v25 =	vadd.f32 v0, v2;
	v0 =	vmul.f32 v26, v7;
	v2 =	vld [tilespmem:s15+$0xF060]  }
0x3c8: {  	v27 =	vmul.f32 v27, v6;
	v31 =	vld [tilespmem:s15+$0x12060]  }
0x3c9: {  	v26 =	vadd.f32 v0, v1;
	v0 =	vmul.f32 v29, v7;
	v1 =	vld [tilespmem:s15+$0xF070]  }
0x3ca: {  	v28 =	vmul.f32 v28, v6;
	v32 =	vld [tilespmem:s15+$0x12070]  }
0x3cb: {  	v27 =	vadd.f32 v0, v27;
	v0 =	vmul.f32 v30, v7;
	v30 =	vld [tilespmem:s15+$0xF400]  }
0x3cc: {  	v2 =	vmul.f32 v2, v6;
	v33 =	vld [tilespmem:s15+$0x12400]  }
0x3cd: {  	v28 =	vadd.f32 v0, v28;
	v0 =	vmul.f32 v31, v7;
	v31 =	vld [tilespmem:s15+$0xF410]  }
0x3ce: {  	v1 =	vmul.f32 v1, v6;
	v34 =	vld [tilespmem:s15+$0x12410]  }
0x3cf: {  	v29 =	vadd.f32 v0, v2;
	v0 =	vmul.f32 v32, v7;
	v2 =	vld [tilespmem:s15+$0xF420]  }
0x3d0: {  	v32 =	vmul.f32 v30, v6;
	v35 =	vld [tilespmem:s15+$0x12420]  }
0x3d1: {  	v30 =	vadd.f32 v0, v1;
	v0 =	vmul.f32 v33, v7;
	v1 =	vld [tilespmem:s15+$0xF430]  }
0x3d2: {  	v33 =	vmul.f32 v31, v6;
	v36 =	vld [tilespmem:s15+$0x12430]  }
0x3d3: {  	v31 =	vadd.f32 v0, v32;
	v0 =	vmul.f32 v34, v7;
	v34 =	vld [tilespmem:s15+$0xF440]  }
0x3d4: {  	v2 =	vmul.f32 v2, v6;
	v37 =	vld [tilespmem:s15+$0x12440]  }
0x3d5: {  	v32 =	vadd.f32 v0, v33;
	v0 =	vmul.f32 v35, v7;
	v38 =	vld [tilespmem:s15+$0xF450]  }
0x3d6: {  	v1 =	vmul.f32 v1, v6;
	v39 =	vld [tilespmem:s15+$0x12450]  }
0x3d7: {  	v33 =	vadd.f32 v0, v2;
	v0 =	vmul.f32 v36, v7;
	v2 =	vld [tilespmem:s15+$0xF460]  }
0x3d8: {  	v36 =	vmul.f32 v34, v6;
	v41 =	vld [tilespmem:s15+$0x12460]  }
0x3d9: {  	v35 =	vadd.f32 v0, v1;
	v0 =	vmul.f32 v37, v7;
	v1 =	vld [tilespmem:s15+$0xF470]  }
0x3da: {  	v37 =	vmul.f32 v38, v6;
	v38 =	vld [tilespmem:s15+$0x12470]  }
0x3db: {  	v34 =	vld.idx.msk [tilespmem:v4+s20+$0x0], $0xffff;
	v40 =	vadd.f32 v0, v36;
	v0 =	vmul.f32 v39, v7  }
0x3dc: {  	v36 =	vld [tilespmem:s8+$0x15000];
	v2 =	vmul.f32 v2, v6  }
0x3dd: {  	v39 =	vld [tilespmem:s8+$0x15010];
	v44 =	vadd.f32 v0, v37;
	v0 =	vmul.f32 v41, v7  }
0x3de: {  	v37 =	vld [tilespmem:s8+$0x15020];
	v1 =	vmul.f32 v1, v6  }
0x3df: {  	v6 =	vld [tilespmem:s8+$0x15030];
	v48 =	vadd.f32 v0, v2;
	v0 =	vmul.f32 v38, v7  }
0x3e0: {  	v2 =	vld [tilespmem:s8+$0x15040]  }
0x3e1: {  	v7 =	vmul.f32 v36, v5;
	v36 =	vld [tilespmem:s8+$0x15050];
	v0 =	vadd.f32 v0, v1  }
0x3e2: {  	v1 =	vmul.f32 v39, v5;
	v38 =	vld [tilespmem:s8+$0x15060]  }
0x3e3: {  	v49 =	vadd.f32 v7, v8;
	v7 =	vmul.f32 v37, v5;
	v8 =	vld [tilespmem:s8+$0x15070]  }
0x3e4: {  	v1 =	vadd.f32 v1, v9;
	v6 =	vmul.f32 v6, v5;
	v9 =	vld [tilespmem:s8+$0x15400]  }
0x3e5: {  	v50 =	vadd.f32 v7, v10;
	v2 =	vmul.f32 v2, v5;
	v7 =	vld [tilespmem:s8+$0x15410]  }
0x3e6: {  	v51 =	vadd.f32 v6, v11;
	v6 =	vmul.f32 v36, v5;
	v10 =	vld [tilespmem:s8+$0x15420]  }
0x3e7: {  	v47 =	vadd.f32 v2, v12;
	v2 =	vmul.f32 v38, v5;
	v11 =	vld [tilespmem:s8+$0x15430]  }
0x3e8: {  	v46 =	vadd.f32 v6, v13;
	v6 =	vmul.f32 v8, v5;
	v8 =	vld [tilespmem:s8+$0x15440]  }
0x3e9: {  	v45 =	vadd.f32 v2, v14;
	v2 =	vmul.f32 v9, v5;
	v9 =	vld [tilespmem:s8+$0x15450]  }
0x3ea: {  	v43 =	vadd.f32 v6, v15;
	v6 =	vmul.f32 v7, v5;
	v7 =	vld [tilespmem:s8+$0x15460]  }
0x3eb: {  	v42 =	vadd.f32 v2, v16;
	v2 =	vmul.f32 v10, v5;
	v10 =	vld [tilespmem:s15+$0x15000]  }
0x3ec: {  	v41 =	vadd.f32 v6, v17;
	v6 =	vmul.f32 v11, v5;
	v11 =	vld [tilespmem:s15+$0x15010]  }
0x3ed: {  	v39 =	vadd.f32 v2, v18;
	v2 =	vmul.f32 v8, v5;
	v8 =	vld [tilespmem:s15+$0x15020]  }
0x3ee: {  	v38 =	vadd.f32 v6, v19;
	v6 =	vmul.f32 v9, v5;
	v9 =	vld [tilespmem:s15+$0x15030]  }
0x3ef: {  	v37 =	vadd.f32 v2, v20;
	v2 =	vmul.f32 v7, v5;
	v5 =	vld [tilespmem:s15+$0x15040]  }
0x3f0: {  	v36 =	vadd.f32 v6, v21;
	v6 =	vmul.f32 v10, v34;
	v7 =	vld [tilespmem:s15+$0x15050]  }
0x3f1: {  	v22 =	vadd.f32 v2, v22;
	v2 =	vmul.f32 v11, v34;
	v10 =	vld [tilespmem:s15+$0x15060]  }
0x3f2: {  	v21 =	vadd.f32 v6, v23;
	v6 =	vmul.f32 v8, v34;
	v8 =	vld [tilespmem:s15+$0x15070]  }
0x3f3: {  	v20 =	vadd.f32 v2, v24;
	v2 =	vmul.f32 v9, v34;
	v11 =	vld [tilespmem:s15+$0x15400]  }
0x3f4: {  	v15 =	vadd.f32 v6, v25;
	v5 =	vmul.f32 v5, v34;
	v12 =	vld [tilespmem:s15+$0x15410]  }
0x3f5: {  	v13 =	vadd.f32 v2, v26;
	v2 =	vmul.f32 v7, v34;
	v14 =	vld [tilespmem:s15+$0x15420]  }
0x3f6: {  	v9 =	vadd.f32 v5, v27;
	v5 =	vmul.f32 v10, v34;
	v16 =	vld [tilespmem:s15+$0x15430]  }
0x3f7: {  	v7 =	vadd.f32 v2, v28;
	v2 =	vmul.f32 v8, v34;
	v17 =	vld [tilespmem:s15+$0x15440]  }
0x3f8: {  	v6 =	vadd.f32 v5, v29;
	v5 =	vmul.f32 v11, v34;
	v18 =	vld [tilespmem:s15+$0x15450]  }
0x3f9: {  	v10 =	vadd.f32 v2, v30;
	v2 =	vmul.f32 v12, v34;
	v19 =	vld [tilespmem:s15+$0x15460]  }
0x3fa: {  	v8 =	vadd.f32 v5, v31;
	v11 =	vmul.f32 v14, v34;
	v23 =	vld [tilespmem:s15+$0x15470]  }
0x3fb: {  	v5 =	vld.idx.msk [tilespmem:v4+s21+$0x0], $0xffff;
	v12 =	vadd.f32 v2, v32;
	v2 =	vmul.f32 v16, v34  }
0x3fc: {  	v4 =	vld [tilespmem:s8+$0x18000];
	v11 =	vadd.f32 v11, v33;
	v16 =	vmul.f32 v17, v34  }
0x3fd: {  	v24 =	vld [tilespmem:s8+$0x18010];
	v14 =	vadd.f32 v2, v35;
	v2 =	vmul.f32 v18, v34  }
0x3fe: {  	v25 =	vld [tilespmem:s8+$0x18020];
	v16 =	vadd.f32 v16, v40;
	v18 =	vmul.f32 v19, v34  }
0x3ff: {  	v26 =	vld [tilespmem:s8+$0x18030];
	v17 =	vadd.f32 v2, v44;
	v2 =	vmul.f32 v23, v34  }
0x400: {  	v23 =	vld [tilespmem:s8+$0x18040];
	v18 =	vadd.f32 v18, v48  }
0x401: {  	v4 =	vmul.f32 v4, v3;
	v27 =	vld [tilespmem:s8+$0x18050];
	v19 =	vadd.f32 v2, v0  }
0x402: {  	v0 =	vmul.f32 v24, v3;
	v2 =	vld [tilespmem:s8+$0x18060]  }
0x403: {  	v4 =	vadd.f32 v4, v49;
	v24 =	vmul.f32 v25, v3;
	v25 =	vld [tilespmem:s8+$0x18070]  }
0x404: {  	v0 =	vadd.f32 v0, v1;
	v1 =	vmul.f32 v26, v3;
	v26 =	vld [tilespmem:s8+$0x18400]  }
0x405: {  	[tilespmem:s8+$0x1B000] =	vst v4;
	v4 =	vadd.f32 v24, v50;
	v23 =	vmul.f32 v23, v3;
	v24 =	vld [tilespmem:s8+$0x18410]  }
0x406: {  	[tilespmem:s8+$0x1B010] =	vst v0;
	v0 =	vadd.f32 v1, v51;
	v1 =	vmul.f32 v27, v3;
	v27 =	vld [tilespmem:s8+$0x18420]  }
0x407: {  	[tilespmem:s8+$0x1B020] =	vst v4;
	v4 =	vadd.f32 v23, v47;
	v2 =	vmul.f32 v2, v3;
	v23 =	vld [tilespmem:s8+$0x18430]  }
0x408: {  	[tilespmem:s8+$0x1B030] =	vst v0;
	v0 =	vadd.f32 v1, v46;
	v1 =	vmul.f32 v25, v3;
	v25 =	vld [tilespmem:s8+$0x18440]  }
0x409: {  	[tilespmem:s8+$0x1B040] =	vst v4;
	v2 =	vadd.f32 v2, v45;
	v4 =	vmul.f32 v26, v3;
	v26 =	vld [tilespmem:s8+$0x18450]  }
0x40a: {  	[tilespmem:s8+$0x1B050] =	vst v0;
	v0 =	vadd.f32 v1, v43;
	v1 =	vmul.f32 v24, v3;
	v24 =	vld [tilespmem:s8+$0x18460]  }
0x40b: {  	[tilespmem:s8+$0x1B060] =	vst v2;
	v2 =	vadd.f32 v4, v42;
	v4 =	vmul.f32 v27, v3;
	v27 =	vld [tilespmem:s15+$0x18000]  }
0x40c: {  	[tilespmem:s8+$0x1B070] =	vst v0;
	v0 =	vadd.f32 v1, v41;
	v1 =	vmul.f32 v23, v3;
	v28 =	vld [tilespmem:s15+$0x18010]  }
0x40d: {  	[tilespmem:s8+$0x1B400] =	vst v2;
	v2 =	vadd.f32 v4, v39;
	v4 =	vmul.f32 v25, v3;
	v25 =	vld [tilespmem:s15+$0x18020]  }
0x40e: {  	[tilespmem:s8+$0x1B410] =	vst v0;
	v0 =	vadd.f32 v1, v38;
	v1 =	vmul.f32 v26, v3;
	v29 =	vld [tilespmem:s15+$0x18030]  }
.Ltmp4:
0x40f: {  	[tilespmem:s8+$0x1B420] =	vst v2;
	v2 =	vadd.f32 v4, v37;
	v3 =	vmul.f32 v24, v3;
	v23 =	vld [tilespmem:s15+$0x18040];
	(pc) =	sbr.rel @p1 .LBB2_7-.Ltmp4, $4  }
0x410: {  	[tilespmem:s8+$0x1B430] =	vst v0;
	v0 =	vadd.f32 v1, v36;
	v1 =	vmul.f32 v27, v5;
	v4 =	vld [tilespmem:s15+$0x18050]  }
0x411: {  	[tilespmem:s8+$0x1B440] =	vst v2;
	v2 =	vadd.f32 v3, v22;
	v22 =	vmul.f32 v28, v5;
	v3 =	vld [tilespmem:s15+$0x18060]  }
0x412: {  	[tilespmem:s8+$0x1B450] =	vst v0;
	v24 =	vadd.f32 v1, v21;
	v26 =	vmul.f32 v25, v5;
	v21 =	vld [tilespmem:s15+$0x18070]  }
0x413: {  	[tilespmem:s8+$0x1B460] =	vst v2;
	v25 =	vadd.f32 v22, v20;
	v22 =	vmul.f32 v29, v5;
	v20 =	vld [tilespmem:s15+$0x18400]  }
0x414: {  	[tilespmem:s15+$0x1B000] =	vst v24;
	v0 =	vld [tilespmem:s15+$0x18410];
	v1 =	vadd.f32 v26, v15;
	v48 =	vmul.f32 v23, v5  }
0x415: {  	v2 =	vld [tilespmem:s15+$0x18420];
	[tilespmem:s15+$0x1B010] =	vst v25;
	v13 =	vadd.f32 v22, v13;
	v4 =	vmul.f32 v4, v5  }
0x416: {  	v49 =	vld [tilespmem:s15+$0x18430];
	[tilespmem:s15+$0x1B020] =	vst v1;
	v1 =	vadd.f32 v48, v9;
	v3 =	vmul.f32 v3, v5  }
0x417: {  	v50 =	vld [tilespmem:s15+$0x18440];
	[tilespmem:s15+$0x1B030] =	vst v13;
	v4 =	vadd.f32 v4, v7;
	v52 =	vmul.f32 v21, v5  }
0x418: {  	v51 =	vld [tilespmem:s15+$0x18450];
	[tilespmem:s15+$0x1B040] =	vst v1;
	v20 =	vmul.f32 v20, v5;
	v3 =	vadd.f32 v3, v6  }
0x419: {  	v53 =	vld [tilespmem:s15+$0x18460];
	[tilespmem:s15+$0x1B050] =	vst v4;
	v1 =	vadd.f32 v52, v10;
	v0 =	vmul.f32 v0, v5  }
0x41a: {  	v54 =	vld [tilespmem:s15+$0x18470];
	v2 =	vmul.f32 v2, v5;
	v55 =	vadd.f32 v20, v8;
	[tilespmem:s15+$0x1B060] =	vst v3  }
0x41b: {  	v56 =	vmul.f32 v49, v5;
	v0 =	vadd.f32 v0, v12;
	[tilespmem:s15+$0x1B070] =	vst v1  }
0x41c: {  	v58 =	vmul.f32 v50, v5;
	v57 =	vadd.f32 v2, v11;
	[tilespmem:s15+$0x1B400] =	vst v55  }
0x41d: {  	v59 =	vmul.f32 v51, v5;
	v3 =	vadd.f32 v56, v14;
	[tilespmem:s15+$0x1B410] =	vst v0  }
0x41e: {  	v61 =	vmul.f32 v53, v5;
	v60 =	vadd.f32 v58, v16;
	[tilespmem:s15+$0x1B420] =	vst v57  }
0x41f: {  	v4 =	vmul.f32 v54, v5;
	v62 =	vadd.f32 v59, v17;
	[tilespmem:s15+$0x1B430] =	vst v3  }
.Ltmp5:
0x420: {  	v2 =	vadd.f32 v61, v18;
	[tilespmem:s15+$0x1B440] =	vst v60;
	(pc) =	sbr.rel @p0 .LBB2_10-.Ltmp5, $4  }
0x421: {  	s6 =	sadd.s32 s3, s6;
	v63 =	vadd.f32 v4, v19;
	[tilespmem:s15+$0x1B450] =	vst v62  }
0x422: {  	s6 =	sshll.u32 s6, $0x5;
	[tilespmem:s15+$0x1B460] =	vst v2  }
0x423: {  	s6 =	sadd.s32 s5, s6;
	[tilespmem:s15+$0x1B470] =	vst v63  }
0x424: {  	[hbm4b:s6+s4] =	stream.linear.scatter [tilespmem:s28], [sflag:$0x3], $0x3000, $0x38;
	[tilespmem:$0x1E000] =	vst v63  }
0x425: {  	v0 =	vld [tilespmem:s0+$0x90];
	_ =	sdelay $0x2  }
0x426: {  	v2 =	vld [tilespmem:$0x1FFD0]  }
0x427: {  	v3 =	vld [tilespmem:$0x1FFE0]  }
0x428: {  	v4 =	vld [tilespmem:$0x1FFF0];
	v1 =	vshll.u32 v0, $0x1  }
0x429: {  	v0 =	vand.u32 $0x7, v0;
	v1 =	vand.u32 $0xFFFFFFF0, v1  }
0x42a: {  	v0 =	vor.u32 v0, v1  }
0x42b: {  	v1 =	vperm.xlane v0, v2;
	_ =	sdelay $0x1  }
0x42c: {  	v0 =	vperm.xlane v0, v4;
	v1 =	vadd.s32 v3, v1;
	_ =	sdelay $0x1  }
0x42d: {  	v0 =	vadd.s32 v3, v0;
	_ =	sdelay $0x1  }
0x42e: {  	s6 =	simm.s32 $0xF000  }
0x42f: {  	[tilespmem:s6], [sflag:$0x2] =	stream.indirect_vreg.gather [hbm4b:s2+s4], $0x80, v1, vm0, $0xb8;
	[tilespmem:$0x1E000] =	vst v63  }
0x430: {  	s17 =	simm.s32 $0xF800  }
0x431: {  	[tilespmem:s17], [sflag:$0x2] =	stream.indirect_vreg.gather [hbm4b:s2+s4], $0x80, v0, vm0, $0xb8;
	[tilespmem:$0x1E000] =	vst v63  }
0x432: {  	v0 =	vld [tilespmem:s0+$0xA0];
	_ =	sdelay $0x4  }
0x433: {  	v53 =	vshll.u32 v0, $0x1  }
0x434: {  	v0 =	vand.u32 $0x7, v0;
	v1 =	vand.u32 $0xFFFFFFF0, v53  }
0x435: {  	v0 =	vor.u32 v0, v1  }
0x436: {  	v1 =	vperm.xlane v0, v2;
	_ =	sdelay $0x1  }
0x437: {  	v0 =	vperm.xlane v0, v4;
	v1 =	vadd.s32 v3, v1;
	_ =	sdelay $0x1  }
0x438: {  	v0 =	vadd.s32 v3, v0;
	_ =	sdelay $0x1  }
0x439: {  	s7 =	simm.s32 $0x10000  }
0x43a: {  	[tilespmem:s7], [sflag:$0x2] =	stream.indirect_vreg.gather [hbm4b:s2+s4], $0x80, v1, vm0, $0xb8;
	[tilespmem:$0x1E000] =	vst v63  }
0x43b: {  	s8 =	simm.s32 $0x10800  }
0x43c: {  	[tilespmem:s8], [sflag:$0x2] =	stream.indirect_vreg.gather [hbm4b:s2+s4], $0x80, v0, vm0, $0xb8;
	[tilespmem:$0x1E000] =	vst v63  }
0x43d: {  	v0 =	vld [tilespmem:s0+$0xB0];
	_ =	sdelay $0x4  }
0x43e: {  	v54 =	vshll.u32 v0, $0x1  }
0x43f: {  	v0 =	vand.u32 $0x7, v0;
	v1 =	vand.u32 $0xFFFFFFF0, v54  }
0x440: {  	v0 =	vor.u32 v0, v1  }
0x441: {  	v1 =	vperm.xlane v0, v2;
	_ =	sdelay $0x1  }
0x442: {  	v0 =	vperm.xlane v0, v4;
	v1 =	vadd.s32 v3, v1;
	_ =	sdelay $0x1  }
0x443: {  	v0 =	vadd.s32 v3, v0;
	_ =	sdelay $0x1  }
0x444: {  	s9 =	simm.s32 $0x11000  }
0x445: {  	[tilespmem:s9], [sflag:$0x2] =	stream.indirect_vreg.gather [hbm4b:s2+s4], $0x80, v1, vm0, $0xb8;
	[tilespmem:$0x1E000] =	vst v63  }
0x446: {  	s10 =	simm.s32 $0x11800  }
0x447: {  	[tilespmem:s10], [sflag:$0x2] =	stream.indirect_vreg.gather [hbm4b:s2+s4], $0x80, v0, vm0, $0xb8;
	[tilespmem:$0x1E000] =	vst v63  }
0x448: {  	v0 =	vld [tilespmem:s0+$0x690];
	_ =	sdelay $0x4  }
0x449: {  	v55 =	vshll.u32 v0, $0x1  }
0x44a: {  	v0 =	vand.u32 $0x7, v0;
	v1 =	vand.u32 $0xFFFFFFF0, v55  }
0x44b: {  	v0 =	vor.u32 v0, v1  }
0x44c: {  	v1 =	vperm.xlane v0, v2;
	_ =	sdelay $0x1  }
0x44d: {  	v0 =	vperm.xlane v0, v4;
	v1 =	vadd.s32 v3, v1;
	_ =	sdelay $0x1  }
0x44e: {  	v0 =	vadd.s32 v3, v0;
	_ =	sdelay $0x1  }
0x44f: {  	s15 =	simm.s32 $0x12000  }
0x450: {  	[tilespmem:s15], [sflag:$0x2] =	stream.indirect_vreg.gather [hbm4b:s2+s4], $0x80, v1, vm0, $0xb8;
	[tilespmem:$0x1E000] =	vst v63  }
0x451: {  	s16 =	simm.s32 $0x12800  }
0x452: {  	[tilespmem:s16], [sflag:$0x2] =	stream.indirect_vreg.gather [hbm4b:s2+s4], $0x80, v0, vm0, $0xb8;
	[tilespmem:$0x1E000] =	vst v63  }
0x453: {  	v0 =	vld [tilespmem:s0+$0x6A0];
	_ =	sdelay $0x4  }
0x454: {  	v56 =	vshll.u32 v0, $0x1  }
0x455: {  	v0 =	vand.u32 $0x7, v0;
	v1 =	vand.u32 $0xFFFFFFF0, v56  }
0x456: {  	v0 =	vor.u32 v0, v1  }
0x457: {  	v1 =	vperm.xlane v0, v2;
	_ =	sdelay $0x1  }
0x458: {  	v0 =	vperm.xlane v0, v4;
	v1 =	vadd.s32 v3, v1;
	_ =	sdelay $0x1  }
0x459: {  	v0 =	vadd.s32 v3, v0;
	_ =	sdelay $0x1  }
0x45a: {  	s17 =	simm.s32 $0x13000  }
0x45b: {  	[tilespmem:s17], [sflag:$0x2] =	stream.indirect_vreg.gather [hbm4b:s2+s4], $0x80, v1, vm0, $0xb8;
	[tilespmem:$0x1E000] =	vst v63  }
0x45c: {  	s7 =	simm.s32 $0x13800  }
0x45d: {  	[tilespmem:s7], [sflag:$0x2] =	stream.indirect_vreg.gather [hbm4b:s2+s4], $0x80, v0, vm0, $0xb8;
	[tilespmem:$0x1E000] =	vst v63  }
0x45e: {  	v0 =	vld [tilespmem:s0+$0x6B0];
	_ =	sdelay $0x4  }
0x45f: {  	v57 =	vshll.u32 v0, $0x1  }
0x460: {  	v0 =	vand.u32 $0x7, v0;
	v1 =	vand.u32 $0xFFFFFFF0, v57  }
0x461: {  	v0 =	vor.u32 v0, v1  }
0x462: {  	v1 =	vperm.xlane v0, v2;
	_ =	sdelay $0x1  }
0x463: {  	v0 =	vperm.xlane v0, v4;
	v1 =	vadd.s32 v3, v1;
	_ =	sdelay $0x1  }
0x464: {  	v0 =	vadd.s32 v3, v0;
	_ =	sdelay $0x1  }
0x465: {  	s8 =	simm.s32 $0x14000  }
0x466: {  	[tilespmem:s8], [sflag:$0x2] =	stream.indirect_vreg.gather [hbm4b:s2+s4], $0x80, v1, vm0, $0xb8;
	[tilespmem:$0x1E000] =	vst v63  }
0x467: {  	s9 =	simm.s32 $0x14800  }
0x468: {  	[tilespmem:s9], [sflag:$0x2] =	stream.indirect_vreg.gather [hbm4b:s2+s4], $0x80, v0, vm0, $0xb8;
	[tilespmem:$0x1E000] =	vst v63  }
0x469: {  	v0 =	vld [tilespmem:s0+$0xC90];
	_ =	sdelay $0x4  }
0x46a: {  	v58 =	vshll.u32 v0, $0x1  }
0x46b: {  	v0 =	vand.u32 $0x7, v0;
	v1 =	vand.u32 $0xFFFFFFF0, v58  }
0x46c: {  	v0 =	vor.u32 v0, v1  }
0x46d: {  	v1 =	vperm.xlane v0, v2;
	_ =	sdelay $0x1  }
0x46e: {  	v0 =	vperm.xlane v0, v4;
	v1 =	vadd.s32 v3, v1;
	_ =	sdelay $0x1  }
0x46f: {  	v0 =	vadd.s32 v3, v0;
	_ =	sdelay $0x1  }
0x470: {  	s10 =	simm.s32 $0x15000  }
0x471: {  	[tilespmem:s10], [sflag:$0x2] =	stream.indirect_vreg.gather [hbm4b:s2+s4], $0x80, v1, vm0, $0xb8;
	[tilespmem:$0x1E000] =	vst v63  }
0x472: {  	s15 =	simm.s32 $0x15800  }
0x473: {  	[tilespmem:s15], [sflag:$0x2] =	stream.indirect_vreg.gather [hbm4b:s2+s4], $0x80, v0, vm0, $0xb8;
	[tilespmem:$0x1E000] =	vst v63  }
0x474: {  	v0 =	vld [tilespmem:s0+$0xCA0];
	_ =	sdelay $0x4  }
0x475: {  	v59 =	vshll.u32 v0, $0x1  }
0x476: {  	v0 =	vand.u32 $0x7, v0;
	v1 =	vand.u32 $0xFFFFFFF0, v59  }
0x477: {  	v0 =	vor.u32 v0, v1  }
0x478: {  	v1 =	vperm.xlane v0, v2;
	_ =	sdelay $0x1  }
0x479: {  	v0 =	vperm.xlane v0, v4;
	v1 =	vadd.s32 v3, v1;
	_ =	sdelay $0x1  }
0x47a: {  	v0 =	vadd.s32 v3, v0;
	_ =	sdelay $0x1  }
0x47b: {  	s16 =	simm.s32 $0x16000  }
0x47c: {  	[tilespmem:s16], [sflag:$0x2] =	stream.indirect_vreg.gather [hbm4b:s2+s4], $0x80, v1, vm0, $0xb8;
	[tilespmem:$0x1E000] =	vst v63  }
0x47d: {  	s17 =	simm.s32 $0x16800  }
0x47e: {  	[tilespmem:s17], [sflag:$0x2] =	stream.indirect_vreg.gather [hbm4b:s2+s4], $0x80, v0, vm0, $0xb8;
	[tilespmem:$0x1E000] =	vst v63  }
0x47f: {  	v0 =	vld [tilespmem:s0+$0xCB0];
	_ =	sdelay $0x4  }
0x480: {  	v60 =	vshll.u32 v0, $0x1  }
0x481: {  	v0 =	vand.u32 $0x7, v0;
	v1 =	vand.u32 $0xFFFFFFF0, v60  }
0x482: {  	v0 =	vor.u32 v0, v1  }
0x483: {  	v1 =	vperm.xlane v0, v2;
	_ =	sdelay $0x1  }
0x484: {  	v0 =	vperm.xlane v0, v4;
	v1 =	vadd.s32 v3, v1;
	_ =	sdelay $0x1  }
0x485: {  	v0 =	vadd.s32 v3, v0;
	_ =	sdelay $0x2  }
0x486: {  	[tilespmem:s11], [sflag:$0x2] =	stream.indirect_vreg.gather [hbm4b:s2+s4], $0x80, v1, vm0, $0xb8;
	[tilespmem:$0x1E000] =	vst v63  }
0x487: {  	_ = 	snop  }
0x488: {  	[tilespmem:s12], [sflag:$0x2] =	stream.indirect_vreg.gather [hbm4b:s2+s4], $0x80, v0, vm0, $0xb8;
	[tilespmem:$0x1E000] =	vst v63  }
0x489: {  	v0 =	vld [tilespmem:s0+$0x1290];
	_ =	sdelay $0x4  }
0x48a: {  	v61 =	vshll.u32 v0, $0x1  }
0x48b: {  	v0 =	vand.u32 $0x7, v0;
	v1 =	vand.u32 $0xFFFFFFF0, v61  }
0x48c: {  	v0 =	vor.u32 v0, v1  }
0x48d: {  	v1 =	vperm.xlane v0, v2;
	_ =	sdelay $0x1  }
0x48e: {  	v0 =	vperm.xlane v0, v4;
	v1 =	vadd.s32 v3, v1;
	_ =	sdelay $0x1  }
0x48f: {  	v0 =	vadd.s32 v3, v0;
	_ =	sdelay $0x2  }
0x490: {  	[tilespmem:s13], [sflag:$0x2] =	stream.indirect_vreg.gather [hbm4b:s2+s4], $0x80, v1, vm0, $0xb8;
	[tilespmem:$0x1E000] =	vst v63  }
0x491: {  	_ = 	snop  }
0x492: {  	[tilespmem:s14], [sflag:$0x2] =	stream.indirect_vreg.gather [hbm4b:s2+s4], $0x80, v0, vm0, $0xb8;
	[tilespmem:$0x1E000] =	vst v63  }
0x493: {  	v0 =	vld [tilespmem:s0+$0x12A0];
	_ =	sdelay $0x4  }
0x494: {  	v62 =	vshll.u32 v0, $0x1  }
0x495: {  	v0 =	vand.u32 $0x7, v0;
	v1 =	vand.u32 $0xFFFFFFF0, v62  }
0x496: {  	v0 =	vor.u32 v0, v1  }
0x497: {  	v1 =	vperm.xlane v0, v2;
	_ =	sdelay $0x1  }
0x498: {  	v0 =	vperm.xlane v0, v4;
	v1 =	vadd.s32 v3, v1;
	_ =	sdelay $0x1  }
0x499: {  	v0 =	vadd.s32 v3, v0;
	_ =	sdelay $0x2  }
0x49a: {  	[tilespmem:s23], [sflag:$0x2] =	stream.indirect_vreg.gather [hbm4b:s2+s4], $0x80, v1, vm0, $0xb8;
	[tilespmem:$0x1E000] =	vst v63  }
0x49b: {  	_ = 	snop  }
0x49c: {  	[tilespmem:s24], [sflag:$0x2] =	stream.indirect_vreg.gather [hbm4b:s2+s4], $0x80, v0, vm0, $0xb8;
	[tilespmem:$0x1E000] =	vst v63  }
0x49d: {  	v0 =	vld [tilespmem:s0+$0x12B0];
	_ =	sdelay $0x4  }
0x49e: {  	v63 =	vshll.u32 v0, $0x1  }
0x49f: {  	v0 =	vand.u32 $0x7, v0;
	v1 =	vand.u32 $0xFFFFFFF0, v63  }
0x4a0: {  	v0 =	vor.u32 v0, v1  }
0x4a1: {  	v1 =	vperm.xlane v0, v2;
	_ =	sdelay $0x1  }
0x4a2: {  	v0 =	vperm.xlane v0, v4;
	v1 =	vadd.s32 v3, v1;
	_ =	sdelay $0x1  }
0x4a3: {  	v0 =	vadd.s32 v3, v0  }
.Ltmp6:
0x4a4: {  	_ = 	snop;
	(pc) =	sbr.rel .LBB2_2-.Ltmp6, $4  }
0x4a5: {  	_ = 	snop  }
0x4a6: {  	[tilespmem:s25], [sflag:$0x2] =	stream.indirect_vreg.gather [hbm4b:s2+s4], $0x80, v1, vm0, $0xb8;
	[tilespmem:$0x1E000] =	vst v63  }
0x4a7: {  	s1 =	sadd.s32 $0x1, s1;
	s31 =	sadd.s32 $0x60, s31  }
0x4a8: {  	[tilespmem:s26], [sflag:$0x2] =	stream.indirect_vreg.gather [hbm4b:s2+s4], $0x80, v0, vm0, $0xb8;
	[tilespmem:$0x1E000] =	vst v63  }
.LBB2_11:
0x4a9: {  	_ =	sfence.sel $0x180000  }
0x4aa: {  	[bflag:$0x0] =	sbarrier.arrive $0xFFFF  }
0x4ab: {  	_ =	strace $0x9000004A  }
0x4ac: {  	s0 =	stileid.u32;
	[bflag:$0x2] =	sbarrier.arrive $0xFFFF  }
0x4ad: {  	p0 =	sne.s32 s0, $0x0;
	s0 =	rddreg [dreg:$0x2]  }
0x4ae: {  	s0 =	sadd.s32 @!p0 $0x100000, s0  }
0x4af: {  	[sflag:s0] =	ssyncadd.tile.s32 @!p0 $0x1;
	_ =	shalt  }
.Lfunc_end2:
_tile_overlayer_lowered:
.L_overlay_start_2:
0x4b0: {  	(tag) =	ssettag $0x2  }
0x4b1: {  	s0 =	rddreg [dreg:$0x0];
	s2 =	stileid.u32  }
0x4b2: {  	s1 =	rddreg [dreg:$0x1];
	p0 =	sne.s32 s2, $0x0  }
0x4b3: {  	s3 =	rddreg [dreg:$0x2];
	[bflag:$0x3] =	sbarrier.arrive $0xFFFF;
	s2 =	simm.s32 @!p0 $0x1C04  }
0x4b4: {  	[timem:s3], [sflag:s2] =	dma.local @!p0 [hbm:s0], s1  }
0x4b5: {  	s0 =	simm.s32 @!p0 $0x4  }
0x4b6: {  	_ =	swait.ge @!p0 [sflag:s0], s1  }
0x4b7: {  	s1 =	ssub.s32 @!p0 $0x0, s1;
	[sflag:s0] =	ssyncset.done @!p0 $0x0  }
0x4b8: {  	[sflag:s0] =	ssyncadd.s32 @!p0 s1  }
0x4b9: {  	[bflag:$0x3] =	sbarrier.arrive $0xFFFF  }
0x4ba: {  	_ =	shalt  }

// kernel: sparse-core-data-format-call.1.cloned.1.call-start
scs
called_computation.1_lowered:
.L_overlay_start_0:
0x0: {  	s2 =	sld [smem:$0x3FD9]  }
0x1: {  	s3 =	sld [smem:$0x3FFE];
	_ =	sdelay $0x1  }
0x2: {  	s1 =	srdreg.scid  }
0x3: {  	s0 =	sand.u32 $0x1, s1  }
0x4: {  	s18 =	sshll.u32 s0, $0xA;
	s2 =	sadd.s32 s3, s2  }
0x5: {  	s2 =	sadd.s32 s2, s18  }
0x6: {  	[smem:$0x3FC2] =	sst s2  }
0x7: {  	_ = 	snop  }
0x8: {  	s2 =	sld [smem:$0x3FC9];
	(tm) =	ssettm $0x1  }
0x9: {  	s19 =	sld [smem:$0x3FFB];
	_ =	sdelay $0x3  }
0xa: {  	_ =	strace s19  }
0xb: {  	s3 =	sld [smem:$0x3FFC];
	_ =	sdelay $0x3  }
0xc: {  	_ =	strace s3  }
0xd: {  	s3 =	sld [smem:$0x3FFD];
	_ =	sdelay $0x3  }
0xe: {  	_ =	strace s3  }
0xf: {  	_ =	strace $0x8FFFFFFF  }
0x10: {  	s20 =	sld [smem:$0x3FDB];
	_ =	sdelay $0x1  }
0x11: {  	s4 =	simm.s32 $_scs_section_size  }
0x12: {  	s5 =	simm.s32 $_size__tile_overlayer_lowered;
	s6 =	simm.s32 $_tile_overlayer_lowered  }
0x13: {  	s23 =	simm.s32 $0x1BFF;
	s22 =	sshll.u32 s6, $0x1;
	s3 =	sadd.s32 s4, s20  }
0x14: {  	s7 =	simm.s32 $0x0;
	s21 =	sshll.u32 s5, $0x1;
	s5 =	sadd.s32 s22, s3  }
0x15: {  	[timem:s7], [sflag:s23] =	dma.local [hbm:s5], s21  }
0x16: {  	_ =	swait.ge [sflag:s23], s21  }
0x17: {  	s4 =	ssub.s32 $0x0, s21;
	[sflag:s23] =	ssyncset.done $0x0  }
0x18: {  	[sflag:s23] =	ssyncadd.s32 s4;
	_ =	sdelay $0x1  }
0x19: {  	s24 =	simm.s32 $0x1B8B  }
0x1a: {  	_ =	swait.ge [sflag:s24], $0x1  }
0x1b: {  	[sflag:s24] =	ssyncset.done $0x0  }
0x1c: {  	s26 =	simm.s32 $0x1B8E;
	s25 =	sld [smem:$0x3FFE];
	[sflag:s24] =	ssyncadd.s32 $0xFFFFFFFF  }
0x1d: {  	s27 =	simm.s32 $execute0_lowered;
	[smem:$0x3FD2] =	sst s26  }
0x1e: {  	s5 =	sshll.u32 s27, $0x1;
	_ =	strace $0x80000046;
	[dreg:$0x1] =	wrdreg $0xFFFFFFFF  }
0x1f: {  	s28 =	simm.s32 $_size_execute0_lowered;
	s3 =	sadd.s32 s3, s5;
	[dreg:$0x0] =	wrdreg $0x0  }
0x20: {  	s5 =	sshll.u32 s28, $0x1;
	[dreg:$0x2] =	wrdreg s3  }
0x21: {  	[dreg:$0x3] =	wrdreg s5  }
0x22: {  	[dreg:$0x4] =	wrdreg $0xC0  }
0x23: {  	_ =	task [dreg:s7], $0x5FFFF  }
0x24: {  	[dreg:$0x1] =	wrdreg $0xFFFFFFFF  }
0x25: {  	[dreg:$0x0] =	wrdreg $0x60  }
0x26: {  	[dreg:$0x2] =	wrdreg s2  }
0x27: {  	[dreg:$0x3] =	wrdreg s25  }
0x28: {  	[dreg:$0x4] =	wrdreg $0x9  }
0x29: {  	_ =	task.clear_ibuf [dreg:s7], $0x5FFFF;
	_ =	strace $0x90000046  }
0x2a: {  	s29 =	simm.s32 $0x9;
	_ =	strace $0x80000048  }
0x2b: {  	_ =	swait.ge [sflag:s29], $0x1  }
0x2c: {  	[sflag:s29] =	ssyncadd.s32 $0xFFFFFFFF  }
0x2d: {  	_ =	strace $0x90000048  }
0x2e: {  	_ =	sfence  }
0x2f: {  	s30 =	sld [smem:$0x0];
	_ =	sdelay $0x2  }
0x30: {  	s31 =	sshll.u32 s1, $0xD;
	s1 =	sshrl.u32 s1, $0x2  }
0x31: {  	s3 =	sand.u32 $0x4000, s31;
	s1 =	sadd.s32 s1, s30  }
0x32: {  	s0 =	sor.u32 s3, s0;
	s1 =	sshll.u32 s1, $0x11  }
0x33: {  	s0 =	sor.u32 s1, s0  }
0x34: {  	s0 =	sadd.s32 $0x8F2B, s0  }
0x35: {  	[sflag:s0] =	ssyncadd.remote.s32 $0x1  }
0x36: {  	_ =	sfence.sel $0xFFFF  }
0x37: {  	[dreg:$0x0] =	wrdreg $0xFFFFFFFF;
	(pc) =	sbr.abs _section_cstart, $3  }
0x38: {  	[dreg:$0x1] =	wrdreg $0xFFFFFFFF  }
0x39: {  	_ =	task.clear_ibuf [dreg:s7], $0x2FFFF;
	_ =	strace $0x9FFFFFFF  }
0x3a: {  	(tm) =	ssettm $0x7FFFFFFF  }
0x3b: {  	_ =	shalt  }
tec
execute0_lowered:
.L_overlay_start_1:
0x0: {  	(tag) =	ssettag $0x1  }
0x1: {  	s0 =	stileid.u32;
	s2 =	rddreg [dreg:$0x0]  }
0x2: {  	s5 =	rddreg [dreg:$0x1];
	s8 =	srdreg.scid  }
0x3: {  	s31 =	simm.s32 $0x2;
	s16 =	simm.s32 $0x0;
	p0 =	por $0x0, $0x0  }
0x4: {  	s15 =	simm.s32 $0x0;
	s17 =	simm.s32 $0x0;
	s14 =	simm.s32 $0x0  }
0x5: {  	s1 =	sshll.u32 s0, $0x6;
	s3 =	sand.u32 $0x1, s0;
	s8 =	sshll.u32 s8, $0x4  }
0x6: {  	s5 =	sadd.s32 $0x2E00, s5;
	s4 =	sand.u32 $0x80, s1;
	s1 =	rddreg [dreg:$0x2]  }
0x7: {  	s6 =	ssub.s32 $0x2, s3;
	_ =	strace $0x80000047;
	s7 =	ssub.s32 $0x100, s4  }
0x8: {  	s8 =	sand.u32 $0x10, s8;
	s9 =	sshrl.u32 s6, $0x1;
	s10 =	sshrl.u32 s7, $0x7  }
0x9: {  	s6 =	sand.u32 $0x1, s6;
	s7 =	sshrl.u32 s7, $0x8;
	s10 =	sand.u32 $0x1, s10  }
.Ltmp0:
0xa: {  	s6 =	sadd.s32 s6, s9;
	s7 =	sadd.s32 s7, s10;
	(pc) =	sbr.rel .LBB1_1-.Ltmp0, $4  }
0xb: {  	s13 =	smov.u32 s3;
	s8 =	sor.u32 s0, s8;
	s7 =	smul.u32 s7, s6  }
0xc: {  	s12 =	smov.u32 s4;
	s8 =	sshrl.u32 s8, $0x2;
	s6 =	simm.s32 $0x1  }
0xd: {  	s11 =	smov.u32 s8;
	[sflag:s6] =	ssyncpa.u1 $0x0;
	s7 =	sshll.u32 s7, $0x4  }
0xe: {  	s10 =	simm.s32 $0x800;
	[sflag:s31] =	ssyncpa.u1 $0x0;
	s9 =	sor.u32 $0x1, s7  }
.LBB1_4:
0xf: {  	v5 =	vld [tilespmem:s21+$0xFFFFFFD0];
	[tilespmem:s20+$0x2040 ss:$0x81] =	vst.msk $0xffff, v1  }
0x10: {  	v58 =	vld [tilespmem:s21+$0xFFFFFFE0];
	[tilespmem:s20+$0x2850 ss:$0x81] =	vst.msk $0xffff, v2  }
0x11: {  	s22 =	sshra.s32 s22, $0x2;
	v59 =	vld [tilespmem:s21+$0xFFFFFFF0];
	[tilespmem:s20+$0x3060 ss:$0x81] =	vst.msk $0xffff, v3  }
0x12: {  	v60 =	vld [tilespmem:s21+$0x0];
	[tilespmem:s20+$0x0 ss:$0x81] =	vst.msk $0xffff, v0;
	s19 =	sadd.s32 s22, s19  }
0x13: {  	v61 =	vld [tilespmem:s21+$0x10];
	[tilespmem:s19+$0x3870 ss:$0x81] =	vst.msk $0xffff, v4  }
0x14: {  	v62 =	vld [tilespmem:s21+$0x20];
	[tilespmem:s19+$0x810 ss:$0x81] =	vst.msk $0xffff, v5  }
0x15: {  	v63 =	vld [tilespmem:s21+$0xFFFFFFC0];
	[tilespmem:s19+$0x1020 ss:$0x81] =	vst.msk $0xffff, v58  }
0x16: {  	s17 =	sshll.u32 s17, $0x13;
	[tilespmem:s19+$0x1830 ss:$0x81] =	vst.msk $0xffff, v59  }
0x17: {  	s28 =	sand.u32 $0xF80, s15;
	s16 =	sshll.u32 s16, $0xC;
	s17 =	sadd.s32 s5, s17;
	[tilespmem:s19+$0x2040 ss:$0x81] =	vst.msk $0xffff, v60  }
0x18: {  	s29 =	sshrl.u32 s15, $0x3;
	s30 =	sand.u32 $0x7, s15;
	s17 =	sadd.s32 s28, s17;
	[tilespmem:s19+$0x2850 ss:$0x81] =	vst.msk $0xffff, v61  }
0x19: {  	s31 =	sand.u32 $0xF, s29;
	s15 =	sshll.u32 s30, $0x12;
	s16 =	sadd.s32 s16, s17;
	[tilespmem:s19+$0x3060 ss:$0x81] =	vst.msk $0xffff, v62  }
0x1a: {  	s15 =	sor.u32 $0x400, s15;
	s16 =	sadd.s32 s31, s16;
	[tilespmem:s19+$0x0 ss:$0x81] =	vst.msk $0xffff, v63  }
0x1b: {  	[hbm4b:s16+s15] =	stream.strided.scatter [tilespmem:s18], [sflag:$0x2], $0x4000, s10, s15, $0x20;
	[tilespmem:$0x10100] =	vst v63  }
.LBB1_5:
0x1c: {  	s18 =	sadd.s32 $0x8, s11  }
0x1d: {  	s15 =	sadd.s32 $0x100, s12;
	s19 =	smov.u32 s12;
	p2 =	sgt.s32 s18, $0x7F  }
0x1e: {  	s19 =	smov.u32 @p2 s15  }
0x1f: {  	s21 =	smov.u32 s13;
	s15 =	sadd.s32 $0x2, s13;
	p3 =	sgt.s32 s19, $0xFF  }
0x20: {  	s21 =	smov.u32 @p3 s15  }
0x21: {  	s18 =	smov.u32 @p2 s8;
	p2 =	sgt.s32 s21, $0x1  }
0x22: {  	p1 =	slt.u32 s14, $0x2;
	s21 =	smov.u32 @p2 s3;
	p2 =	sne.s32 s14, s9  }
.Ltmp1:
0x23: {  	s20 =	simm.s32 @!p1 $0x2;
	(pc) =	sbr.rel @!p2 .LBB1_6-.Ltmp1, $4  }
0x24: {  	s16 =	smov.u32 s11;
	s17 =	smov.u32 s13;
	_ =	swait.ge @!p1 [sflag:s20], $0x4000  }
0x25: {  	p0 =	por !p0, !p0;
	[sflag:s20] =	ssyncset.done @!p1 $0x0;
	s11 =	smov.u32 s18  }
0x26: {  	s19 =	smov.u32 @p3 s4;
	s15 =	smov.u32 s12;
	[sflag:s20] =	ssyncadd.s32 @!p1 $0xFFFFC000  }
0x27: {  	s12 =	smov.u32 s19;
	s14 =	sadd.s32 $0x1, s14;
	s13 =	smov.u32 s21  }
.LBB1_1:
0x28: {  	p1 =	sge.u32 s14, s7;
	s31 =	sadd.s32 $0xFFFFFFFF, s14  }
0x29: {  	s18 =	sxor.u32 @!p1 $0xFFFFFFFF, s14;
	s19 =	sshll.u32 @!p1 s13, $0x13;
	s20 =	sshll.u32 @!p1 s12, $0xB  }
0x2a: {  	s21 =	sshll.u32 @!p1 s11, $0x4;
	s18 =	sshll.u32 @!p1 s18, $0xE;
	s19 =	sadd.s32 @!p1 s2, s19  }
0x2b: {  	s21 =	sand.u32 @!p1 $0x7F0, s21;
	s18 =	sand.u32 @!p1 $0x4000, s18;
	s19 =	sadd.s32 @!p1 s20, s19  }
0x2c: {  	s20 =	simm.s32 @!p1 $0x80;
	s19 =	sadd.s32 @!p1 s21, s19;
	s21 =	simm.s32 @!p1 $0x4000  }
0x2d: {  	[tilespmem:s18], [sflag:$0x1] =	stream.strided.gather @!p1 [hbm4b:s19+s20], $0x4000, s21, s20, $0x38;
	[tilespmem:$0x10100] =	vst v63  }
0x2e: {  	p1 =	sge.u32 s31, s7  }
.Ltmp2:
0x2f: {  	_ = 	snop;
	(pc) =	sbr.rel @p1 .LBB1_5-.Ltmp2, $1  }
0x30: {  	_ =	sdelay $0x3  }
0x31: {  	s18 =	simm.s32 $0x1  }
0x32: {  	_ =	swait.ge [sflag:s6], $0x4000;
	s18 =	simm.s32 @!p0 $0x0  }
0x33: {  	[sflag:s6] =	ssyncset.done $0x0;
	s19 =	sshll.u32 s18, $0xE  }
0x34: {  	[sflag:s6] =	ssyncadd.s32 $0xFFFFC000;
	s21 =	sor.u32 $0x40, s19  }
0x35: {  	s18 =	smul.u32 $0x10200, s18;
	v0 =	vld [tilespmem:s21+$0x30]  }
0x36: {  	v3 =	vld [tilespmem:s21+$0xFFFFFFD0]  }
0x37: {  	s18 =	sshrl.u32 s18, $0x2;
	v4 =	vld [tilespmem:s21+$0xFFFFFFE0]  }
0x38: {  	v5 =	vld [tilespmem:s21+$0xFFFFFFF0];
	s19 =	sor.u32 $0x8000, s18  }
0x39: {  	s31 =	sand.u32 $0x1, s14;
	v1 =	vld [tilespmem:s21+$0x0];
	s20 =	sadd.s32 $0x0, s19  }
0x3a: {  	v2 =	vld [tilespmem:s21+$0x10];
	s18 =	smul.u32 $0x10200, s31;
	[tilespmem:s20+$0x3870 ss:$0x81] =	vst.msk $0xffff, v0  }
0x3b: {  	[tilespmem:s20+$0x810 ss:$0x81] =	vst.msk $0xffff, v3;
	v3 =	vld [tilespmem:s21+$0x20]  }
0x3c: {  	s18 =	sshrl.u32 s18, $0x2;
	v0 =	vld [tilespmem:s21+$0xFFFFFFC0];
	[tilespmem:s20+$0x1020 ss:$0x81] =	vst.msk $0xffff, v4;
	s21 =	sadd.s32 $0x80, s21  }
0x3d: {  	s22 =	simm.s32 $0x4;
	s23 =	simm.s32 $0x8;
	s18 =	sor.u32 $0x8000, s18;
	[tilespmem:s20+$0x1830 ss:$0x81] =	vst.msk $0xffff, v5;
	v4 =	vld [tilespmem:s21+$0x30]  }
.LBB1_3:
0x3e: {  	p1 =	sne.s32 s23, $0x1FC;
	v5 =	vld [tilespmem:s21+$0xFFFFFFD0];
	[tilespmem:s20+$0x2040 ss:$0x81] =	vst.msk $0xffff, v1  }
0x3f: {  	v6 =	vld [tilespmem:s21+$0xFFFFFFE0];
	[tilespmem:s20+$0x2850 ss:$0x81] =	vst.msk $0xffff, v2  }
0x40: {  	s24 =	sshra.s32 s22, $0x2;
	s22 =	smov.u32 s23;
	v7 =	vld [tilespmem:s21+$0xFFFFFFF0];
	[tilespmem:s20+$0x3060 ss:$0x81] =	vst.msk $0xffff, v3  }
.Ltmp3:
0x41: {  	v1 =	vld [tilespmem:s21+$0x0];
	[tilespmem:s20+$0x0 ss:$0x81] =	vst.msk $0xffff, v0;
	s20 =	sadd.s32 s24, s19;
	(pc) =	sbr.rel @p1 .LBB1_3-.Ltmp3, $4  }
0x42: {  	v2 =	vld [tilespmem:s21+$0x10];
	[tilespmem:s20+$0x3870 ss:$0x81] =	vst.msk $0xffff, v4  }
0x43: {  	[tilespmem:s20+$0x810 ss:$0x81] =	vst.msk $0xffff, v5;
	v3 =	vld [tilespmem:s21+$0x20]  }
0x44: {  	v0 =	vld [tilespmem:s21+$0xFFFFFFC0];
	[tilespmem:s20+$0x1020 ss:$0x81] =	vst.msk $0xffff, v6;
	s21 =	sadd.s32 $0x80, s21  }
0x45: {  	s23 =	sadd.s32 $0x4, s23;
	v4 =	vld [tilespmem:s21+$0x30];
	[tilespmem:s20+$0x1830 ss:$0x81] =	vst.msk $0xffff, v7  }
.Ltmp4:
0x46: {  	_ = 	snop;
	(pc) =	sbr.rel .LBB1_4-.Ltmp4, $1  }
0x47: {  	_ =	sdelay $0x3  }
.LBB1_6:
0x48: {  	_ =	sfence.sel $0x180000  }
0x49: {  	s2 =	simm.s32 $0x1;
	[bflag:$0x0] =	sbarrier.arrive $0xFFFF  }
0x4a: {  	s31 =	simm.s32 $0x2;
	[sflag:s2] =	ssyncpa.u1 $0x1  }
0x4b: {  	[sflag:s31] =	ssyncpa.u1 $0x1  }
0x4c: {  	p0 =	sne.s32 s0, $0x0;
	_ =	strace $0x90000047  }
0x4d: {  	s0 =	sadd.s32 @!p0 $0x100000, s1;
	[bflag:$0x2] =	sbarrier.arrive $0xFFFF  }
0x4e: {  	[sflag:s0] =	ssyncadd.tile.s32 @!p0 $0x1;
	_ =	shalt  }
.Lfunc_end1:
_tile_overlayer_lowered:
.L_overlay_start_2:
0x4f: {  	(tag) =	ssettag $0x2  }
0x50: {  	s0 =	rddreg [dreg:$0x0];
	s2 =	stileid.u32  }
0x51: {  	s1 =	rddreg [dreg:$0x1];
	p0 =	sne.s32 s2, $0x0  }
0x52: {  	s3 =	rddreg [dreg:$0x2];
	[bflag:$0x3] =	sbarrier.arrive $0xFFFF;
	s2 =	simm.s32 @!p0 $0x1C01  }
0x53: {  	[timem:s3], [sflag:s2] =	dma.local @!p0 [hbm:s0], s1  }
0x54: {  	s0 =	simm.s32 @!p0 $0x1  }
0x55: {  	_ =	swait.ge @!p0 [sflag:s0], s1  }
0x56: {  	s1 =	ssub.s32 @!p0 $0x0, s1;
	[sflag:s0] =	ssyncset.done @!p0 $0x0  }
0x57: {  	[sflag:s0] =	ssyncadd.s32 @!p0 s1  }
0x58: {  	[bflag:$0x3] =	sbarrier.arrive $0xFFFF  }
0x59: {  	_ =	shalt  }

// kernel: sparse-core-data-format-call.cloned.1.call-start
scs
called_computation_lowered:
.L_overlay_start_0:
0x0: {  	s2 =	sld [smem:$0x3FD9]  }
0x1: {  	s3 =	sld [smem:$0x3FFE];
	_ =	sdelay $0x1  }
0x2: {  	s1 =	srdreg.scid  }
0x3: {  	s0 =	sand.u32 $0x1, s1  }
0x4: {  	s18 =	sshll.u32 s0, $0xA;
	s2 =	sadd.s32 s3, s2  }
0x5: {  	s2 =	sadd.s32 s2, s18  }
0x6: {  	[smem:$0x3FC2] =	sst s2  }
0x7: {  	_ = 	snop  }
0x8: {  	s2 =	sld [smem:$0x3FD0];
	(tm) =	ssettm $0x1  }
0x9: {  	s19 =	sld [smem:$0x3FFB];
	_ =	sdelay $0x3  }
0xa: {  	_ =	strace s19  }
0xb: {  	s3 =	sld [smem:$0x3FFC];
	_ =	sdelay $0x3  }
0xc: {  	_ =	strace s3  }
0xd: {  	s3 =	sld [smem:$0x3FFD];
	_ =	sdelay $0x3  }
0xe: {  	_ =	strace s3  }
0xf: {  	_ =	strace $0x8FFFFFFF  }
0x10: {  	s20 =	sld [smem:$0x3FDB];
	_ =	sdelay $0x1  }
0x11: {  	s4 =	simm.s32 $_scs_section_size  }
0x12: {  	s5 =	simm.s32 $_size__tile_overlayer_lowered;
	s6 =	simm.s32 $_tile_overlayer_lowered  }
0x13: {  	s23 =	simm.s32 $0x1BFF;
	s22 =	sshll.u32 s6, $0x1;
	s3 =	sadd.s32 s4, s20  }
0x14: {  	s7 =	simm.s32 $0x0;
	s21 =	sshll.u32 s5, $0x1;
	s5 =	sadd.s32 s22, s3  }
0x15: {  	[timem:s7], [sflag:s23] =	dma.local [hbm:s5], s21  }
0x16: {  	_ =	swait.ge [sflag:s23], s21  }
0x17: {  	s4 =	ssub.s32 $0x0, s21;
	[sflag:s23] =	ssyncset.done $0x0  }
0x18: {  	[sflag:s23] =	ssyncadd.s32 s4;
	_ =	sdelay $0x1  }
0x19: {  	s24 =	simm.s32 $0x1B8B  }
0x1a: {  	_ =	swait.ge [sflag:s24], $0x1  }
0x1b: {  	[sflag:s24] =	ssyncset.done $0x0  }
0x1c: {  	s26 =	simm.s32 $0x1B8E;
	s25 =	sld [smem:$0x3FFE];
	[sflag:s24] =	ssyncadd.s32 $0xFFFFFFFF  }
0x1d: {  	s27 =	simm.s32 $execute0_lowered;
	[smem:$0x3FD2] =	sst s26  }
0x1e: {  	s5 =	sshll.u32 s27, $0x1;
	_ =	strace $0x8000004C;
	[dreg:$0x1] =	wrdreg $0xFFFFFFFF  }
0x1f: {  	s28 =	simm.s32 $_size_execute0_lowered;
	s3 =	sadd.s32 s3, s5;
	[dreg:$0x0] =	wrdreg $0x0  }
0x20: {  	s5 =	sshll.u32 s28, $0x1;
	[dreg:$0x2] =	wrdreg s3  }
0x21: {  	[dreg:$0x3] =	wrdreg s5  }
0x22: {  	[dreg:$0x4] =	wrdreg $0xC0  }
0x23: {  	_ =	task [dreg:s7], $0x5FFFF  }
0x24: {  	[dreg:$0x1] =	wrdreg $0xFFFFFFFF  }
0x25: {  	[dreg:$0x0] =	wrdreg $0x60  }
0x26: {  	[dreg:$0x2] =	wrdreg s25  }
0x27: {  	[dreg:$0x3] =	wrdreg s2  }
0x28: {  	[dreg:$0x4] =	wrdreg $0x9  }
0x29: {  	_ =	task.clear_ibuf [dreg:s7], $0x5FFFF;
	_ =	strace $0x9000004C  }
0x2a: {  	s29 =	simm.s32 $0x9;
	_ =	strace $0x8000004E  }
0x2b: {  	_ =	swait.ge [sflag:s29], $0x1  }
0x2c: {  	[sflag:s29] =	ssyncadd.s32 $0xFFFFFFFF  }
0x2d: {  	_ =	strace $0x9000004E  }
0x2e: {  	_ =	sfence  }
0x2f: {  	s30 =	sld [smem:$0x0];
	_ =	sdelay $0x2  }
0x30: {  	s31 =	sshll.u32 s1, $0xD;
	s1 =	sshrl.u32 s1, $0x2  }
0x31: {  	s3 =	sand.u32 $0x4000, s31;
	s1 =	sadd.s32 s1, s30  }
0x32: {  	s0 =	sor.u32 s3, s0;
	s1 =	sshll.u32 s1, $0x11  }
0x33: {  	s0 =	sor.u32 s1, s0  }
0x34: {  	s0 =	sadd.s32 $0x8F2B, s0  }
0x35: {  	[sflag:s0] =	ssyncadd.remote.s32 $0x1  }
0x36: {  	_ =	sfence.sel $0xFFFF  }
0x37: {  	[dreg:$0x0] =	wrdreg $0xFFFFFFFF;
	(pc) =	sbr.abs _section_cstart, $3  }
0x38: {  	[dreg:$0x1] =	wrdreg $0xFFFFFFFF  }
0x39: {  	_ =	task.clear_ibuf [dreg:s7], $0x2FFFF;
	_ =	strace $0x9FFFFFFF  }
0x3a: {  	(tm) =	ssettm $0x7FFFFFFF  }
0x3b: {  	_ =	shalt  }
tec
execute0_lowered:
.L_overlay_start_1:
0x0: {  	(tag) =	ssettag $0x1  }
0x1: {  	s0 =	srdreg.scid  }
0x2: {  	s1 =	rddreg [dreg:$0x0];
	s6 =	stileid.u32  }
0x3: {  	_ =	strace $0x8000004D;
	s7 =	simm.s32 $0x19;
	s31 =	simm.s32 $0x2  }
0x4: {  	s20 =	simm.s32 $0x0;
	s12 =	simm.s32 $0x800;
	s13 =	simm.s32 $0x0  }
0x5: {  	s19 =	simm.s32 $0x0;
	s21 =	simm.s32 $0x0;
	s0 =	sshll.u32 s0, $0x7  }
0x6: {  	s14 =	simm.s32 $0x0;
	s15 =	simm.s32 $0x0;
	s3 =	sand.u32 $0x80, s0  }
0x7: {  	s18 =	simm.s32 $0x0;
	s4 =	sshrl.u32 s6, $0x3;
	s0 =	ssub.s32 $0x100, s3  }
0x8: {  	s30 =	sshll.u32 s6, $0x7;
	p0 =	seq.s32 s4, $0x0;
	s2 =	sshrl.u32 s0, $0x7  }
.Ltmp0:
0x9: {  	s0 =	sshrl.u32 s0, $0x8;
	s2 =	sand.u32 $0x1, s2;
	(pc) =	sbr.rel .LBB1_1-.Ltmp0, $4  }
0xa: {  	s6 =	simm.s32 $0x1;
	s7 =	simm.s32 @!p0 $0x18;
	s0 =	sadd.s32 s0, s2  }
0xb: {  	s5 =	sadd.s32 $0x2E00, s1;
	[sflag:s6] =	ssyncpa.u1 $0x0;
	s7 =	smul.u32 s7, s0  }
0xc: {  	s8 =	sand.u32 $0x380, s30;
	s16 =	smov.u32 s4;
	[sflag:s31] =	ssyncpa.u1 $0x0  }
0xd: {  	s9 =	sshll.u32 s3, $0x3;
	s17 =	smov.u32 s8;
	s10 =	sadd.s32 $0x1, s7  }
.LBB1_9:
0xe: {  	s0 =	sshll.u32 s15, $0x8  }
0xf: {  	s1 =	sshll.u32 s21, $0x3;
	s2 =	sshll.u32 s15, $0x7;
	s0 =	sand.u32 $0xFFFFF800, s0  }
0x10: {  	s24 =	sand.u32 $0x300, s2;
	s0 =	sor.u32 s0, s1  }
0x11: {  	p0 =	sgt.s32 s14, $0x30;
	s0 =	sor.u32 s24, s0  }
0x12: {  	s26 =	smul.u32 $0x7D00, s14;
	s1 =	smov.u32 s14;
	s0 =	sshrl.u32 s0, $0x8  }
0x13: {  	s1 =	simm.s32 @!p0 $0x30;
	s25 =	smulhi.u32 $0x83126F, s0  }
0x14: {  	s27 =	sshll.u32 s15, $0x4;
	s28 =	sshll.u32 s18, $0xE;
	s1 =	sadd.s32 s22, s1  }
0x15: {  	s29 =	rddreg [dreg:$0x1];
	s11 =	sadd.s32 $0xFFFFFFD0, s1;
	s2 =	sshrl.u32 s25, $0x1  }
0x16: {  	s1 =	ssub.s32 $0x31, s1;
	p0 =	sgt.s32 s11, $0x0;
	s2 =	smul.u32 $0x3E8, s2  }
0x17: {  	s31 =	simm.s32 $0x400;
	s11 =	sadd.s32 s29, s26;
	s1 =	simm.s32 @p0 $0x0  }
0x18: {  	s1 =	smul.u32 s1, s23;
	s0 =	ssub.s32 s0, s2;
	s2 =	sand.u32 $0x10, s27  }
0x19: {  	s21 =	sand.u32 $0x4000, s28;
	s0 =	sshll.u32 s0, $0x5;
	s2 =	sadd.s32 s2, s11  }
0x1a: {  	s30 =	sor.u32 $0x8000, s21;
	s1 =	sand.u32 $0x3FFFFF80, s1;
	s0 =	sadd.s32 s0, s2  }
0x1b: {  	[hbm4b:s0+s31] =	stream.strided.scatter [tilespmem:s30], [sflag:$0x2], s1, s12, s31, $0x38;
	[tilespmem:$0x10000] =	vst v63  }
.LBB1_10:
0x1c: {  	p0 =	slt.u32 s18, $0x2  }
0x1d: {  	p1 =	sgt.s32 @!p0 s20, $0x30  }
0x1e: {  	s0 =	smov.u32 s20;
	s2 =	smov.u32 s19;
	p1 =	por !p1, p0  }
0x1f: {  	s1 =	sshra.s32 @!p0 s20, $0x1F;
	s0 =	simm.s32 @p1 $0x30;
	p1 =	sgt.s32 @!p0 s19, $0x368  }
0x20: {  	s11 =	sshra.s32 @!p0 s19, $0x1F;
	s1 =	sand.u32 @!p0 s1, s20;
	p1 =	por !p1, p0  }
0x21: {  	s0 =	ssub.s32 @!p0 s0, s1;
	s1 =	sand.u32 @!p0 s11, s19;
	s2 =	simm.s32 @p1 $0x368  }
0x22: {  	s1 =	ssub.s32 @!p0 s2, s1  }
0x23: {  	s11 =	sadd.s32 @!p0 $0xFFFFFFD0, s0;
	s0 =	ssub.s32 @!p0 $0x31, s0;
	s1 =	sadd.s32 @!p0 $0xFFFFFC98, s1  }
0x24: {  	p1 =	sgt.s32 @!p0 s11, $0x0;
	p2 =	sgt.s32 @!p0 s1, $0x7F;
	s1 =	sshll.u32 @!p0 s1, $0x7  }
0x25: {  	p1 =	por !p1, p0;
	s1 =	ssub.s32 @!p0 $0x4000, s1;
	p2 =	por !p2, p0  }
0x26: {  	s0 =	simm.s32 @!p1 $0x0;
	s1 =	simm.s32 @!p2 $0x0  }
0x27: {  	s0 =	smul.u32 @!p0 s0, s1;
	s1 =	sadd.s32 $0x2, s16  }
0x28: {  	s22 =	smov.u32 s17;
	s11 =	sadd.s32 $0x400, s17;
	p1 =	sgt.s32 s1, $0x30  }
0x29: {  	s22 =	smov.u32 @p1 s11  }
0x2a: {  	s1 =	smov.u32 @p1 s4;
	p1 =	sgt.s32 s22, $0x3E7  }
0x2b: {  	s13 =	sadd.s32 $0x4000, s13;
	s22 =	smov.u32 @p1 s8;
	p1 =	sne.s32 s18, s10  }
.Ltmp1:
0x2c: {  	s21 =	smov.u32 s3;
	s20 =	smov.u32 s14;
	(pc) =	sbr.rel @!p1 .LBB1_11-.Ltmp1, $4  }
0x2d: {  	s14 =	smov.u32 s16;
	s2 =	simm.s32 @!p0 $0x2;
	s0 =	sand.u32 @!p0 $0x3FFFFF80, s0  }
0x2e: {  	s19 =	smov.u32 s15;
	s15 =	smov.u32 s17;
	_ =	swait.ge @!p0 [sflag:s2], s0  }
0x2f: {  	s0 =	ssub.s32 @!p0 $0x0, s0;
	s16 =	smov.u32 s1;
	[sflag:s2] =	ssyncset.done @!p0 $0x0  }
0x30: {  	s18 =	sadd.s32 $0x1, s18;
	[sflag:s2] =	ssyncadd.s32 @!p0 s0;
	s17 =	smov.u32 s22  }
.LBB1_1:
0x31: {  	p0 =	sge.u32 s18, s7;
	s11 =	smov.u32 s17;
	s31 =	sadd.s32 $0xFFFFFFFF, s18  }
0x32: {  	s0 =	sshll.u32 @!p0 s16, $0x8;
	s1 =	sshll.u32 @!p0 s16, $0x7;
	p1 =	sgt.s32 @!p0 s17, $0x368  }
0x33: {  	p2 =	sgt.s32 @!p0 s16, $0x37;
	s2 =	sshra.s32 @!p0 s16, $0x1F;
	s22 =	sshra.s32 @!p0 s17, $0x1F  }
0x34: {  	s0 =	sand.u32 @!p0 $0xFFFFF800, s0;
	s1 =	sand.u32 @!p0 $0x300, s1;
	p1 =	por !p1, p0  }
0x35: {  	p2 =	por !p2, p0;
	s22 =	sand.u32 @!p0 s22, s17;
	s0 =	sor.u32 @!p0 s9, s0  }
0x36: {  	s11 =	simm.s32 @p1 $0x368;
	s0 =	sor.u32 @!p0 s1, s0;
	s1 =	smov.u32 s16  }
0x37: {  	s2 =	sand.u32 @!p0 s2, s16;
	s11 =	ssub.s32 @!p0 s11, s22;
	s1 =	simm.s32 @p2 $0x37  }
0x38: {  	s0 =	sshrl.u32 @!p0 s0, $0x8;
	s11 =	sadd.s32 @!p0 $0xFFFFFC98, s11;
	s1 =	ssub.s32 @!p0 s1, s2  }
0x39: {  	s2 =	smulhi.u32 @!p0 $0x4924925, s0;
	p2 =	sgt.s32 @!p0 s11, $0x7F;
	s22 =	sadd.s32 @!p0 $0xFFFFFFC9, s1  }
0x3a: {  	s11 =	sshll.u32 @!p0 s11, $0x7;
	s1 =	ssub.s32 @!p0 $0x38, s1;
	p1 =	sgt.s32 @!p0 s22, $0x0  }
0x3b: {  	s11 =	ssub.s32 @!p0 $0x4000, s11;
	s2 =	smul.u32 @!p0 $0x38, s2;
	p1 =	por !p1, p0  }
0x3c: {  	s22 =	sxor.u32 @!p0 $0xFFFFFFFF, s18;
	s1 =	simm.s32 @!p1 $0x0;
	p1 =	por !p2, p0  }
0x3d: {  	s0 =	ssub.s32 @!p0 s0, s2;
	s2 =	smul.u32 @!p0 $0x700, s17;
	s11 =	simm.s32 @!p1 $0x0  }
0x3e: {  	s22 =	sshll.u32 @!p0 s22, $0xE;
	s1 =	smul.u32 @!p0 s1, s11;
	s11 =	sshll.u32 @!p0 s16, $0x4  }
0x3f: {  	s22 =	sand.u32 @!p0 $0x4000, s22;
	s2 =	sadd.s32 @!p0 s5, s2;
	s11 =	sand.u32 @!p0 $0x10, s11  }
0x40: {  	s0 =	sshll.u32 @!p0 s0, $0x5;
	s1 =	sand.u32 @!p0 $0x3FFFFF80, s1;
	s2 =	sadd.s32 @!p0 s11, s2  }
0x41: {  	s11 =	simm.s32 @!p0 $0x3800;
	s0 =	sadd.s32 @!p0 s0, s2;
	s2 =	simm.s32 @!p0 $0x80  }
0x42: {  	[tilespmem:s22], [sflag:$0x1] =	stream.strided.gather @!p0 [hbm4b:s0+s2], s1, s11, s2, $0x38;
	[tilespmem:$0x10000] =	vst v63  }
0x43: {  	p0 =	sge.u32 s31, s7  }
.Ltmp2:
0x44: {  	_ = 	snop;
	(pc) =	sbr.rel @p0 .LBB1_10-.Ltmp2, $1  }
0x45: {  	_ =	sdelay $0x3  }
0x46: {  	p0 =	sgt.s32 s15, $0x368;
	s0 =	smov.u32 s15;
	s1 =	sshra.s32 s15, $0x1F  }
0x47: {  	s2 =	ssub.s32 $0x0, s14;
	s0 =	simm.s32 @!p0 $0x368;
	s1 =	sand.u32 s1, s15  }
0x48: {  	s11 =	sshra.s32 s14, $0x1F;
	s23 =	smov.u32 s14;
	s0 =	ssub.s32 s0, s1  }
0x49: {  	p0 =	sgt.s32 s14, $0x37;
	s22 =	sand.u32 s2, s11;
	s0 =	sadd.s32 $0xFFFFFC98, s0  }
0x4a: {  	s23 =	simm.s32 @!p0 $0x37;
	p0 =	sgt.s32 s0, $0x7F;
	s0 =	sshll.u32 s0, $0x7  }
0x4b: {  	s29 =	sadd.s32 s22, s23;
	s23 =	ssub.s32 $0x4000, s0;
	s0 =	sadd.s32 $0x80, s15  }
0x4c: {  	s2 =	sadd.s32 $0x1, s14;
	s23 =	simm.s32 @p0 $0x0;
	p0 =	slt.s32 s0, $0x3E8  }
0x4d: {  	s30 =	sadd.s32 $0xFFFFFFC9, s29;
	s0 =	simm.s32 @!p0 $0x3E8;
	p0 =	slt.s32 s2, $0x31  }
0x4e: {  	s1 =	ssub.s32 $0x38, s29;
	s24 =	ssub.s32 s0, s15;
	s2 =	simm.s32 @!p0 $0x31  }
0x4f: {  	p1 =	sgt.s32 s30, $0x0;
	s25 =	ssub.s32 s2, s14;
	p0 =	slt.s32 s24, $0x1  }
0x50: {  	s1 =	simm.s32 @p1 $0x0;
	p1 =	slt.s32 @!p0 s25, $0x1  }
0x51: {  	s1 =	smul.u32 s1, s23;
	p0 =	por p0, p1  }
.Ltmp3:
0x52: {  	_ = 	snop;
	(pc) =	sbr.rel @p0 .LBB1_9-.Ltmp3, $4  }
0x53: {  	s31 =	sand.u32 $0x3FFFFF80, s1  }
0x54: {  	_ =	swait.ge [sflag:s6], s31  }
0x55: {  	s0 =	ssub.s32 $0x0, s31;
	[sflag:s6] =	ssyncset.done $0x0  }
0x56: {  	[sflag:s6] =	ssyncadd.s32 s0  }
0x57: {  	s0 =	sshll.u32 s13, $0x2  }
0x58: {  	s0 =	sand.u32 $0x10000, s0  }
0x59: {  	s26 =	sshrl.u32 s0, $0x2  }
0x5a: {  	s28 =	simm.s32 $0x0;
	s29 =	simm.s32 $0x0;
	s27 =	sor.u32 $0x8000, s26  }
.LBB1_4:
0x5b: {  	s0 =	sand.u32 $0x3F80, s28  }
0x5c: {  	s31 =	simm.s32 $0x0;
	s11 =	sadd.s32 s0, s27;
	s0 =	simm.s32 $0x0  }
.LBB1_5:
0x5d: {  	s1 =	sand.u32 $0x7, s31  }
0x5e: {  	s1 =	sadd.s32 s1, s29  }
0x5f: {  	s1 =	sshll.u32 s1, $0x9  }
0x60: {  	s1 =	sshra.s32 s1, $0x2  }
0x61: {  	s2 =	simm.s32 $0xFFFFFFF0;
	s30 =	smov.u32 s11;
	s1 =	sadd.s32 s1, s26  }
.LBB1_6:
0x62: {  	s2 =	sadd.s32 $0x10, s2  }
0x63: {  	v0 =	vld [tilespmem:s1+$0x0];
	p0 =	slt.u32 s2, $0x70  }
.Ltmp4:
0x64: {  	_ = 	snop;
	(pc) =	sbr.rel @p0 .LBB1_6-.Ltmp4, $2  }
0x65: {  	_ =	sdelay $0x2  }
0x66: {  	s1 =	sadd.s32 $0x10, s1;
	[tilespmem:s30+$0x0] =	vst v0;
	s30 =	sadd.s32 $0x10, s30  }
0x67: {  	s0 =	sadd.s32 $0x1, s0  }
0x68: {  	p0 =	sne.s32 s0, s25  }
.Ltmp5:
0x69: {  	_ = 	snop;
	(pc) =	sbr.rel @p0 .LBB1_5-.Ltmp5, $2  }
0x6a: {  	_ =	sdelay $0x2  }
0x6b: {  	s11 =	sadd.s32 $0x4000, s11;
	s31 =	sadd.s32 $0x1, s31  }
0x6c: {  	s29 =	sadd.s32 $0x1, s29  }
0x6d: {  	p0 =	sne.s32 s29, s24  }
.Ltmp6:
0x6e: {  	_ = 	snop;
	(pc) =	sbr.rel @p0 .LBB1_4-.Ltmp6, $4  }
.Ltmp7:
0x6f: {  	_ = 	snop;
	(pc) =	sbr.rel @!p0 .LBB1_9-.Ltmp7, $4  }
0x70: {  	_ = 	snop  }
0x71: {  	_ = 	snop  }
0x72: {  	s28 =	sadd.s32 $0x80, s28  }
0x73: {  	_ = 	snop  }
.LBB1_11:
0x74: {  	_ =	sfence.sel $0x180000  }
0x75: {  	s0 =	simm.s32 $0x1;
	[bflag:$0x0] =	sbarrier.arrive $0xFFFF  }
0x76: {  	s30 =	simm.s32 $0x2;
	[sflag:s0] =	ssyncpa.u1 $0x1  }
0x77: {  	[sflag:s30] =	ssyncpa.u1 $0x1  }
0x78: {  	_ =	strace $0x9000004D  }
0x79: {  	s31 =	stileid.u32;
	[bflag:$0x2] =	sbarrier.arrive $0xFFFF  }
0x7a: {  	p0 =	sne.s32 s31, $0x0;
	s0 =	rddreg [dreg:$0x2]  }
0x7b: {  	s0 =	sadd.s32 @!p0 $0x100000, s0  }
0x7c: {  	[sflag:s0] =	ssyncadd.tile.s32 @!p0 $0x1;
	_ =	shalt  }
.Lfunc_end1:
_tile_overlayer_lowered:
.L_overlay_start_2:
0x7d: {  	(tag) =	ssettag $0x2  }
0x7e: {  	s0 =	rddreg [dreg:$0x0];
	s2 =	stileid.u32  }
0x7f: {  	s1 =	rddreg [dreg:$0x1];
	p0 =	sne.s32 s2, $0x0  }
0x80: {  	s3 =	rddreg [dreg:$0x2];
	[bflag:$0x3] =	sbarrier.arrive $0xFFFF;
	s2 =	simm.s32 @!p0 $0x1C01  }
0x81: {  	[timem:s3], [sflag:s2] =	dma.local @!p0 [hbm:s0], s1  }
0x82: {  	s0 =	simm.s32 @!p0 $0x1  }
0x83: {  	_ =	swait.ge @!p0 [sflag:s0], s1  }
0x84: {  	s1 =	ssub.s32 @!p0 $0x0, s1;
	[sflag:s0] =	ssyncset.done @!p0 $0x0  }
0x85: {  	[sflag:s0] =	ssyncadd.s32 @!p0 s1  }
0x86: {  	[bflag:$0x3] =	sbarrier.arrive $0xFFFF  }
0x87: {  	_ =	shalt  }

</sc_bundles>
